<compile_context>
chip_gen: v7x
topology: tpu7x:2x2x1
jax: 0.10.2.dev20260603
libtpu: 0.0.44.dev20260713+nightly
codegen_flags: <defaults>
</compile_context>

<pallas_src>
import functools

import jax
import jax.numpy as jnp
from jax import lax
from jax.experimental import pallas as pl
from jax.experimental.pallas import tpu as pltpu
from jax.experimental.pallas import tpu_sc as plsc

F32 = jnp.float32
I32 = jnp.int32

_NC = 2
_NS = 16
_NW = _NC * _NS




def _fps_body(C, npoint, R, N, x_ref, o_ref, *dist_refs):
    for c in range(C):
        dist_refs[c][...] = jnp.full((R, 128), 1e10, F32)
    lane = lax.broadcasted_iota(I32, (1, 128), 1)

    def body(step, fars):
        flat = (lax.broadcasted_iota(I32, (R, 128), 0) * 128
                + lax.broadcasted_iota(I32, (R, 128), 1))
        new_fars = []
        for c in range(C):
            far = fars[c]
            r = far // 128
            col = far % 128
            lsel = lane == col
            rx = x_ref[c, 0, pl.ds(r, 1), :]
            ry = x_ref[c, 1, pl.ds(r, 1), :]
            rz = x_ref[c, 2, pl.ds(r, 1), :]
            cx = jnp.sum(jnp.where(lsel, rx, 0.0))
            cy = jnp.sum(jnp.where(lsel, ry, 0.0))
            cz = jnp.sum(jnp.where(lsel, rz, 0.0))
            o_ref[c, 0, step] = cx
            o_ref[c, 1, step] = cy
            o_ref[c, 2, step] = cz
            dx = x_ref[c, 0] - cx
            dy = x_ref[c, 1] - cy
            dz = x_ref[c, 2] - cz
            d = (dx * dx + dz * dz) + dy * dy
            nd = jnp.minimum(dist_refs[c][...], d)
            dist_refs[c][...] = nd
            m = jnp.max(nd)
            new_fars.append(jnp.min(jnp.where(nd == m, flat, N)))
        return tuple(new_fars)

    lax.fori_loop(0, npoint, body, (jnp.int32(0),) * C)


def _fps_pallas(xyz4, npoint, interpret=False):
    C, _, N = xyz4.shape
    R = N // 128
    xr = xyz4.reshape(C, 3, R, 128)
    out = pl.pallas_call(
        functools.partial(_fps_body, C, npoint, R, N),
        grid=(1,),
        in_specs=[pl.BlockSpec((C, 3, R, 128), lambda g: (0, 0, 0, 0))],
        out_specs=pl.BlockSpec((C, 3, npoint), lambda g: (0, 0, 0),
                               memory_space=pltpu.SMEM),
        out_shape=jax.ShapeDtypeStruct((C, 3, npoint), F32),
        scratch_shapes=[pltpu.VMEM((R, 128), F32) for _ in range(C)],
        interpret=interpret,
    )(xr)
    return out




def _bq_body(N, parts, r2, x_ref, c_ref, o_ref):
    cloud = pl.program_id(0) // parts
    X = x_ref[0, 0].reshape(1, N)
    Y = x_ref[0, 1].reshape(1, N)
    Z = x_ref[0, 2].reshape(1, N)
    cx = c_ref[0][:, 0:1]
    cy = c_ref[0][:, 1:2]
    cz = c_ref[0][:, 2:3]
    dx = X - cx
    dy = Y - cy
    dz = Z - cz
    dsq = (dx * dx + dz * dz) + dy * dy
    idx = lax.broadcasted_iota(I32, (1, N), 1)
    M = jnp.where(dsq <= r2, idx, N)
    mins = []
    for _ in range(16):
        mn = jnp.min(M, axis=1, keepdims=True)
        mins.append(mn)
        M = jnp.where(M == mn, N, M)
    first = mins[0]
    sel = [first] + [jnp.where(m == N, first, m) for m in mins[1:]]
    o_ref[0] = jnp.concatenate(sel, axis=1) + cloud * N


def _ball_query_tc(xyzT, nxr, radius, S=1024, interpret=False):
    C, _, N = xyzT.shape
    parts = S // 128
    r2 = radius * radius
    out = pl.pallas_call(
        functools.partial(_bq_body, N, parts, r2),
        grid=(C * parts,),
        in_specs=[
            pl.BlockSpec((1, 3, N), lambda g, parts=parts: (g // parts, 0, 0)),
            pl.BlockSpec((1, 128, 3), lambda g, parts=parts:
                         (g // parts, g % parts, 0)),
        ],
        out_specs=pl.BlockSpec((1, 128, 16), lambda g, parts=parts:
                               (g // parts, g % parts, 0)),
        out_shape=jax.ShapeDtypeStruct((C, S, 16), I32),
        interpret=interpret,
    )(xyzT, nxr.reshape(C, S, 3))
    return out




def _gather_rows_sc(table, gi, D):
    B = gi.shape[0]
    blk_per_w = B // (_NW * 128)
    gi2 = gi.reshape(B // 128, 128)
    mesh = plsc.VectorSubcoreMesh(core_axis_name="c", subcore_axis_name="s")

    @functools.partial(
        pl.kernel, mesh=mesh,
        out_type=jax.ShapeDtypeStruct((B, D), F32),
        scratch_types=[
            pltpu.VMEM((blk_per_w, 128), I32),
            pltpu.VMEM((128, D), F32),
            pltpu.SemaphoreType.DMA,
        ],
    )
    def g(tab_hbm, gi_hbm, out_hbm, gi_v, rows_v, sem):
        cid = lax.axis_index("c")
        sid = lax.axis_index("s")
        wid = sid * _NC + cid
        rowblk = wid * blk_per_w
        pltpu.sync_copy(gi_hbm.at[pl.ds(rowblk, blk_per_w)], gi_v)

        def chunk(j, _):
            pltpu.async_copy(tab_hbm.at[gi_v.at[j]], rows_v, sem).wait()
            pltpu.sync_copy(rows_v, out_hbm.at[pl.ds((rowblk + j) * 128, 128)])
            return 0

        lax.fori_loop(0, blk_per_w, chunk, 0)

    return g(table, gi2)




def _dot(a, b):
    return lax.dot_general(a, b, (((1,), (0,)), ((), ())),
                           precision=lax.Precision.DEFAULT,
                           preferred_element_type=F32)


def _mlp_body(cout, x_ref, c_ref, w1_ref, w1a_ref, b1_ref, w2_ref, b2_ref,
              w3_ref, b3_ref, o_ref):
    ch1 = w1_ref.shape[-1]
    D = x_ref.shape[-1]
    Cpad = jnp.concatenate([c_ref[0], jnp.zeros((128, D - 3), F32)], axis=1)
    Xr = (x_ref[0].reshape(128, 16, D) - Cpad[:, None, :]).reshape(2048, D)
    h = jnp.maximum(_dot(Xr, w1_ref[0]) + b1_ref[0], 0.0)
    h = jnp.maximum(_dot(h, w2_ref[0]) + b2_ref[0], 0.0)
    h = jnp.maximum(_dot(h, w3_ref[0]) + b3_ref[0], 0.0)
    o_ref[0] = jnp.max(h.reshape(128, 16, cout), axis=1)


def _mlp_pallas(Xg, Cb, w1, w1a, b1, w2, b2, w3, b3, cout):
    D = Xg.shape[-1]
    ch1 = w1.shape[-1]
    ch2 = w2.shape[-1]
    out = pl.pallas_call(
        functools.partial(_mlp_body, cout),
        grid=(32,),
        in_specs=[
            pl.BlockSpec((1, 2048, D), lambda g: (g, 0, 0)),
            pl.BlockSpec((1, 128, 3), lambda g: (g, 0, 0)),
            pl.BlockSpec((1, D, ch1), lambda g: (g // 16, 0, 0)),
            pl.BlockSpec((1, 3, ch1), lambda g: (g // 16, 0, 0)),
            pl.BlockSpec((1, 1, ch1), lambda g: (g // 16, 0, 0)),
            pl.BlockSpec((1, ch1, ch2), lambda g: (g // 16, 0, 0)),
            pl.BlockSpec((1, 1, ch2), lambda g: (g // 16, 0, 0)),
            pl.BlockSpec((1, ch2, cout), lambda g: (g // 16, 0, 0)),
            pl.BlockSpec((1, 1, cout), lambda g: (g // 16, 0, 0)),
        ],
        out_specs=pl.BlockSpec((1, 128, cout), lambda g: (g, 0, 0)),
        out_shape=jax.ShapeDtypeStruct((32, 128, cout), F32),
    )(Xg, Cb, w1, w1a, b1, w2, b2, w3, b3)
    return out


def _stack2(a, b):
    return jnp.stack([a, b])


def _prep_params(p_f1, p_f2, D, nrel):
    def w1full(p):
        W = p[0][0]
        pad = jnp.zeros((D - W.shape[0], W.shape[1]), F32)
        return jnp.concatenate([W, pad], axis=0)
    w1 = _stack2(w1full(p_f1), w1full(p_f2))
    w1a = _stack2(p_f1[0][0][0:nrel], p_f2[0][0][0:nrel])
    b1 = _stack2(p_f1[0][1], p_f2[0][1])[:, None, :]
    w2 = _stack2(p_f1[1][0], p_f2[1][0])
    b2 = _stack2(p_f1[1][1], p_f2[1][1])[:, None, :]
    w3 = _stack2(p_f1[2][0], p_f2[2][0])
    b3 = _stack2(p_f1[2][1], p_f2[2][1])[:, None, :]
    return w1, w1a, b1, w2, b2, w3, b3


def kernel(l0_xyz_f1, l0_xyz_f2, params_sa1_f1, params_sa2_f1, params_sa1_f2, params_sa2_f2):
    xyz = jnp.concatenate([l0_xyz_f1, l0_xyz_f2], axis=0)
    xyzT = jnp.transpose(xyz, (0, 2, 1))

    nx1T = _fps_pallas(xyzT, 1024)
    nxr1 = jnp.transpose(nx1T, (0, 2, 1))
    gi1 = _ball_query_tc(xyzT, nxr1, 0.5).reshape(65536)
    tab1 = jnp.concatenate(
        [xyz.reshape(4 * 16384, 3), jnp.zeros((4 * 16384, 125), F32)], axis=1)
    Xg1 = _gather_rows_sc(tab1, gi1, 128).reshape(32, 2048, 128)
    Cb1 = nxr1.reshape(32, 128, 3)
    w1, w1a, b1, w2, b2, w3, b3 = _prep_params(params_sa1_f1, params_sa1_f2,
                                               128, 3)
    l1p = _mlp_pallas(Xg1, Cb1, w1, w1a, b1, w2, b2, w3, b3, 64)
    l1p = l1p.reshape(4, 1024, 64)

    nx2T = _fps_pallas(nx1T, 1024)
    nxr2 = jnp.transpose(nx2T, (0, 2, 1))
    gi2 = _ball_query_tc(nx1T, nxr2, 1.0).reshape(65536)
    tab2 = jnp.concatenate(
        [nxr1.reshape(4096, 3), l1p.reshape(4096, 64),
         jnp.zeros((4096, 61), F32)],
        axis=1)
    Xg2 = _gather_rows_sc(tab2, gi2, 128).reshape(32, 2048, 128)
    Cb2 = nxr2.reshape(32, 128, 3)
    w1_, w1a_, b1_, w2_, b2_, w3_, b3_ = _prep_params(
        params_sa2_f1, params_sa2_f2, 128, 3)
    l2p = _mlp_pallas(Xg2, Cb2, w1_, w1a_, b1_, w2_, b2_, w3_, b3_, 128)
    l2p = l2p.reshape(4, 1024, 128)

    new_xyz2 = nxr2
    return (new_xyz2[0:2], l2p[0:2], new_xyz2[2:4], l2p[2:4])

# --- scband reference (transcript-rebuilt; emitter-appended) ---
"""Pipeline reference for scband-flow-net3-d-40415642255754 (READ-ONLY COPY).

The authoritative reference and input builder live on the scoring server;
editing this copy changes nothing except your own understanding.
"""

import jax, jax.numpy as jnp
import numpy as np


def init_mlp(key, dims):
    params = []
    keys = jax.random.split(key, len(dims) - 1)
    for i in range(len(dims) - 1):
        W = jax.random.normal(keys[i], (dims[i], dims[i + 1]), dtype=jnp.float32) * (1.0 / np.sqrt(dims[i]))
        b = jnp.zeros((dims[i + 1],), dtype=jnp.float32)
        params.append((W, b))
    return params


def setup_inputs(seed: int = 0) -> dict:
    key = jax.random.key(seed)
    k1, k2, ka, kb, kc, kd = jax.random.split(key, 6)
    B, N = 2, 16384
    xyz1 = jax.random.uniform(k1, (B, N, 3), dtype=jnp.float32, minval=-10.0, maxval=10.0)
    xyz2 = jax.random.uniform(k2, (B, N, 3), dtype=jnp.float32, minval=-10.0, maxval=10.0)
    return {
        'l0_xyz_f1': xyz1,
        'l0_xyz_f2': xyz2,
        'params_sa1_f1': init_mlp(ka, [3, 32, 32, 64]),
        'params_sa2_f1': init_mlp(kb, [67, 64, 64, 128]),
        'params_sa1_f2': init_mlp(kc, [3, 32, 32, 64]),
        'params_sa2_f2': init_mlp(kd, [67, 64, 64, 128]),
    }


def fps(xyz, npoint):
    # farthest point sampling over a single cloud xyz [N, 3]
    N = xyz.shape[0]

    def body(carry, _):
        dist, farthest = carry
        centroid = xyz[farthest]
        d = jnp.sum((xyz - centroid) ** 2, axis=-1)
        dist = jnp.minimum(dist, d)
        nxt = jnp.argmax(dist).astype(jnp.int32)
        return (dist, nxt), farthest

    init = (jnp.full((N,), 1e10, dtype=jnp.float32), jnp.array(0, dtype=jnp.int32))
    _, idx = jax.lax.scan(body, init, None, length=npoint)
    return idx


def ball_group(xyz, new_xyz, radius, k):
    # xyz [N,3], new_xyz [S,3] -> neighbor indices [S,k]
    N = xyz.shape[0]
    sqr = jnp.sum((new_xyz[:, None, :] - xyz[None, :, :]) ** 2, axis=-1)
    idx = jnp.where(sqr > radius * radius, N, jnp.arange(N, dtype=jnp.int32)[None, :])
    idx = jnp.sort(idx, axis=-1)[:, :k]
    first = idx[:, :1]
    idx = jnp.where(idx == N, first, idx)
    return jnp.minimum(idx, N - 1)


def set_abstraction(xyz, points, params, npoint, radius, k):
    fidx = fps(xyz, npoint)
    new_xyz = xyz[fidx]
    gidx = ball_group(xyz, new_xyz, radius, k)
    grouped = xyz[gidx] - new_xyz[:, None, :]
    if points is not None:
        grouped = jnp.concatenate([grouped, points[gidx]], axis=-1)
    h = grouped
    for W, b in params:
        h = jax.nn.relu(h @ W + b)
    new_points = jnp.max(h, axis=1)
    return new_xyz, new_points


def _frame(xyz, p1, p2):
    l1_xyz, l1_points = set_abstraction(xyz, None, p1, 1024, 0.5, 16)
    l2_xyz, l2_points = set_abstraction(l1_xyz, l1_points, p2, 1024, 1.0, 16)
    return l2_xyz, l2_points


def reference(l0_xyz_f1, l0_xyz_f2, params_sa1_f1, params_sa2_f1, params_sa1_f2, params_sa2_f2):
    f1x, f1p = jax.vmap(lambda x: _frame(x, params_sa1_f1, params_sa2_f1))(l0_xyz_f1)
    f2x, f2p = jax.vmap(lambda x: _frame(x, params_sa1_f2, params_sa2_f2))(l0_xyz_f2)
    return (f1x, f1p, f2x, f2p)

if __name__ == "__main__":
    import jax
    _d = setup_inputs()
    print(jax.jit(kernel)(*tuple(_d.values())))

</pallas_src>

<mosaic_0001>
#map = affine_map<(d0, d1) -> (0, 0)>
module attributes {stable_mosaic.version = 14 : i64} {
  func.func @g(%arg0: i32, %arg1: i32, %arg2: memref<65536x128xf32, #tpu.memory_space<hbm>>, %arg3: memref<512x128xi32, #tpu.memory_space<hbm>>, %arg4: memref<65536x128xf32, #tpu.memory_space<hbm>>, %arg5: memref<16x128xi32, #tpu.memory_space<vmem>>, %arg6: memref<128x128xf32, #tpu.memory_space<vmem>>, %arg7: memref<!tpu.dma_semaphore, #tpu.memory_space<semaphore_mem>>) attributes {dimension_semantics = [#tpu.dimension_semantics<core_parallel>, #tpu.dimension_semantics<subcore_parallel>], iteration_bounds = array<i64: 2, 16>, scalar_prefetch = 0 : i64, scratch_operands = 3 : i64, tpu.core_type = #tpu.core_type<sc_vector_subcore>, window_params = [{transform_indices = #map}, {transform_indices = #map}, {transform_indices = #map}]} {
    %mul3A = arith.constant 2 : i32
    %mul3A_0 = arith.muli %arg1, %mul3A : i32
    %add3A = arith.addi %mul3A_0, %arg0 : i32
    %mul3A_1 = arith.constant 16 : i32
    %mul3A_2 = arith.muli %add3A, %mul3A_1 : i32
    "tpu.region"() ({
      %run_scoped3A = tpu.sem_alloc : memref<!tpu.dma_semaphore, #tpu.memory_space<semaphore_mem>>
      %dma_start3A = arith.constant 0 : i32
      %dma_start3A_9 = tpu.memref_slice %arg3[%mul3A_2, %dma_start3A] : memref<512x128xi32, #tpu.memory_space<hbm>> -> memref<16x128xi32, #tpu.memory_space<hbm>>
      %dma_start3A_10 = arith.constant 0 : i32
      %dma_start3A_11 = tpu.memref_slice %arg3[%mul3A_2, %dma_start3A_10] : memref<512x128xi32, #tpu.memory_space<hbm>> -> memref<16x128xi32, #tpu.memory_space<hbm>>
      tpu.enqueue_dma source(%dma_start3A_11 : memref<16x128xi32, #tpu.memory_space<hbm>>) target(%arg5 : memref<16x128xi32, #tpu.memory_space<vmem>>) target_semaphore(%run_scoped3A : memref<!tpu.dma_semaphore, #tpu.memory_space<semaphore_mem>>)
      %dma_wait3A = arith.constant 0 : i32
      %dma_wait3A_12 = tpu.memref_slice %arg3[%mul3A_2, %dma_wait3A] : memref<512x128xi32, #tpu.memory_space<hbm>> -> memref<16x128xi32, #tpu.memory_space<hbm>>
      %dma_wait3A_13 = arith.constant 0 : i32
      %dma_wait3A_14 = tpu.memref_slice %arg3[%mul3A_2, %dma_wait3A_13] : memref<512x128xi32, #tpu.memory_space<hbm>> -> memref<16x128xi32, #tpu.memory_space<hbm>>
      tpu.wait_dma2 semaphore(%run_scoped3A : memref<!tpu.dma_semaphore, #tpu.memory_space<semaphore_mem>>) src(%dma_wait3A_14 : memref<16x128xi32, #tpu.memory_space<hbm>>) dst(%arg5 : memref<16x128xi32, #tpu.memory_space<vmem>>)
      tpu.yield
    }) : () -> ()
    %scan3A = arith.constant 0 : i32
    %scan3A_3 = arith.constant 0 : i32
    %scan3A_4 = arith.constant 16 : i32
    %scan3A_5 = arith.addi %scan3A_3, %scan3A_4 : i32
    %scan3A_6 = arith.constant 1 : i32
    %scan3A_7 = scf.for %scan3A_9 = %scan3A_3 to %scan3A_5 step %scan3A_6 iter_args(%scan3A_10 = %scan3A) -> (i32)  : i32 {
      %dma_start3A = arith.constant 0 : i32
      %dma_start3A_11 = tpu.memref_slice %arg5[%scan3A_9, %dma_start3A] : memref<16x128xi32, #tpu.memory_space<vmem>> -> memref<1x128xi32, #tpu.memory_space<vmem>>
      %dma_start3A_12 = tpu.memref_squeeze %dma_start3A_11 : memref<1x128xi32, #tpu.memory_space<vmem>> -> memref<128xi32, #tpu.memory_space<vmem>>
      %dma_start3A_13 = arith.constant 0 : i32
      %dma_start3A_14 = arith.constant 0 : i32
      %dma_start3A_15 = tpu.memref_slice %arg2[%dma_start3A_13, %dma_start3A_14] : memref<65536x128xf32, #tpu.memory_space<hbm>> -> memref<65536x128xf32, #tpu.memory_space<hbm>>
      tpu.enqueue_indirect_dma source(%dma_start3A_15 : memref<65536x128xf32, #tpu.memory_space<hbm>>) target(%arg6 : memref<128x128xf32, #tpu.memory_space<vmem>>) offsets(%dma_start3A_12 : memref<128xi32, #tpu.memory_space<vmem>>) semaphore(%arg7 : memref<!tpu.dma_semaphore, #tpu.memory_space<semaphore_mem>>)
      %dma_wait3A = arith.constant 0 : i32
      %dma_wait3A_16 = tpu.memref_slice %arg5[%scan3A_9, %dma_wait3A] : memref<16x128xi32, #tpu.memory_space<vmem>> -> memref<1x128xi32, #tpu.memory_space<vmem>>
      %dma_wait3A_17 = tpu.memref_squeeze %dma_wait3A_16 : memref<1x128xi32, #tpu.memory_space<vmem>> -> memref<128xi32, #tpu.memory_space<vmem>>
      %dma_wait3A_18 = arith.constant 0 : i32
      %dma_wait3A_19 = arith.constant 0 : i32
      %dma_wait3A_20 = tpu.memref_slice %arg2[%dma_wait3A_18, %dma_wait3A_19] : memref<65536x128xf32, #tpu.memory_space<hbm>> -> memref<65536x128xf32, #tpu.memory_space<hbm>>
      tpu.wait_indirect_dma semaphore(%arg7 : memref<!tpu.dma_semaphore, #tpu.memory_space<semaphore_mem>>) src(%dma_wait3A_20 : memref<65536x128xf32, #tpu.memory_space<hbm>>) dst(%arg6 : memref<128x128xf32, #tpu.memory_space<vmem>>)
      %add3A_21 = arith.addi %mul3A_2, %scan3A_9 : i32
      %mul3A_22 = arith.constant 128 : i32
      %mul3A_23 = arith.muli %add3A_21, %mul3A_22 : i32
      "tpu.region"() ({
        %run_scoped3A = tpu.sem_alloc : memref<!tpu.dma_semaphore, #tpu.memory_space<semaphore_mem>>
        %dma_start3A_25 = arith.constant 0 : i32
        %dma_start3A_26 = tpu.memref_slice %arg4[%mul3A_23, %dma_start3A_25] : memref<65536x128xf32, #tpu.memory_space<hbm>> -> memref<128x128xf32, #tpu.memory_space<hbm>>
        %dma_start3A_27 = arith.constant 0 : i32
        %dma_start3A_28 = tpu.memref_slice %arg4[%mul3A_23, %dma_start3A_27] : memref<65536x128xf32, #tpu.memory_space<hbm>> -> memref<128x128xf32, #tpu.memory_space<hbm>>
        tpu.enqueue_dma source(%arg6 : memref<128x128xf32, #tpu.memory_space<vmem>>) target(%dma_start3A_28 : memref<128x128xf32, #tpu.memory_space<hbm>>) target_semaphore(%run_scoped3A : memref<!tpu.dma_semaphore, #tpu.memory_space<semaphore_mem>>)
        %dma_wait3A_29 = arith.constant 0 : i32
        %dma_wait3A_30 = tpu.memref_slice %arg4[%mul3A_23, %dma_wait3A_29] : memref<65536x128xf32, #tpu.memory_space<hbm>> -> memref<128x128xf32, #tpu.memory_space<hbm>>
        %dma_wait3A_31 = arith.constant 0 : i32
        %dma_wait3A_32 = tpu.memref_slice %arg4[%mul3A_23, %dma_wait3A_31] : memref<65536x128xf32, #tpu.memory_space<hbm>> -> memref<128x128xf32, #tpu.memory_space<hbm>>
        tpu.wait_dma2 semaphore(%run_scoped3A : memref<!tpu.dma_semaphore, #tpu.memory_space<semaphore_mem>>) src(%arg6 : memref<128x128xf32, #tpu.memory_space<vmem>>) dst(%dma_wait3A_32 : memref<128x128xf32, #tpu.memory_space<hbm>>)
        tpu.yield
      }) : () -> ()
      %scan3A_24 = arith.constant 0 : i32
      scf.yield %scan3A_24 : i32
    }
    %scan3A_8 = arith.constant 16 : i32
    return
  }
}

#map = affine_map<(d0, d1) -> (0, 0)>
module attributes {stable_mosaic.version = 14 : i64} {
  func.func @g(%arg0: i32, %arg1: i32, %arg2: memref<4096x128xf32, #tpu.memory_space<hbm>>, %arg3: memref<512x128xi32, #tpu.memory_space<hbm>>, %arg4: memref<65536x128xf32, #tpu.memory_space<hbm>>, %arg5: memref<16x128xi32, #tpu.memory_space<vmem>>, %arg6: memref<128x128xf32, #tpu.memory_space<vmem>>, %arg7: memref<!tpu.dma_semaphore, #tpu.memory_space<semaphore_mem>>) attributes {dimension_semantics = [#tpu.dimension_semantics<core_parallel>, #tpu.dimension_semantics<subcore_parallel>], iteration_bounds = array<i64: 2, 16>, scalar_prefetch = 0 : i64, scratch_operands = 3 : i64, tpu.core_type = #tpu.core_type<sc_vector_subcore>, window_params = [{transform_indices = #map}, {transform_indices = #map}, {transform_indices = #map}]} {
    %mul3A = arith.constant 2 : i32
    %mul3A_0 = arith.muli %arg1, %mul3A : i32
    %add3A = arith.addi %mul3A_0, %arg0 : i32
    %mul3A_1 = arith.constant 16 : i32
    %mul3A_2 = arith.muli %add3A, %mul3A_1 : i32
    "tpu.region"() ({
      %run_scoped3A = tpu.sem_alloc : memref<!tpu.dma_semaphore, #tpu.memory_space<semaphore_mem>>
      %dma_start3A = arith.constant 0 : i32
      %dma_start3A_9 = tpu.memref_slice %arg3[%mul3A_2, %dma_start3A] : memref<512x128xi32, #tpu.memory_space<hbm>> -> memref<16x128xi32, #tpu.memory_space<hbm>>
      %dma_start3A_10 = arith.constant 0 : i32
      %dma_start3A_11 = tpu.memref_slice %arg3[%mul3A_2, %dma_start3A_10] : memref<512x128xi32, #tpu.memory_space<hbm>> -> memref<16x128xi32, #tpu.memory_space<hbm>>
      tpu.enqueue_dma source(%dma_start3A_11 : memref<16x128xi32, #tpu.memory_space<hbm>>) target(%arg5 : memref<16x128xi32, #tpu.memory_space<vmem>>) target_semaphore(%run_scoped3A : memref<!tpu.dma_semaphore, #tpu.memory_space<semaphore_mem>>)
      %dma_wait3A = arith.constant 0 : i32
      %dma_wait3A_12 = tpu.memref_slice %arg3[%mul3A_2, %dma_wait3A] : memref<512x128xi32, #tpu.memory_space<hbm>> -> memref<16x128xi32, #tpu.memory_space<hbm>>
      %dma_wait3A_13 = arith.constant 0 : i32
      %dma_wait3A_14 = tpu.memref_slice %arg3[%mul3A_2, %dma_wait3A_13] : memref<512x128xi32, #tpu.memory_space<hbm>> -> memref<16x128xi32, #tpu.memory_space<hbm>>
      tpu.wait_dma2 semaphore(%run_scoped3A : memref<!tpu.dma_semaphore, #tpu.memory_space<semaphore_mem>>) src(%dma_wait3A_14 : memref<16x128xi32, #tpu.memory_space<hbm>>) dst(%arg5 : memref<16x128xi32, #tpu.memory_space<vmem>>)
      tpu.yield
    }) : () -> ()
    %scan3A = arith.constant 0 : i32
    %scan3A_3 = arith.constant 0 : i32
    %scan3A_4 = arith.constant 16 : i32
    %scan3A_5 = arith.addi %scan3A_3, %scan3A_4 : i32
    %scan3A_6 = arith.constant 1 : i32
    %scan3A_7 = scf.for %scan3A_9 = %scan3A_3 to %scan3A_5 step %scan3A_6 iter_args(%scan3A_10 = %scan3A) -> (i32)  : i32 {
      %dma_start3A = arith.constant 0 : i32
      %dma_start3A_11 = tpu.memref_slice %arg5[%scan3A_9, %dma_start3A] : memref<16x128xi32, #tpu.memory_space<vmem>> -> memref<1x128xi32, #tpu.memory_space<vmem>>
      %dma_start3A_12 = tpu.memref_squeeze %dma_start3A_11 : memref<1x128xi32, #tpu.memory_space<vmem>> -> memref<128xi32, #tpu.memory_space<vmem>>
      %dma_start3A_13 = arith.constant 0 : i32
      %dma_start3A_14 = arith.constant 0 : i32
      %dma_start3A_15 = tpu.memref_slice %arg2[%dma_start3A_13, %dma_start3A_14] : memref<4096x128xf32, #tpu.memory_space<hbm>> -> memref<4096x128xf32, #tpu.memory_space<hbm>>
      tpu.enqueue_indirect_dma source(%dma_start3A_15 : memref<4096x128xf32, #tpu.memory_space<hbm>>) target(%arg6 : memref<128x128xf32, #tpu.memory_space<vmem>>) offsets(%dma_start3A_12 : memref<128xi32, #tpu.memory_space<vmem>>) semaphore(%arg7 : memref<!tpu.dma_semaphore, #tpu.memory_space<semaphore_mem>>)
      %dma_wait3A = arith.constant 0 : i32
      %dma_wait3A_16 = tpu.memref_slice %arg5[%scan3A_9, %dma_wait3A] : memref<16x128xi32, #tpu.memory_space<vmem>> -> memref<1x128xi32, #tpu.memory_space<vmem>>
      %dma_wait3A_17 = tpu.memref_squeeze %dma_wait3A_16 : memref<1x128xi32, #tpu.memory_space<vmem>> -> memref<128xi32, #tpu.memory_space<vmem>>
      %dma_wait3A_18 = arith.constant 0 : i32
      %dma_wait3A_19 = arith.constant 0 : i32
      %dma_wait3A_20 = tpu.memref_slice %arg2[%dma_wait3A_18, %dma_wait3A_19] : memref<4096x128xf32, #tpu.memory_space<hbm>> -> memref<4096x128xf32, #tpu.memory_space<hbm>>
      tpu.wait_indirect_dma semaphore(%arg7 : memref<!tpu.dma_semaphore, #tpu.memory_space<semaphore_mem>>) src(%dma_wait3A_20 : memref<4096x128xf32, #tpu.memory_space<hbm>>) dst(%arg6 : memref<128x128xf32, #tpu.memory_space<vmem>>)
      %add3A_21 = arith.addi %mul3A_2, %scan3A_9 : i32
      %mul3A_22 = arith.constant 128 : i32
      %mul3A_23 = arith.muli %add3A_21, %mul3A_22 : i32
      "tpu.region"() ({
        %run_scoped3A = tpu.sem_alloc : memref<!tpu.dma_semaphore, #tpu.memory_space<semaphore_mem>>
        %dma_start3A_25 = arith.constant 0 : i32
        %dma_start3A_26 = tpu.memref_slice %arg4[%mul3A_23, %dma_start3A_25] : memref<65536x128xf32, #tpu.memory_space<hbm>> -> memref<128x128xf32, #tpu.memory_space<hbm>>
        %dma_start3A_27 = arith.constant 0 : i32
        %dma_start3A_28 = tpu.memref_slice %arg4[%mul3A_23, %dma_start3A_27] : memref<65536x128xf32, #tpu.memory_space<hbm>> -> memref<128x128xf32, #tpu.memory_space<hbm>>
        tpu.enqueue_dma source(%arg6 : memref<128x128xf32, #tpu.memory_space<vmem>>) target(%dma_start3A_28 : memref<128x128xf32, #tpu.memory_space<hbm>>) target_semaphore(%run_scoped3A : memref<!tpu.dma_semaphore, #tpu.memory_space<semaphore_mem>>)
        %dma_wait3A_29 = arith.constant 0 : i32
        %dma_wait3A_30 = tpu.memref_slice %arg4[%mul3A_23, %dma_wait3A_29] : memref<65536x128xf32, #tpu.memory_space<hbm>> -> memref<128x128xf32, #tpu.memory_space<hbm>>
        %dma_wait3A_31 = arith.constant 0 : i32
        %dma_wait3A_32 = tpu.memref_slice %arg4[%mul3A_23, %dma_wait3A_31] : memref<65536x128xf32, #tpu.memory_space<hbm>> -> memref<128x128xf32, #tpu.memory_space<hbm>>
        tpu.wait_dma2 semaphore(%run_scoped3A : memref<!tpu.dma_semaphore, #tpu.memory_space<semaphore_mem>>) src(%arg6 : memref<128x128xf32, #tpu.memory_space<vmem>>) dst(%dma_wait3A_32 : memref<128x128xf32, #tpu.memory_space<hbm>>)
        tpu.yield
      }) : () -> ()
      %scan3A_24 = arith.constant 0 : i32
      scf.yield %scan3A_24 : i32
    }
    %scan3A_8 = arith.constant 16 : i32
    return
  }
}

module attributes {stable_mosaic.version = 14 : i64} {
  func.func @_fps_body(%arg0: i32, %arg1: memref<4x3x128x128xf32, #tpu.memory_space<vmem>>, %arg2: memref<4x3x1024xf32, #tpu.memory_space<smem>>, %arg3: memref<128x128xf32, #tpu.memory_space<vmem>>, %arg4: memref<128x128xf32, #tpu.memory_space<vmem>>, %arg5: memref<128x128xf32, #tpu.memory_space<vmem>>, %arg6: memref<128x128xf32, #tpu.memory_space<vmem>>) attributes {dimension_semantics = [#tpu.dimension_semantics<arbitrary>], iteration_bounds = array<i64: 1>, scalar_prefetch = 0 : i64, scratch_operands = 4 : i64, tpu.core_type = #tpu.core_type<tc>, window_params = [{pipeline_mode = #tpu.pipeline_mode<synchronous>, transform_indices = @transform_0, window_bounds = array<i64: 4, 3, 128, 128>}, {transform_indices = @transform_1, window_bounds = array<i64: 4, 3, 1024>}]} {
    %broadcast_in_dim3A = arith.constant 1.000000e+10 : f32
    %broadcast_in_dim3A_0 = vector.broadcast %broadcast_in_dim3A : f32 to vector<128x128xf32>
    %swap3A = arith.constant 0 : index
    %swap3A_1 = arith.constant 0 : index
    %swap3A_2 = vector.load %arg3[%swap3A, %swap3A_1] : memref<128x128xf32, #tpu.memory_space<vmem>>, vector<128x128xf32>
    tpu.vector_store %arg3[%swap3A, %swap3A_1], %broadcast_in_dim3A_0 {strides = array<i32>} : memref<128x128xf32, #tpu.memory_space<vmem>>, vector<128x128xf32>,
    %broadcast_in_dim3A_3 = arith.constant 1.000000e+10 : f32
    %broadcast_in_dim3A_4 = vector.broadcast %broadcast_in_dim3A_3 : f32 to vector<128x128xf32>
    %swap3A_5 = arith.constant 0 : index
    %swap3A_6 = arith.constant 0 : index
    %swap3A_7 = vector.load %arg4[%swap3A_5, %swap3A_6] : memref<128x128xf32, #tpu.memory_space<vmem>>, vector<128x128xf32>
    tpu.vector_store %arg4[%swap3A_5, %swap3A_6], %broadcast_in_dim3A_4 {strides = array<i32>} : memref<128x128xf32, #tpu.memory_space<vmem>>, vector<128x128xf32>,
    %broadcast_in_dim3A_8 = arith.constant 1.000000e+10 : f32
    %broadcast_in_dim3A_9 = vector.broadcast %broadcast_in_dim3A_8 : f32 to vector<128x128xf32>
    %swap3A_10 = arith.constant 0 : index
    %swap3A_11 = arith.constant 0 : index
    %swap3A_12 = vector.load %arg5[%swap3A_10, %swap3A_11] : memref<128x128xf32, #tpu.memory_space<vmem>>, vector<128x128xf32>
    tpu.vector_store %arg5[%swap3A_10, %swap3A_11], %broadcast_in_dim3A_9 {strides = array<i32>} : memref<128x128xf32, #tpu.memory_space<vmem>>, vector<128x128xf32>,
    %broadcast_in_dim3A_13 = arith.constant 1.000000e+10 : f32
    %broadcast_in_dim3A_14 = vector.broadcast %broadcast_in_dim3A_13 : f32 to vector<128x128xf32>
    %swap3A_15 = arith.constant 0 : index
    %swap3A_16 = arith.constant 0 : index
    %swap3A_17 = vector.load %arg6[%swap3A_15, %swap3A_16] : memref<128x128xf32, #tpu.memory_space<vmem>>, vector<128x128xf32>
    tpu.vector_store %arg6[%swap3A_15, %swap3A_16], %broadcast_in_dim3A_14 {strides = array<i32>} : memref<128x128xf32, #tpu.memory_space<vmem>>, vector<128x128xf32>,
    %iota3A = tpu.iota {dimensions = array<i32: 1>} : vector<1x128xi32>
    %scan3A = arith.constant 0 : i32
    %scan3A_18 = arith.constant 0 : i32
    %scan3A_19 = arith.constant 0 : i32
    %scan3A_20 = arith.constant 0 : i32
    %scan3A_21 = arith.constant 0 : i32
    %scan3A_22 = arith.constant 1024 : i32
    %scan3A_23 = arith.addi %scan3A_21, %scan3A_22 : i32
    %scan3A_24 = arith.constant 1 : i32
    %scan3A_25:4 = scf.for %scan3A_27 = %scan3A_21 to %scan3A_23 step %scan3A_24 iter_args(%scan3A_28 = %scan3A, %scan3A_29 = %scan3A_18, %scan3A_30 = %scan3A_19, %scan3A_31 = %scan3A_20) -> (i32, i32, i32, i32)  : i32 {
      %iota3A_32 = tpu.iota {dimensions = array<i32: 0>} : vector<128x128xi32>
      %mul3A = arith.constant 128 : i32
      %mul3A_33 = vector.broadcast %mul3A : i32 to vector<128x128xi32>
      %mul3A_34 = arith.muli %iota3A_32, %mul3A_33 : vector<128x128xi32>
      %iota3A_35 = tpu.iota {dimensions = array<i32: 1>} : vector<128x128xi32>
      %add3A = arith.addi %mul3A_34, %iota3A_35 : vector<128x128xi32>
      %jit3A = arith.constant 128 : i32
      %div3A = arith.divsi %scan3A_28, %jit3A : i32
      %sign3A = arith.constant 0 : i32
      %sign3A_36 = arith.cmpi sgt, %scan3A_28, %sign3A : i32
      %sign3A_37 = arith.extui %sign3A_36 : i1 to i32
      %sign3A_38 = arith.constant 0 : i32
      %sign3A_39 = arith.cmpi slt, %scan3A_28, %sign3A_38 : i32
      %sign3A_40 = arith.extui %sign3A_39 : i1 to i32
      %sign3A_41 = arith.subi %sign3A_37, %sign3A_40 : i32
      %sign3A_42 = arith.constant 0 : i32
      %sign3A_43 = arith.cmpi sgt, %jit3A, %sign3A_42 : i32
      %sign3A_44 = arith.extui %sign3A_43 : i1 to i32
      %sign3A_45 = arith.constant 0 : i32
      %sign3A_46 = arith.cmpi slt, %jit3A, %sign3A_45 : i32
      %sign3A_47 = arith.extui %sign3A_46 : i1 to i32
      %sign3A_48 = arith.subi %sign3A_44, %sign3A_47 : i32
      %ne3A = arith.cmpi ne, %sign3A_41, %sign3A_48 : i32
      %rem3A = arith.remsi %scan3A_28, %jit3A : i32
      %ne3A_49 = arith.constant 0 : i32
      %ne3A_50 = arith.cmpi ne, %rem3A, %ne3A_49 : i32
      %and3A = arith.andi %ne3A, %ne3A_50 : i1
      %sub3A = arith.constant 1 : i32
      %sub3A_51 = arith.subi %div3A, %sub3A : i32
      %select_n3A = arith.select %and3A, %sub3A_51, %div3A : i32
      %jit3A_52 = arith.constant 128 : i32
      %eq3A = arith.constant 0 : i32
      %eq3A_53 = arith.cmpi eq, %jit3A_52, %eq3A : i32
      %jit3A_54 = arith.constant 1 : i32
      %select_n3A_55 = arith.select %eq3A_53, %jit3A_54, %jit3A_52 : i32
      %rem3A_56 = arith.remsi %scan3A_28, %select_n3A_55 : i32
      %ne3A_57 = arith.constant 0 : i32
      %ne3A_58 = arith.cmpi ne, %rem3A_56, %ne3A_57 : i32
      %lt3A = arith.constant 0 : i32
      %lt3A_59 = arith.cmpi slt, %rem3A_56, %lt3A : i32
      %lt3A_60 = arith.constant 0 : i32
      %lt3A_61 = arith.cmpi slt, %select_n3A_55, %lt3A_60 : i32
      %ne3A_62 = arith.xori %lt3A_59, %lt3A_61 : i1
      %and3A_63 = arith.andi %ne3A_62, %ne3A_58 : i1
      %add3A_64 = arith.addi %rem3A_56, %select_n3A_55 : i32
      %select_n3A_65 = arith.select %and3A_63, %add3A_64, %rem3A_56 : i32
      %eq3A_66 = vector.broadcast %select_n3A_65 : i32 to vector<1x128xi32>
      %eq3A_67 = arith.cmpi eq, %iota3A, %eq3A_66 : vector<1x128xi32>
      %get3A = arith.constant 0 : index
      %get3A_68 = arith.constant 0 : index
      %get3A_69 = arith.index_cast %select_n3A : i32 to index
      %get3A_70 = arith.constant 0 : index
      %get3A_71 = vector.load %arg1[%get3A, %get3A_68, %get3A_69, %get3A_70] : memref<4x3x128x128xf32, #tpu.memory_space<vmem>>, vector<1x1x1x128xf32>
      %get3A_72 = vector.shape_cast %get3A_71 : vector<1x1x1x128xf32> to vector<1x128xf32>
      %get3A_73 = arith.constant 0 : index
      %get3A_74 = arith.constant 1 : index
      %get3A_75 = arith.index_cast %select_n3A : i32 to index
      %get3A_76 = arith.constant 0 : index
      %get3A_77 = vector.load %arg1[%get3A_73, %get3A_74, %get3A_75, %get3A_76] : memref<4x3x128x128xf32, #tpu.memory_space<vmem>>, vector<1x1x1x128xf32>
      %get3A_78 = vector.shape_cast %get3A_77 : vector<1x1x1x128xf32> to vector<1x128xf32>
      %get3A_79 = arith.constant 0 : index
      %get3A_80 = arith.constant 2 : index
      %get3A_81 = arith.index_cast %select_n3A : i32 to index
      %get3A_82 = arith.constant 0 : index
      %get3A_83 = vector.load %arg1[%get3A_79, %get3A_80, %get3A_81, %get3A_82] : memref<4x3x128x128xf32, #tpu.memory_space<vmem>>, vector<1x1x1x128xf32>
      %get3A_84 = vector.shape_cast %get3A_83 : vector<1x1x1x128xf32> to vector<1x128xf32>
      %jit3A_85 = arith.constant 0.000000e+00 : f32
      %broadcast_in_dim3A_86 = vector.broadcast %jit3A_85 : f32 to vector<1x128xf32>
      %select_n3A_87 = arith.select %eq3A_67, %get3A_72, %broadcast_in_dim3A_86 : vector<1x128xi1>, vector<1x128xf32>
      %reduce_sum3A = vector.shape_cast %select_n3A_87 : vector<1x128xf32> to vector<1x1x128xf32>
      %reduce_sum3A_88 = arith.constant dense<0.000000e+00> : vector<1xf32>
      %reduce_sum3A_89 = vector.multi_reduction <add>, %reduce_sum3A, %reduce_sum3A_88 [1, 2] : vector<1x1x128xf32> to vector<1xf32>
      %reduce_sum3A_90 = vector.shape_cast %reduce_sum3A_89 : vector<1xf32> to vector<1x1x1xf32>
      %reduce_sum3A_91 = vector.extract %reduce_sum3A_90[0, 0, 0] : f32 from vector<1x1x1xf32>
      %jit3A_92 = arith.constant 0.000000e+00 : f32
      %broadcast_in_dim3A_93 = vector.broadcast %jit3A_92 : f32 to vector<1x128xf32>
      %select_n3A_94 = arith.select %eq3A_67, %get3A_78, %broadcast_in_dim3A_93 : vector<1x128xi1>, vector<1x128xf32>
      %reduce_sum3A_95 = vector.shape_cast %select_n3A_94 : vector<1x128xf32> to vector<1x1x128xf32>
      %reduce_sum3A_96 = arith.constant dense<0.000000e+00> : vector<1xf32>
      %reduce_sum3A_97 = vector.multi_reduction <add>, %reduce_sum3A_95, %reduce_sum3A_96 [1, 2] : vector<1x1x128xf32> to vector<1xf32>
      %reduce_sum3A_98 = vector.shape_cast %reduce_sum3A_97 : vector<1xf32> to vector<1x1x1xf32>
      %reduce_sum3A_99 = vector.extract %reduce_sum3A_98[0, 0, 0] : f32 from vector<1x1x1xf32>
      %jit3A_100 = arith.constant 0.000000e+00 : f32
      %broadcast_in_dim3A_101 = vector.broadcast %jit3A_100 : f32 to vector<1x128xf32>
      %select_n3A_102 = arith.select %eq3A_67, %get3A_84, %broadcast_in_dim3A_101 : vector<1x128xi1>, vector<1x128xf32>
      %reduce_sum3A_103 = vector.shape_cast %select_n3A_102 : vector<1x128xf32> to vector<1x1x128xf32>
      %reduce_sum3A_104 = arith.constant dense<0.000000e+00> : vector<1xf32>
      %reduce_sum3A_105 = vector.multi_reduction <add>, %reduce_sum3A_103, %reduce_sum3A_104 [1, 2] : vector<1x1x128xf32> to vector<1xf32>
      %reduce_sum3A_106 = vector.shape_cast %reduce_sum3A_105 : vector<1xf32> to vector<1x1x1xf32>
      %reduce_sum3A_107 = vector.extract %reduce_sum3A_106[0, 0, 0] : f32 from vector<1x1x1xf32>
      %swap3A_108 = arith.constant 0 : index
      %swap3A_109 = arith.constant 0 : index
      %swap3A_110 = arith.index_cast %scan3A_27 : i32 to index
      %swap3A_111 = memref.load %arg2[%swap3A_108, %swap3A_109, %swap3A_110] : memref<4x3x1024xf32, #tpu.memory_space<smem>>
      memref.store %reduce_sum3A_91, %arg2[%swap3A_108, %swap3A_109, %swap3A_110] : memref<4x3x1024xf32, #tpu.memory_space<smem>>
      %swap3A_112 = arith.constant 0 : index
      %swap3A_113 = arith.constant 1 : index
      %swap3A_114 = arith.index_cast %scan3A_27 : i32 to index
      %swap3A_115 = memref.load %arg2[%swap3A_112, %swap3A_113, %swap3A_114] : memref<4x3x1024xf32, #tpu.memory_space<smem>>
      memref.store %reduce_sum3A_99, %arg2[%swap3A_112, %swap3A_113, %swap3A_114] : memref<4x3x1024xf32, #tpu.memory_space<smem>>
      %swap3A_116 = arith.constant 0 : index
      %swap3A_117 = arith.constant 2 : index
      %swap3A_118 = arith.index_cast %scan3A_27 : i32 to index
      %swap3A_119 = memref.load %arg2[%swap3A_116, %swap3A_117, %swap3A_118] : memref<4x3x1024xf32, #tpu.memory_space<smem>>
      memref.store %reduce_sum3A_107, %arg2[%swap3A_116, %swap3A_117, %swap3A_118] : memref<4x3x1024xf32, #tpu.memory_space<smem>>
      %get3A_120 = arith.constant 0 : index
      %get3A_121 = arith.constant 0 : index
      %get3A_122 = arith.constant 0 : index
      %get3A_123 = arith.constant 0 : index
      %get3A_124 = vector.load %arg1[%get3A_120, %get3A_121, %get3A_122, %get3A_123] : memref<4x3x128x128xf32, #tpu.memory_space<vmem>>, vector<1x1x128x128xf32>
      %get3A_125 = vector.shape_cast %get3A_124 : vector<1x1x128x128xf32> to vector<128x128xf32>
      %sub3A_126 = vector.broadcast %reduce_sum3A_91 : f32 to vector<128x128xf32>
      %sub3A_127 = arith.subf %get3A_125, %sub3A_126 : vector<128x128xf32>
      %get3A_128 = arith.constant 0 : index
      %get3A_129 = arith.constant 1 : index
      %get3A_130 = arith.constant 0 : index
      %get3A_131 = arith.constant 0 : index
      %get3A_132 = vector.load %arg1[%get3A_128, %get3A_129, %get3A_130, %get3A_131] : memref<4x3x128x128xf32, #tpu.memory_space<vmem>>, vector<1x1x128x128xf32>
      %get3A_133 = vector.shape_cast %get3A_132 : vector<1x1x128x128xf32> to vector<128x128xf32>
      %sub3A_134 = vector.broadcast %reduce_sum3A_99 : f32 to vector<128x128xf32>
      %sub3A_135 = arith.subf %get3A_133, %sub3A_134 : vector<128x128xf32>
      %get3A_136 = arith.constant 0 : index
      %get3A_137 = arith.constant 2 : index
      %get3A_138 = arith.constant 0 : index
      %get3A_139 = arith.constant 0 : index
      %get3A_140 = vector.load %arg1[%get3A_136, %get3A_137, %get3A_138, %get3A_139] : memref<4x3x128x128xf32, #tpu.memory_space<vmem>>, vector<1x1x128x128xf32>
      %get3A_141 = vector.shape_cast %get3A_140 : vector<1x1x128x128xf32> to vector<128x128xf32>
      %sub3A_142 = vector.broadcast %reduce_sum3A_107 : f32 to vector<128x128xf32>
      %sub3A_143 = arith.subf %get3A_141, %sub3A_142 : vector<128x128xf32>
      %mul3A_144 = arith.mulf %sub3A_127, %sub3A_127 : vector<128x128xf32>
      %mul3A_145 = arith.mulf %sub3A_143, %sub3A_143 : vector<128x128xf32>
      %add3A_146 = arith.addf %mul3A_144, %mul3A_145 : vector<128x128xf32>
      %mul3A_147 = arith.mulf %sub3A_135, %sub3A_135 : vector<128x128xf32>
      %add3A_148 = arith.addf %add3A_146, %mul3A_147 : vector<128x128xf32>
      %get3A_149 = arith.constant 0 : index
      %get3A_150 = arith.constant 0 : index
      %get3A_151 = vector.load %arg3[%get3A_149, %get3A_150] : memref<128x128xf32, #tpu.memory_space<vmem>>, vector<128x128xf32>
      %min3A = arith.minimumf %get3A_151, %add3A_148 : vector<128x128xf32>
      %swap3A_152 = arith.constant 0 : index
      %swap3A_153 = arith.constant 0 : index
      %swap3A_154 = vector.load %arg3[%swap3A_152, %swap3A_153] : memref<128x128xf32, #tpu.memory_space<vmem>>, vector<128x128xf32>
      tpu.vector_store %arg3[%swap3A_152, %swap3A_153], %min3A {strides = array<i32>} : memref<128x128xf32, #tpu.memory_space<vmem>>, vector<128x128xf32>,
      %reduce_max3A = vector.shape_cast %min3A : vector<128x128xf32> to vector<1x128x128xf32>
      %reduce_max3A_155 = arith.constant dense<0xFF800000> : vector<1xf32>
      %reduce_max3A_156 = vector.multi_reduction <maximumf>, %reduce_max3A, %reduce_max3A_155 [1, 2] : vector<1x128x128xf32> to vector<1xf32>
      %reduce_max3A_157 = vector.shape_cast %reduce_max3A_156 : vector<1xf32> to vector<1x1x1xf32>
      %reduce_max3A_158 = vector.extract %reduce_max3A_157[0, 0, 0] : f32 from vector<1x1x1xf32>
      %eq3A_159 = vector.broadcast %reduce_max3A_158 : f32 to vector<128x128xf32>
      %eq3A_160 = arith.cmpf oeq, %min3A, %eq3A_159 : vector<128x128xf32>
      %jit3A_161 = arith.constant 16384 : i32
      %broadcast_in_dim3A_162 = vector.broadcast %jit3A_161 : i32 to vector<128x128xi32>
      %select_n3A_163 = arith.select %eq3A_160, %add3A, %broadcast_in_dim3A_162 : vector<128x128xi1>, vector<128x128xi32>
      %reduce_min3A = vector.shape_cast %select_n3A_163 : vector<128x128xi32> to vector<1x128x128xi32>
      %reduce_min3A_164 = arith.constant dense<2147483647> : vector<1xi32>
      %reduce_min3A_165 = vector.multi_reduction <minsi>, %reduce_min3A, %reduce_min3A_164 [1, 2] : vector<1x128x128xi32> to vector<1xi32>
      %reduce_min3A_166 = vector.shape_cast %reduce_min3A_165 : vector<1xi32> to vector<1x1x1xi32>
      %reduce_min3A_167 = vector.extract %reduce_min3A_166[0, 0, 0] : i32 from vector<1x1x1xi32>
      %jit3A_168 = arith.constant 128 : i32
      %div3A_169 = arith.divsi %scan3A_29, %jit3A_168 : i32
      %sign3A_170 = arith.constant 0 : i32
      %sign3A_171 = arith.cmpi sgt, %scan3A_29, %sign3A_170 : i32
      %sign3A_172 = arith.extui %sign3A_171 : i1 to i32
      %sign3A_173 = arith.constant 0 : i32
      %sign3A_174 = arith.cmpi slt, %scan3A_29, %sign3A_173 : i32
      %sign3A_175 = arith.extui %sign3A_174 : i1 to i32
      %sign3A_176 = arith.subi %sign3A_172, %sign3A_175 : i32
      %sign3A_177 = arith.constant 0 : i32
      %sign3A_178 = arith.cmpi sgt, %jit3A_168, %sign3A_177 : i32
      %sign3A_179 = arith.extui %sign3A_178 : i1 to i32
      %sign3A_180 = arith.constant 0 : i32
      %sign3A_181 = arith.cmpi slt, %jit3A_168, %sign3A_180 : i32
      %sign3A_182 = arith.extui %sign3A_181 : i1 to i32
      %sign3A_183 = arith.subi %sign3A_179, %sign3A_182 : i32
      %ne3A_184 = arith.cmpi ne, %sign3A_176, %sign3A_183 : i32
      %rem3A_185 = arith.remsi %scan3A_29, %jit3A_168 : i32
      %ne3A_186 = arith.constant 0 : i32
      %ne3A_187 = arith.cmpi ne, %rem3A_185, %ne3A_186 : i32
      %and3A_188 = arith.andi %ne3A_184, %ne3A_187 : i1
      %sub3A_189 = arith.constant 1 : i32
      %sub3A_190 = arith.subi %div3A_169, %sub3A_189 : i32
      %select_n3A_191 = arith.select %and3A_188, %sub3A_190, %div3A_169 : i32
      %jit3A_192 = arith.constant 128 : i32
      %eq3A_193 = arith.constant 0 : i32
      %eq3A_194 = arith.cmpi eq, %jit3A_192, %eq3A_193 : i32
      %jit3A_195 = arith.constant 1 : i32
      %select_n3A_196 = arith.select %eq3A_194, %jit3A_195, %jit3A_192 : i32
      %rem3A_197 = arith.remsi %scan3A_29, %select_n3A_196 : i32
      %ne3A_198 = arith.constant 0 : i32
      %ne3A_199 = arith.cmpi ne, %rem3A_197, %ne3A_198 : i32
      %lt3A_200 = arith.constant 0 : i32
      %lt3A_201 = arith.cmpi slt, %rem3A_197, %lt3A_200 : i32
      %lt3A_202 = arith.constant 0 : i32
      %lt3A_203 = arith.cmpi slt, %select_n3A_196, %lt3A_202 : i32
      %ne3A_204 = arith.xori %lt3A_201, %lt3A_203 : i1
      %and3A_205 = arith.andi %ne3A_204, %ne3A_199 : i1
      %add3A_206 = arith.addi %rem3A_197, %select_n3A_196 : i32
      %select_n3A_207 = arith.select %and3A_205, %add3A_206, %rem3A_197 : i32
      %eq3A_208 = vector.broadcast %select_n3A_207 : i32 to vector<1x128xi32>
      %eq3A_209 = arith.cmpi eq, %iota3A, %eq3A_208 : vector<1x128xi32>
      %get3A_210 = arith.constant 1 : index
      %get3A_211 = arith.constant 0 : index
      %get3A_212 = arith.index_cast %select_n3A_191 : i32 to index
      %get3A_213 = arith.constant 0 : index
      %get3A_214 = vector.load %arg1[%get3A_210, %get3A_211, %get3A_212, %get3A_213] : memref<4x3x128x128xf32, #tpu.memory_space<vmem>>, vector<1x1x1x128xf32>
      %get3A_215 = vector.shape_cast %get3A_214 : vector<1x1x1x128xf32> to vector<1x128xf32>
      %get3A_216 = arith.constant 1 : index
      %get3A_217 = arith.constant 1 : index
      %get3A_218 = arith.index_cast %select_n3A_191 : i32 to index
      %get3A_219 = arith.constant 0 : index
      %get3A_220 = vector.load %arg1[%get3A_216, %get3A_217, %get3A_218, %get3A_219] : memref<4x3x128x128xf32, #tpu.memory_space<vmem>>, vector<1x1x1x128xf32>
      %get3A_221 = vector.shape_cast %get3A_220 : vector<1x1x1x128xf32> to vector<1x128xf32>
      %get3A_222 = arith.constant 1 : index
      %get3A_223 = arith.constant 2 : index
      %get3A_224 = arith.index_cast %select_n3A_191 : i32 to index
      %get3A_225 = arith.constant 0 : index
      %get3A_226 = vector.load %arg1[%get3A_222, %get3A_223, %get3A_224, %get3A_225] : memref<4x3x128x128xf32, #tpu.memory_space<vmem>>, vector<1x1x1x128xf32>
      %get3A_227 = vector.shape_cast %get3A_226 : vector<1x1x1x128xf32> to vector<1x128xf32>
      %jit3A_228 = arith.constant 0.000000e+00 : f32
      %broadcast_in_dim3A_229 = vector.broadcast %jit3A_228 : f32 to vector<1x128xf32>
      %select_n3A_230 = arith.select %eq3A_209, %get3A_215, %broadcast_in_dim3A_229 : vector<1x128xi1>, vector<1x128xf32>
      %reduce_sum3A_231 = vector.shape_cast %select_n3A_230 : vector<1x128xf32> to vector<1x1x128xf32>
      %reduce_sum3A_232 = arith.constant dense<0.000000e+00> : vector<1xf32>
      %reduce_sum3A_233 = vector.multi_reduction <add>, %reduce_sum3A_231, %reduce_sum3A_232 [1, 2] : vector<1x1x128xf32> to vector<1xf32>
      %reduce_sum3A_234 = vector.shape_cast %reduce_sum3A_233 : vector<1xf32> to vector<1x1x1xf32>
      %reduce_sum3A_235 = vector.extract %reduce_sum3A_234[0, 0, 0] : f32 from vector<1x1x1xf32>
      %jit3A_236 = arith.constant 0.000000e+00 : f32
      %broadcast_in_dim3A_237 = vector.broadcast %jit3A_236 : f32 to vector<1x128xf32>
      %select_n3A_238 = arith.select %eq3A_209, %get3A_221, %broadcast_in_dim3A_237 : vector<1x128xi1>, vector<1x128xf32>
      %reduce_sum3A_239 = vector.shape_cast %select_n3A_238 : vector<1x128xf32> to vector<1x1x128xf32>
      %reduce_sum3A_240 = arith.constant dense<0.000000e+00> : vector<1xf32>
      %reduce_sum3A_241 = vector.multi_reduction <add>, %reduce_sum3A_239, %reduce_sum3A_240 [1, 2] : vector<1x1x128xf32> to vector<1xf32>
      %reduce_sum3A_242 = vector.shape_cast %reduce_sum3A_241 : vector<1xf32> to vector<1x1x1xf32>
      %reduce_sum3A_243 = vector.extract %reduce_sum3A_242[0, 0, 0] : f32 from vector<1x1x1xf32>
      %jit3A_244 = arith.constant 0.000000e+00 : f32
      %broadcast_in_dim3A_245 = vector.broadcast %jit3A_244 : f32 to vector<1x128xf32>
      %select_n3A_246 = arith.select %eq3A_209, %get3A_227, %broadcast_in_dim3A_245 : vector<1x128xi1>, vector<1x128xf32>
      %reduce_sum3A_247 = vector.shape_cast %select_n3A_246 : vector<1x128xf32> to vector<1x1x128xf32>
      %reduce_sum3A_248 = arith.constant dense<0.000000e+00> : vector<1xf32>
      %reduce_sum3A_249 = vector.multi_reduction <add>, %reduce_sum3A_247, %reduce_sum3A_248 [1, 2] : vector<1x1x128xf32> to vector<1xf32>
      %reduce_sum3A_250 = vector.shape_cast %reduce_sum3A_249 : vector<1xf32> to vector<1x1x1xf32>
      %reduce_sum3A_251 = vector.extract %reduce_sum3A_250[0, 0, 0] : f32 from vector<1x1x1xf32>
      %swap3A_252 = arith.constant 1 : index
      %swap3A_253 = arith.constant 0 : index
      %swap3A_254 = arith.index_cast %scan3A_27 : i32 to index
      %swap3A_255 = memref.load %arg2[%swap3A_252, %swap3A_253, %swap3A_254] : memref<4x3x1024xf32, #tpu.memory_space<smem>>
      memref.store %reduce_sum3A_235, %arg2[%swap3A_252, %swap3A_253, %swap3A_254] : memref<4x3x1024xf32, #tpu.memory_space<smem>>
      %swap3A_256 = arith.constant 1 : index
      %swap3A_257 = arith.constant 1 : index
      %swap3A_258 = arith.index_cast %scan3A_27 : i32 to index
      %swap3A_259 = memref.load %arg2[%swap3A_256, %swap3A_257, %swap3A_258] : memref<4x3x1024xf32, #tpu.memory_space<smem>>
      memref.store %reduce_sum3A_243, %arg2[%swap3A_256, %swap3A_257, %swap3A_258] : memref<4x3x1024xf32, #tpu.memory_space<smem>>
      %swap3A_260 = arith.constant 1 : index
      %swap3A_261 = arith.constant 2 : index
      %swap3A_262 = arith.index_cast %scan3A_27 : i32 to index
      %swap3A_263 = memref.load %arg2[%swap3A_260, %swap3A_261, %swap3A_262] : memref<4x3x1024xf32, #tpu.memory_space<smem>>
      memref.store %reduce_sum3A_251, %arg2[%swap3A_260, %swap3A_261, %swap3A_262] : memref<4x3x1024xf32, #tpu.memory_space<smem>>
      %get3A_264 = arith.constant 1 : index
      %get3A_265 = arith.constant 0 : index
      %get3A_266 = arith.constant 0 : index
      %get3A_267 = arith.constant 0 : index
      %get3A_268 = vector.load %arg1[%get3A_264, %get3A_265, %get3A_266, %get3A_267] : memref<4x3x128x128xf32, #tpu.memory_space<vmem>>, vector<1x1x128x128xf32>
      %get3A_269 = vector.shape_cast %get3A_268 : vector<1x1x128x128xf32> to vector<128x128xf32>
      %sub3A_270 = vector.broadcast %reduce_sum3A_235 : f32 to vector<128x128xf32>
      %sub3A_271 = arith.subf %get3A_269, %sub3A_270 : vector<128x128xf32>
      %get3A_272 = arith.constant 1 : index
      %get3A_273 = arith.constant 1 : index
      %get3A_274 = arith.constant 0 : index
      %get3A_275 = arith.constant 0 : index
      %get3A_276 = vector.load %arg1[%get3A_272, %get3A_273, %get3A_274, %get3A_275] : memref<4x3x128x128xf32, #tpu.memory_space<vmem>>, vector<1x1x128x128xf32>
      %get3A_277 = vector.shape_cast %get3A_276 : vector<1x1x128x128xf32> to vector<128x128xf32>
      %sub3A_278 = vector.broadcast %reduce_sum3A_243 : f32 to vector<128x128xf32>
      %sub3A_279 = arith.subf %get3A_277, %sub3A_278 : vector<128x128xf32>
      %get3A_280 = arith.constant 1 : index
      %get3A_281 = arith.constant 2 : index
      %get3A_282 = arith.constant 0 : index
      %get3A_283 = arith.constant 0 : index
      %get3A_284 = vector.load %arg1[%get3A_280, %get3A_281, %get3A_282, %get3A_283] : memref<4x3x128x128xf32, #tpu.memory_space<vmem>>, vector<1x1x128x128xf32>
      %get3A_285 = vector.shape_cast %get3A_284 : vector<1x1x128x128xf32> to vector<128x128xf32>
      %sub3A_286 = vector.broadcast %reduce_sum3A_251 : f32 to vector<128x128xf32>
      %sub3A_287 = arith.subf %get3A_285, %sub3A_286 : vector<128x128xf32>
      %mul3A_288 = arith.mulf %sub3A_271, %sub3A_271 : vector<128x128xf32>
      %mul3A_289 = arith.mulf %sub3A_287, %sub3A_287 : vector<128x128xf32>
      %add3A_290 = arith.addf %mul3A_288, %mul3A_289 : vector<128x128xf32>
      %mul3A_291 = arith.mulf %sub3A_279, %sub3A_279 : vector<128x128xf32>
      %add3A_292 = arith.addf %add3A_290, %mul3A_291 : vector<128x128xf32>
      %get3A_293 = arith.constant 0 : index
      %get3A_294 = arith.constant 0 : index
      %get3A_295 = vector.load %arg4[%get3A_293, %get3A_294] : memref<128x128xf32, #tpu.memory_space<vmem>>, vector<128x128xf32>
      %min3A_296 = arith.minimumf %get3A_295, %add3A_292 : vector<128x128xf32>
      %swap3A_297 = arith.constant 0 : index
      %swap3A_298 = arith.constant 0 : index
      %swap3A_299 = vector.load %arg4[%swap3A_297, %swap3A_298] : memref<128x128xf32, #tpu.memory_space<vmem>>, vector<128x128xf32>
      tpu.vector_store %arg4[%swap3A_297, %swap3A_298], %min3A_296 {strides = array<i32>} : memref<128x128xf32, #tpu.memory_space<vmem>>, vector<128x128xf32>,
      %reduce_max3A_300 = vector.shape_cast %min3A_296 : vector<128x128xf32> to vector<1x128x128xf32>
      %reduce_max3A_301 = arith.constant dense<0xFF800000> : vector<1xf32>
      %reduce_max3A_302 = vector.multi_reduction <maximumf>, %reduce_max3A_300, %reduce_max3A_301 [1, 2] : vector<1x128x128xf32> to vector<1xf32>
      %reduce_max3A_303 = vector.shape_cast %reduce_max3A_302 : vector<1xf32> to vector<1x1x1xf32>
      %reduce_max3A_304 = vector.extract %reduce_max3A_303[0, 0, 0] : f32 from vector<1x1x1xf32>
      %eq3A_305 = vector.broadcast %reduce_max3A_304 : f32 to vector<128x128xf32>
      %eq3A_306 = arith.cmpf oeq, %min3A_296, %eq3A_305 : vector<128x128xf32>
      %jit3A_307 = arith.constant 16384 : i32
      %broadcast_in_dim3A_308 = vector.broadcast %jit3A_307 : i32 to vector<128x128xi32>
      %select_n3A_309 = arith.select %eq3A_306, %add3A, %broadcast_in_dim3A_308 : vector<128x128xi1>, vector<128x128xi32>
      %reduce_min3A_310 = vector.shape_cast %select_n3A_309 : vector<128x128xi32> to vector<1x128x128xi32>
      %reduce_min3A_311 = arith.constant dense<2147483647> : vector<1xi32>
      %reduce_min3A_312 = vector.multi_reduction <minsi>, %reduce_min3A_310, %reduce_min3A_311 [1, 2] : vector<1x128x128xi32> to vector<1xi32>
      %reduce_min3A_313 = vector.shape_cast %reduce_min3A_312 : vector<1xi32> to vector<1x1x1xi32>
      %reduce_min3A_314 = vector.extract %reduce_min3A_313[0, 0, 0] : i32 from vector<1x1x1xi32>
      %jit3A_315 = arith.constant 128 : i32
      %div3A_316 = arith.divsi %scan3A_30, %jit3A_315 : i32
      %sign3A_317 = arith.constant 0 : i32
      %sign3A_318 = arith.cmpi sgt, %scan3A_30, %sign3A_317 : i32
      %sign3A_319 = arith.extui %sign3A_318 : i1 to i32
      %sign3A_320 = arith.constant 0 : i32
      %sign3A_321 = arith.cmpi slt, %scan3A_30, %sign3A_320 : i32
      %sign3A_322 = arith.extui %sign3A_321 : i1 to i32
      %sign3A_323 = arith.subi %sign3A_319, %sign3A_322 : i32
      %sign3A_324 = arith.constant 0 : i32
      %sign3A_325 = arith.cmpi sgt, %jit3A_315, %sign3A_324 : i32
      %sign3A_326 = arith.extui %sign3A_325 : i1 to i32
      %sign3A_327 = arith.constant 0 : i32
      %sign3A_328 = arith.cmpi slt, %jit3A_315, %sign3A_327 : i32
      %sign3A_329 = arith.extui %sign3A_328 : i1 to i32
      %sign3A_330 = arith.subi %sign3A_326, %sign3A_329 : i32
      %ne3A_331 = arith.cmpi ne, %sign3A_323, %sign3A_330 : i32
      %rem3A_332 = arith.remsi %scan3A_30, %jit3A_315 : i32
      %ne3A_333 = arith.constant 0 : i32
      %ne3A_334 = arith.cmpi ne, %rem3A_332, %ne3A_333 : i32
      %and3A_335 = arith.andi %ne3A_331, %ne3A_334 : i1
      %sub3A_336 = arith.constant 1 : i32
      %sub3A_337 = arith.subi %div3A_316, %sub3A_336 : i32
      %select_n3A_338 = arith.select %and3A_335, %sub3A_337, %div3A_316 : i32
      %jit3A_339 = arith.constant 128 : i32
      %eq3A_340 = arith.constant 0 : i32
      %eq3A_341 = arith.cmpi eq, %jit3A_339, %eq3A_340 : i32
      %jit3A_342 = arith.constant 1 : i32
      %select_n3A_343 = arith.select %eq3A_341, %jit3A_342, %jit3A_339 : i32
      %rem3A_344 = arith.remsi %scan3A_30, %select_n3A_343 : i32
      %ne3A_345 = arith.constant 0 : i32
      %ne3A_346 = arith.cmpi ne, %rem3A_344, %ne3A_345 : i32
      %lt3A_347 = arith.constant 0 : i32
      %lt3A_348 = arith.cmpi slt, %rem3A_344, %lt3A_347 : i32
      %lt3A_349 = arith.constant 0 : i32
      %lt3A_350 = arith.cmpi slt, %select_n3A_343, %lt3A_349 : i32
      %ne3A_351 = arith.xori %lt3A_348, %lt3A_350 : i1
      %and3A_352 = arith.andi %ne3A_351, %ne3A_346 : i1
      %add3A_353 = arith.addi %rem3A_344, %select_n3A_343 : i32
      %select_n3A_354 = arith.select %and3A_352, %add3A_353, %rem3A_344 : i32
      %eq3A_355 = vector.broadcast %select_n3A_354 : i32 to vector<1x128xi32>
      %eq3A_356 = arith.cmpi eq, %iota3A, %eq3A_355 : vector<1x128xi32>
      %get3A_357 = arith.constant 2 : index
      %get3A_358 = arith.constant 0 : index
      %get3A_359 = arith.index_cast %select_n3A_338 : i32 to index
      %get3A_360 = arith.constant 0 : index
      %get3A_361 = vector.load %arg1[%get3A_357, %get3A_358, %get3A_359, %get3A_360] : memref<4x3x128x128xf32, #tpu.memory_space<vmem>>, vector<1x1x1x128xf32>
      %get3A_362 = vector.shape_cast %get3A_361 : vector<1x1x1x128xf32> to vector<1x128xf32>
      %get3A_363 = arith.constant 2 : index
      %get3A_364 = arith.constant 1 : index
      %get3A_365 = arith.index_cast %select_n3A_338 : i32 to index
      %get3A_366 = arith.constant 0 : index
      %get3A_367 = vector.load %arg1[%get3A_363, %get3A_364, %get3A_365, %get3A_366] : memref<4x3x128x128xf32, #tpu.memory_space<vmem>>, vector<1x1x1x128xf32>
      %get3A_368 = vector.shape_cast %get3A_367 : vector<1x1x1x128xf32> to vector<1x128xf32>
      %get3A_369 = arith.constant 2 : index
      %get3A_370 = arith.constant 2 : index
      %get3A_371 = arith.index_cast %select_n3A_338 : i32 to index
      %get3A_372 = arith.constant 0 : index
      %get3A_373 = vector.load %arg1[%get3A_369, %get3A_370, %get3A_371, %get3A_372] : memref<4x3x128x128xf32, #tpu.memory_space<vmem>>, vector<1x1x1x128xf32>
      %get3A_374 = vector.shape_cast %get3A_373 : vector<1x1x1x128xf32> to vector<1x128xf32>
      %jit3A_375 = arith.constant 0.000000e+00 : f32
      %broadcast_in_dim3A_376 = vector.broadcast %jit3A_375 : f32 to vector<1x128xf32>
      %select_n3A_377 = arith.select %eq3A_356, %get3A_362, %broadcast_in_dim3A_376 : vector<1x128xi1>, vector<1x128xf32>
      %reduce_sum3A_378 = vector.shape_cast %select_n3A_377 : vector<1x128xf32> to vector<1x1x128xf32>
      %reduce_sum3A_379 = arith.constant dense<0.000000e+00> : vector<1xf32>
      %reduce_sum3A_380 = vector.multi_reduction <add>, %reduce_sum3A_378, %reduce_sum3A_379 [1, 2] : vector<1x1x128xf32> to vector<1xf32>
      %reduce_sum3A_381 = vector.shape_cast %reduce_sum3A_380 : vector<1xf32> to vector<1x1x1xf32>
      %reduce_sum3A_382 = vector.extract %reduce_sum3A_381[0, 0, 0] : f32 from vector<1x1x1xf32>
      %jit3A_383 = arith.constant 0.000000e+00 : f32
      %broadcast_in_dim3A_384 = vector.broadcast %jit3A_383 : f32 to vector<1x128xf32>
      %select_n3A_385 = arith.select %eq3A_356, %get3A_368, %broadcast_in_dim3A_384 : vector<1x128xi1>, vector<1x128xf32>
      %reduce_sum3A_386 = vector.shape_cast %select_n3A_385 : vector<1x128xf32> to vector<1x1x128xf32>
      %reduce_sum3A_387 = arith.constant dense<0.000000e+00> : vector<1xf32>
      %reduce_sum3A_388 = vector.multi_reduction <add>, %reduce_sum3A_386, %reduce_sum3A_387 [1, 2] : vector<1x1x128xf32> to vector<1xf32>
      %reduce_sum3A_389 = vector.shape_cast %reduce_sum3A_388 : vector<1xf32> to vector<1x1x1xf32>
      %reduce_sum3A_390 = vector.extract %reduce_sum3A_389[0, 0, 0] : f32 from vector<1x1x1xf32>
      %jit3A_391 = arith.constant 0.000000e+00 : f32
      %broadcast_in_dim3A_392 = vector.broadcast %jit3A_391 : f32 to vector<1x128xf32>
      %select_n3A_393 = arith.select %eq3A_356, %get3A_374, %broadcast_in_dim3A_392 : vector<1x128xi1>, vector<1x128xf32>
      %reduce_sum3A_394 = vector.shape_cast %select_n3A_393 : vector<1x128xf32> to vector<1x1x128xf32>
      %reduce_sum3A_395 = arith.constant dense<0.000000e+00> : vector<1xf32>
      %reduce_sum3A_396 = vector.multi_reduction <add>, %reduce_sum3A_394, %reduce_sum3A_395 [1, 2] : vector<1x1x128xf32> to vector<1xf32>
      %reduce_sum3A_397 = vector.shape_cast %reduce_sum3A_396 : vector<1xf32> to vector<1x1x1xf32>
      %reduce_sum3A_398 = vector.extract %reduce_sum3A_397[0, 0, 0] : f32 from vector<1x1x1xf32>
      %swap3A_399 = arith.constant 2 : index
      %swap3A_400 = arith.constant 0 : index
      %swap3A_401 = arith.index_cast %scan3A_27 : i32 to index
      %swap3A_402 = memref.load %arg2[%swap3A_399, %swap3A_400, %swap3A_401] : memref<4x3x1024xf32, #tpu.memory_space<smem>>
      memref.store %reduce_sum3A_382, %arg2[%swap3A_399, %swap3A_400, %swap3A_401] : memref<4x3x1024xf32, #tpu.memory_space<smem>>
      %swap3A_403 = arith.constant 2 : index
      %swap3A_404 = arith.constant 1 : index
      %swap3A_405 = arith.index_cast %scan3A_27 : i32 to index
      %swap3A_406 = memref.load %arg2[%swap3A_403, %swap3A_404, %swap3A_405] : memref<4x3x1024xf32, #tpu.memory_space<smem>>
      memref.store %reduce_sum3A_390, %arg2[%swap3A_403, %swap3A_404, %swap3A_405] : memref<4x3x1024xf32, #tpu.memory_space<smem>>
      %swap3A_407 = arith.constant 2 : index
      %swap3A_408 = arith.constant 2 : index
      %swap3A_409 = arith.index_cast %scan3A_27 : i32 to index
      %swap3A_410 = memref.load %arg2[%swap3A_407, %swap3A_408, %swap3A_409] : memref<4x3x1024xf32, #tpu.memory_space<smem>>
      memref.store %reduce_sum3A_398, %arg2[%swap3A_407, %swap3A_408, %swap3A_409] : memref<4x3x1024xf32, #tpu.memory_space<smem>>
      %get3A_411 = arith.constant 2 : index
      %get3A_412 = arith.constant 0 : index
      %get3A_413 = arith.constant 0 : index
      %get3A_414 = arith.constant 0 : index
      %get3A_415 = vector.load %arg1[%get3A_411, %get3A_412, %get3A_413, %get3A_414] : memref<4x3x128x128xf32, #tpu.memory_space<vmem>>, vector<1x1x128x128xf32>
      %get3A_416 = vector.shape_cast %get3A_415 : vector<1x1x128x128xf32> to vector<128x128xf32>
      %sub3A_417 = vector.broadcast %reduce_sum3A_382 : f32 to vector<128x128xf32>
      %sub3A_418 = arith.subf %get3A_416, %sub3A_417 : vector<128x128xf32>
      %get3A_419 = arith.constant 2 : index
      %get3A_420 = arith.constant 1 : index
      %get3A_421 = arith.constant 0 : index
      %get3A_422 = arith.constant 0 : index
      %get3A_423 = vector.load %arg1[%get3A_419, %get3A_420, %get3A_421, %get3A_422] : memref<4x3x128x128xf32, #tpu.memory_space<vmem>>, vector<1x1x128x128xf32>
      %get3A_424 = vector.shape_cast %get3A_423 : vector<1x1x128x128xf32> to vector<128x128xf32>
      %sub3A_425 = vector.broadcast %reduce_sum3A_390 : f32 to vector<128x128xf32>
      %sub3A_426 = arith.subf %get3A_424, %sub3A_425 : vector<128x128xf32>
      %get3A_427 = arith.constant 2 : index
      %get3A_428 = arith.constant 2 : index
      %get3A_429 = arith.constant 0 : index
      %get3A_430 = arith.constant 0 : index
      %get3A_431 = vector.load %arg1[%get3A_427, %get3A_428, %get3A_429, %get3A_430] : memref<4x3x128x128xf32, #tpu.memory_space<vmem>>, vector<1x1x128x128xf32>
      %get3A_432 = vector.shape_cast %get3A_431 : vector<1x1x128x128xf32> to vector<128x128xf32>
      %sub3A_433 = vector.broadcast %reduce_sum3A_398 : f32 to vector<128x128xf32>
      %sub3A_434 = arith.subf %get3A_432, %sub3A_433 : vector<128x128xf32>
      %mul3A_435 = arith.mulf %sub3A_418, %sub3A_418 : vector<128x128xf32>
      %mul3A_436 = arith.mulf %sub3A_434, %sub3A_434 : vector<128x128xf32>
      %add3A_437 = arith.addf %mul3A_435, %mul3A_436 : vector<128x128xf32>
      %mul3A_438 = arith.mulf %sub3A_426, %sub3A_426 : vector<128x128xf32>
      %add3A_439 = arith.addf %add3A_437, %mul3A_438 : vector<128x128xf32>
      %get3A_440 = arith.constant 0 : index
      %get3A_441 = arith.constant 0 : index
      %get3A_442 = vector.load %arg5[%get3A_440, %get3A_441] : memref<128x128xf32, #tpu.memory_space<vmem>>, vector<128x128xf32>
      %min3A_443 = arith.minimumf %get3A_442, %add3A_439 : vector<128x128xf32>
      %swap3A_444 = arith.constant 0 : index
      %swap3A_445 = arith.constant 0 : index
      %swap3A_446 = vector.load %arg5[%swap3A_444, %swap3A_445] : memref<128x128xf32, #tpu.memory_space<vmem>>, vector<128x128xf32>
      tpu.vector_store %arg5[%swap3A_444, %swap3A_445], %min3A_443 {strides = array<i32>} : memref<128x128xf32, #tpu.memory_space<vmem>>, vector<128x128xf32>,
      %reduce_max3A_447 = vector.shape_cast %min3A_443 : vector<128x128xf32> to vector<1x128x128xf32>
      %reduce_max3A_448 = arith.constant dense<0xFF800000> : vector<1xf32>
      %reduce_max3A_449 = vector.multi_reduction <maximumf>, %reduce_max3A_447, %reduce_max3A_448 [1, 2] : vector<1x128x128xf32> to vector<1xf32>
      %reduce_max3A_450 = vector.shape_cast %reduce_max3A_449 : vector<1xf32> to vector<1x1x1xf32>
      %reduce_max3A_451 = vector.extract %reduce_max3A_450[0, 0, 0] : f32 from vector<1x1x1xf32>
      %eq3A_452 = vector.broadcast %reduce_max3A_451 : f32 to vector<128x128xf32>
      %eq3A_453 = arith.cmpf oeq, %min3A_443, %eq3A_452 : vector<128x128xf32>
      %jit3A_454 = arith.constant 16384 : i32
      %broadcast_in_dim3A_455 = vector.broadcast %jit3A_454 : i32 to vector<128x128xi32>
      %select_n3A_456 = arith.select %eq3A_453, %add3A, %broadcast_in_dim3A_455 : vector<128x128xi1>, vector<128x128xi32>
      %reduce_min3A_457 = vector.shape_cast %select_n3A_456 : vector<128x128xi32> to vector<1x128x128xi32>
      %reduce_min3A_458 = arith.constant dense<2147483647> : vector<1xi32>
      %reduce_min3A_459 = vector.multi_reduction <minsi>, %reduce_min3A_457, %reduce_min3A_458 [1, 2] : vector<1x128x128xi32> to vector<1xi32>
      %reduce_min3A_460 = vector.shape_cast %reduce_min3A_459 : vector<1xi32> to vector<1x1x1xi32>
      %reduce_min3A_461 = vector.extract %reduce_min3A_460[0, 0, 0] : i32 from vector<1x1x1xi32>
      %jit3A_462 = arith.constant 128 : i32
      %div3A_463 = arith.divsi %scan3A_31, %jit3A_462 : i32
      %sign3A_464 = arith.constant 0 : i32
      %sign3A_465 = arith.cmpi sgt, %scan3A_31, %sign3A_464 : i32
      %sign3A_466 = arith.extui %sign3A_465 : i1 to i32
      %sign3A_467 = arith.constant 0 : i32
      %sign3A_468 = arith.cmpi slt, %scan3A_31, %sign3A_467 : i32
      %sign3A_469 = arith.extui %sign3A_468 : i1 to i32
      %sign3A_470 = arith.subi %sign3A_466, %sign3A_469 : i32
      %sign3A_471 = arith.constant 0 : i32
      %sign3A_472 = arith.cmpi sgt, %jit3A_462, %sign3A_471 : i32
      %sign3A_473 = arith.extui %sign3A_472 : i1 to i32
      %sign3A_474 = arith.constant 0 : i32
      %sign3A_475 = arith.cmpi slt, %jit3A_462, %sign3A_474 : i32
      %sign3A_476 = arith.extui %sign3A_475 : i1 to i32
      %sign3A_477 = arith.subi %sign3A_473, %sign3A_476 : i32
      %ne3A_478 = arith.cmpi ne, %sign3A_470, %sign3A_477 : i32
      %rem3A_479 = arith.remsi %scan3A_31, %jit3A_462 : i32
      %ne3A_480 = arith.constant 0 : i32
      %ne3A_481 = arith.cmpi ne, %rem3A_479, %ne3A_480 : i32
      %and3A_482 = arith.andi %ne3A_478, %ne3A_481 : i1
      %sub3A_483 = arith.constant 1 : i32
      %sub3A_484 = arith.subi %div3A_463, %sub3A_483 : i32
      %select_n3A_485 = arith.select %and3A_482, %sub3A_484, %div3A_463 : i32
      %jit3A_486 = arith.constant 128 : i32
      %eq3A_487 = arith.constant 0 : i32
      %eq3A_488 = arith.cmpi eq, %jit3A_486, %eq3A_487 : i32
      %jit3A_489 = arith.constant 1 : i32
      %select_n3A_490 = arith.select %eq3A_488, %jit3A_489, %jit3A_486 : i32
      %rem3A_491 = arith.remsi %scan3A_31, %select_n3A_490 : i32
      %ne3A_492 = arith.constant 0 : i32
      %ne3A_493 = arith.cmpi ne, %rem3A_491, %ne3A_492 : i32
      %lt3A_494 = arith.constant 0 : i32
      %lt3A_495 = arith.cmpi slt, %rem3A_491, %lt3A_494 : i32
      %lt3A_496 = arith.constant 0 : i32
      %lt3A_497 = arith.cmpi slt, %select_n3A_490, %lt3A_496 : i32
      %ne3A_498 = arith.xori %lt3A_495, %lt3A_497 : i1
      %and3A_499 = arith.andi %ne3A_498, %ne3A_493 : i1
      %add3A_500 = arith.addi %rem3A_491, %select_n3A_490 : i32
      %select_n3A_501 = arith.select %and3A_499, %add3A_500, %rem3A_491 : i32
      %eq3A_502 = vector.broadcast %select_n3A_501 : i32 to vector<1x128xi32>
      %eq3A_503 = arith.cmpi eq, %iota3A, %eq3A_502 : vector<1x128xi32>
      %get3A_504 = arith.constant 3 : index
      %get3A_505 = arith.constant 0 : index
      %get3A_506 = arith.index_cast %select_n3A_485 : i32 to index
      %get3A_507 = arith.constant 0 : index
      %get3A_508 = vector.load %arg1[%get3A_504, %get3A_505, %get3A_506, %get3A_507] : memref<4x3x128x128xf32, #tpu.memory_space<vmem>>, vector<1x1x1x128xf32>
      %get3A_509 = vector.shape_cast %get3A_508 : vector<1x1x1x128xf32> to vector<1x128xf32>
      %get3A_510 = arith.constant 3 : index
      %get3A_511 = arith.constant 1 : index
      %get3A_512 = arith.index_cast %select_n3A_485 : i32 to index
      %get3A_513 = arith.constant 0 : index
      %get3A_514 = vector.load %arg1[%get3A_510, %get3A_511, %get3A_512, %get3A_513] : memref<4x3x128x128xf32, #tpu.memory_space<vmem>>, vector<1x1x1x128xf32>
      %get3A_515 = vector.shape_cast %get3A_514 : vector<1x1x1x128xf32> to vector<1x128xf32>
      %get3A_516 = arith.constant 3 : index
      %get3A_517 = arith.constant 2 : index
      %get3A_518 = arith.index_cast %select_n3A_485 : i32 to index
      %get3A_519 = arith.constant 0 : index
      %get3A_520 = vector.load %arg1[%get3A_516, %get3A_517, %get3A_518, %get3A_519] : memref<4x3x128x128xf32, #tpu.memory_space<vmem>>, vector<1x1x1x128xf32>
      %get3A_521 = vector.shape_cast %get3A_520 : vector<1x1x1x128xf32> to vector<1x128xf32>
      %jit3A_522 = arith.constant 0.000000e+00 : f32
      %broadcast_in_dim3A_523 = vector.broadcast %jit3A_522 : f32 to vector<1x128xf32>
      %select_n3A_524 = arith.select %eq3A_503, %get3A_509, %broadcast_in_dim3A_523 : vector<1x128xi1>, vector<1x128xf32>
      %reduce_sum3A_525 = vector.shape_cast %select_n3A_524 : vector<1x128xf32> to vector<1x1x128xf32>
      %reduce_sum3A_526 = arith.constant dense<0.000000e+00> : vector<1xf32>
      %reduce_sum3A_527 = vector.multi_reduction <add>, %reduce_sum3A_525, %reduce_sum3A_526 [1, 2] : vector<1x1x128xf32> to vector<1xf32>
      %reduce_sum3A_528 = vector.shape_cast %reduce_sum3A_527 : vector<1xf32> to vector<1x1x1xf32>
      %reduce_sum3A_529 = vector.extract %reduce_sum3A_528[0, 0, 0] : f32 from vector<1x1x1xf32>
      %jit3A_530 = arith.constant 0.000000e+00 : f32
      %broadcast_in_dim3A_531 = vector.broadcast %jit3A_530 : f32 to vector<1x128xf32>
      %select_n3A_532 = arith.select %eq3A_503, %get3A_515, %broadcast_in_dim3A_531 : vector<1x128xi1>, vector<1x128xf32>
      %reduce_sum3A_533 = vector.shape_cast %select_n3A_532 : vector<1x128xf32> to vector<1x1x128xf32>
      %reduce_sum3A_534 = arith.constant dense<0.000000e+00> : vector<1xf32>
      %reduce_sum3A_535 = vector.multi_reduction <add>, %reduce_sum3A_533, %reduce_sum3A_534 [1, 2] : vector<1x1x128xf32> to vector<1xf32>
      %reduce_sum3A_536 = vector.shape_cast %reduce_sum3A_535 : vector<1xf32> to vector<1x1x1xf32>
      %reduce_sum3A_537 = vector.extract %reduce_sum3A_536[0, 0, 0] : f32 from vector<1x1x1xf32>
      %jit3A_538 = arith.constant 0.000000e+00 : f32
      %broadcast_in_dim3A_539 = vector.broadcast %jit3A_538 : f32 to vector<1x128xf32>
      %select_n3A_540 = arith.select %eq3A_503, %get3A_521, %broadcast_in_dim3A_539 : vector<1x128xi1>, vector<1x128xf32>
      %reduce_sum3A_541 = vector.shape_cast %select_n3A_540 : vector<1x128xf32> to vector<1x1x128xf32>
      %reduce_sum3A_542 = arith.constant dense<0.000000e+00> : vector<1xf32>
      %reduce_sum3A_543 = vector.multi_reduction <add>, %reduce_sum3A_541, %reduce_sum3A_542 [1, 2] : vector<1x1x128xf32> to vector<1xf32>
      %reduce_sum3A_544 = vector.shape_cast %reduce_sum3A_543 : vector<1xf32> to vector<1x1x1xf32>
      %reduce_sum3A_545 = vector.extract %reduce_sum3A_544[0, 0, 0] : f32 from vector<1x1x1xf32>
      %swap3A_546 = arith.constant 3 : index
      %swap3A_547 = arith.constant 0 : index
      %swap3A_548 = arith.index_cast %scan3A_27 : i32 to index
      %swap3A_549 = memref.load %arg2[%swap3A_546, %swap3A_547, %swap3A_548] : memref<4x3x1024xf32, #tpu.memory_space<smem>>
      memref.store %reduce_sum3A_529, %arg2[%swap3A_546, %swap3A_547, %swap3A_548] : memref<4x3x1024xf32, #tpu.memory_space<smem>>
      %swap3A_550 = arith.constant 3 : index
      %swap3A_551 = arith.constant 1 : index
      %swap3A_552 = arith.index_cast %scan3A_27 : i32 to index
      %swap3A_553 = memref.load %arg2[%swap3A_550, %swap3A_551, %swap3A_552] : memref<4x3x1024xf32, #tpu.memory_space<smem>>
      memref.store %reduce_sum3A_537, %arg2[%swap3A_550, %swap3A_551, %swap3A_552] : memref<4x3x1024xf32, #tpu.memory_space<smem>>
      %swap3A_554 = arith.constant 3 : index
      %swap3A_555 = arith.constant 2 : index
      %swap3A_556 = arith.index_cast %scan3A_27 : i32 to index
      %swap3A_557 = memref.load %arg2[%swap3A_554, %swap3A_555, %swap3A_556] : memref<4x3x1024xf32, #tpu.memory_space<smem>>
      memref.store %reduce_sum3A_545, %arg2[%swap3A_554, %swap3A_555, %swap3A_556] : memref<4x3x1024xf32, #tpu.memory_space<smem>>
      %get3A_558 = arith.constant 3 : index
      %get3A_559 = arith.constant 0 : index
      %get3A_560 = arith.constant 0 : index
      %get3A_561 = arith.constant 0 : index
      %get3A_562 = vector.load %arg1[%get3A_558, %get3A_559, %get3A_560, %get3A_561] : memref<4x3x128x128xf32, #tpu.memory_space<vmem>>, vector<1x1x128x128xf32>
      %get3A_563 = vector.shape_cast %get3A_562 : vector<1x1x128x128xf32> to vector<128x128xf32>
      %sub3A_564 = vector.broadcast %reduce_sum3A_529 : f32 to vector<128x128xf32>
      %sub3A_565 = arith.subf %get3A_563, %sub3A_564 : vector<128x128xf32>
      %get3A_566 = arith.constant 3 : index
      %get3A_567 = arith.constant 1 : index
      %get3A_568 = arith.constant 0 : index
      %get3A_569 = arith.constant 0 : index
      %get3A_570 = vector.load %arg1[%get3A_566, %get3A_567, %get3A_568, %get3A_569] : memref<4x3x128x128xf32, #tpu.memory_space<vmem>>, vector<1x1x128x128xf32>
      %get3A_571 = vector.shape_cast %get3A_570 : vector<1x1x128x128xf32> to vector<128x128xf32>
      %sub3A_572 = vector.broadcast %reduce_sum3A_537 : f32 to vector<128x128xf32>
      %sub3A_573 = arith.subf %get3A_571, %sub3A_572 : vector<128x128xf32>
      %get3A_574 = arith.constant 3 : index
      %get3A_575 = arith.constant 2 : index
      %get3A_576 = arith.constant 0 : index
      %get3A_577 = arith.constant 0 : index
      %get3A_578 = vector.load %arg1[%get3A_574, %get3A_575, %get3A_576, %get3A_577] : memref<4x3x128x128xf32, #tpu.memory_space<vmem>>, vector<1x1x128x128xf32>
      %get3A_579 = vector.shape_cast %get3A_578 : vector<1x1x128x128xf32> to vector<128x128xf32>
      %sub3A_580 = vector.broadcast %reduce_sum3A_545 : f32 to vector<128x128xf32>
      %sub3A_581 = arith.subf %get3A_579, %sub3A_580 : vector<128x128xf32>
      %mul3A_582 = arith.mulf %sub3A_565, %sub3A_565 : vector<128x128xf32>
      %mul3A_583 = arith.mulf %sub3A_581, %sub3A_581 : vector<128x128xf32>
      %add3A_584 = arith.addf %mul3A_582, %mul3A_583 : vector<128x128xf32>
      %mul3A_585 = arith.mulf %sub3A_573, %sub3A_573 : vector<128x128xf32>
      %add3A_586 = arith.addf %add3A_584, %mul3A_585 : vector<128x128xf32>
      %get3A_587 = arith.constant 0 : index
      %get3A_588 = arith.constant 0 : index
      %get3A_589 = vector.load %arg6[%get3A_587, %get3A_588] : memref<128x128xf32, #tpu.memory_space<vmem>>, vector<128x128xf32>
      %min3A_590 = arith.minimumf %get3A_589, %add3A_586 : vector<128x128xf32>
      %swap3A_591 = arith.constant 0 : index
      %swap3A_592 = arith.constant 0 : index
      %swap3A_593 = vector.load %arg6[%swap3A_591, %swap3A_592] : memref<128x128xf32, #tpu.memory_space<vmem>>, vector<128x128xf32>
      tpu.vector_store %arg6[%swap3A_591, %swap3A_592], %min3A_590 {strides = array<i32>} : memref<128x128xf32, #tpu.memory_space<vmem>>, vector<128x128xf32>,
      %reduce_max3A_594 = vector.shape_cast %min3A_590 : vector<128x128xf32> to vector<1x128x128xf32>
      %reduce_max3A_595 = arith.constant dense<0xFF800000> : vector<1xf32>
      %reduce_max3A_596 = vector.multi_reduction <maximumf>, %reduce_max3A_594, %reduce_max3A_595 [1, 2] : vector<1x128x128xf32> to vector<1xf32>
      %reduce_max3A_597 = vector.shape_cast %reduce_max3A_596 : vector<1xf32> to vector<1x1x1xf32>
      %reduce_max3A_598 = vector.extract %reduce_max3A_597[0, 0, 0] : f32 from vector<1x1x1xf32>
      %eq3A_599 = vector.broadcast %reduce_max3A_598 : f32 to vector<128x128xf32>
      %eq3A_600 = arith.cmpf oeq, %min3A_590, %eq3A_599 : vector<128x128xf32>
      %jit3A_601 = arith.constant 16384 : i32
      %broadcast_in_dim3A_602 = vector.broadcast %jit3A_601 : i32 to vector<128x128xi32>
      %select_n3A_603 = arith.select %eq3A_600, %add3A, %broadcast_in_dim3A_602 : vector<128x128xi1>, vector<128x128xi32>
      %reduce_min3A_604 = vector.shape_cast %select_n3A_603 : vector<128x128xi32> to vector<1x128x128xi32>
      %reduce_min3A_605 = arith.constant dense<2147483647> : vector<1xi32>
      %reduce_min3A_606 = vector.multi_reduction <minsi>, %reduce_min3A_604, %reduce_min3A_605 [1, 2] : vector<1x128x128xi32> to vector<1xi32>
      %reduce_min3A_607 = vector.shape_cast %reduce_min3A_606 : vector<1xi32> to vector<1x1x1xi32>
      %reduce_min3A_608 = vector.extract %reduce_min3A_607[0, 0, 0] : i32 from vector<1x1x1xi32>
      scf.yield %reduce_min3A_167, %reduce_min3A_314, %reduce_min3A_461, %reduce_min3A_608 : i32, i32, i32, i32
    }
    %scan3A_26 = arith.constant 1024 : i32
    return
  }
  func.func @transform_0(%arg0: i32) -> (i32, i32, i32, i32) {
    %c0_i32 = arith.constant 0 : i32
    %c0_i32_0 = arith.constant 0 : i32
    %c0_i32_1 = arith.constant 0 : i32
    %c0_i32_2 = arith.constant 0 : i32
    %c0_i32_3 = arith.constant 0 : i32
    return %c0_i32, %c0_i32_0, %c0_i32_1, %c0_i32_2 : i32, i32, i32, i32
  }
  func.func @transform_1(%arg0: i32) -> (i32, i32, i32) {
    %c0_i32 = arith.constant 0 : i32
    %c0_i32_0 = arith.constant 0 : i32
    %c0_i32_1 = arith.constant 0 : i32
    %c0_i32_2 = arith.constant 0 : i32
    return %c0_i32, %c0_i32_0, %c0_i32_1 : i32, i32, i32
  }
}

module attributes {stable_mosaic.version = 14 : i64} {
  func.func @_bq_body(%arg0: i32, %arg1: memref<1x3x16384xf32, #tpu.memory_space<vmem>>, %arg2: memref<1x128x3xf32, #tpu.memory_space<vmem>>, %arg3: memref<1x128x16xi32, #tpu.memory_space<vmem>>) attributes {dimension_semantics = [#tpu.dimension_semantics<arbitrary>], iteration_bounds = array<i64: 32>, scalar_prefetch = 0 : i64, scratch_operands = 0 : i64, tpu.core_type = #tpu.core_type<tc>, window_params = [{transform_indices = @transform_0, window_bounds = array<i64: 1, 3, 16384>}, {transform_indices = @transform_1, window_bounds = array<i64: 1, 128, 3>}, {transform_indices = @transform_2, window_bounds = array<i64: 1, 128, 16>}]} {
    %jit3A = arith.constant 8 : i32
    %div3A = arith.divsi %arg0, %jit3A : i32
    %sign3A = arith.constant 0 : i32
    %sign3A_0 = arith.cmpi sgt, %arg0, %sign3A : i32
    %sign3A_1 = arith.extui %sign3A_0 : i1 to i32
    %sign3A_2 = arith.constant 0 : i32
    %sign3A_3 = arith.cmpi slt, %arg0, %sign3A_2 : i32
    %sign3A_4 = arith.extui %sign3A_3 : i1 to i32
    %sign3A_5 = arith.subi %sign3A_1, %sign3A_4 : i32
    %sign3A_6 = arith.constant 0 : i32
    %sign3A_7 = arith.cmpi sgt, %jit3A, %sign3A_6 : i32
    %sign3A_8 = arith.extui %sign3A_7 : i1 to i32
    %sign3A_9 = arith.constant 0 : i32
    %sign3A_10 = arith.cmpi slt, %jit3A, %sign3A_9 : i32
    %sign3A_11 = arith.extui %sign3A_10 : i1 to i32
    %sign3A_12 = arith.subi %sign3A_8, %sign3A_11 : i32
    %ne3A = arith.cmpi ne, %sign3A_5, %sign3A_12 : i32
    %rem3A = arith.remsi %arg0, %jit3A : i32
    %ne3A_13 = arith.constant 0 : i32
    %ne3A_14 = arith.cmpi ne, %rem3A, %ne3A_13 : i32
    %and3A = arith.andi %ne3A, %ne3A_14 : i1
    %sub3A = arith.constant 1 : i32
    %sub3A_15 = arith.subi %div3A, %sub3A : i32
    %select_n3A = arith.select %and3A, %sub3A_15, %div3A : i32
    %get3A = arith.constant 0 : index
    %get3A_16 = arith.constant 0 : index
    %get3A_17 = arith.constant 0 : index
    %get3A_18 = vector.load %arg1[%get3A, %get3A_16, %get3A_17] : memref<1x3x16384xf32, #tpu.memory_space<vmem>>, vector<1x1x16384xf32>
    %get3A_19 = vector.shape_cast %get3A_18 : vector<1x1x16384xf32> to vector<16384xf32>
    %reshape3A = vector.shape_cast %get3A_19 : vector<16384xf32> to vector<1x16384xf32>
    %get3A_20 = arith.constant 0 : index
    %get3A_21 = arith.constant 1 : index
    %get3A_22 = arith.constant 0 : index
    %get3A_23 = vector.load %arg1[%get3A_20, %get3A_21, %get3A_22] : memref<1x3x16384xf32, #tpu.memory_space<vmem>>, vector<1x1x16384xf32>
    %get3A_24 = vector.shape_cast %get3A_23 : vector<1x1x16384xf32> to vector<16384xf32>
    %reshape3A_25 = vector.shape_cast %get3A_24 : vector<16384xf32> to vector<1x16384xf32>
    %get3A_26 = arith.constant 0 : index
    %get3A_27 = arith.constant 2 : index
    %get3A_28 = arith.constant 0 : index
    %get3A_29 = vector.load %arg1[%get3A_26, %get3A_27, %get3A_28] : memref<1x3x16384xf32, #tpu.memory_space<vmem>>, vector<1x1x16384xf32>
    %get3A_30 = vector.shape_cast %get3A_29 : vector<1x1x16384xf32> to vector<16384xf32>
    %reshape3A_31 = vector.shape_cast %get3A_30 : vector<16384xf32> to vector<1x16384xf32>
    %get3A_32 = arith.constant 0 : index
    %get3A_33 = arith.constant 0 : index
    %get3A_34 = arith.constant 0 : index
    %get3A_35 = vector.load %arg2[%get3A_32, %get3A_33, %get3A_34] : memref<1x128x3xf32, #tpu.memory_space<vmem>>, vector<1x128x3xf32>
    %get3A_36 = vector.shape_cast %get3A_35 : vector<1x128x3xf32> to vector<128x3xf32>
    %slice3A = vector.extract_strided_slice %get3A_36 {offsets = [0, 0], sizes = [128, 1], strides = [1, 1]} : vector<128x3xf32> to vector<128x1xf32>
    %get3A_37 = arith.constant 0 : index
    %get3A_38 = arith.constant 0 : index
    %get3A_39 = arith.constant 0 : index
    %get3A_40 = vector.load %arg2[%get3A_37, %get3A_38, %get3A_39] : memref<1x128x3xf32, #tpu.memory_space<vmem>>, vector<1x128x3xf32>
    %get3A_41 = vector.shape_cast %get3A_40 : vector<1x128x3xf32> to vector<128x3xf32>
    %slice3A_42 = vector.extract_strided_slice %get3A_41 {offsets = [0, 1], sizes = [128, 1], strides = [1, 1]} : vector<128x3xf32> to vector<128x1xf32>
    %get3A_43 = arith.constant 0 : index
    %get3A_44 = arith.constant 0 : index
    %get3A_45 = arith.constant 0 : index
    %get3A_46 = vector.load %arg2[%get3A_43, %get3A_44, %get3A_45] : memref<1x128x3xf32, #tpu.memory_space<vmem>>, vector<1x128x3xf32>
    %get3A_47 = vector.shape_cast %get3A_46 : vector<1x128x3xf32> to vector<128x3xf32>
    %slice3A_48 = vector.extract_strided_slice %get3A_47 {offsets = [0, 2], sizes = [128, 1], strides = [1, 1]} : vector<128x3xf32> to vector<128x1xf32>
    %sub3A_49 = vector.broadcast %reshape3A : vector<1x16384xf32> to vector<128x16384xf32>
    %sub3A_50 = vector.broadcast %slice3A : vector<128x1xf32> to vector<128x16384xf32>
    %sub3A_51 = arith.subf %sub3A_49, %sub3A_50 : vector<128x16384xf32>
    %sub3A_52 = vector.broadcast %reshape3A_25 : vector<1x16384xf32> to vector<128x16384xf32>
    %sub3A_53 = vector.broadcast %slice3A_42 : vector<128x1xf32> to vector<128x16384xf32>
    %sub3A_54 = arith.subf %sub3A_52, %sub3A_53 : vector<128x16384xf32>
    %sub3A_55 = vector.broadcast %reshape3A_31 : vector<1x16384xf32> to vector<128x16384xf32>
    %sub3A_56 = vector.broadcast %slice3A_48 : vector<128x1xf32> to vector<128x16384xf32>
    %sub3A_57 = arith.subf %sub3A_55, %sub3A_56 : vector<128x16384xf32>
    %mul3A = arith.mulf %sub3A_51, %sub3A_51 : vector<128x16384xf32>
    %mul3A_58 = arith.mulf %sub3A_57, %sub3A_57 : vector<128x16384xf32>
    %add3A = arith.addf %mul3A, %mul3A_58 : vector<128x16384xf32>
    %mul3A_59 = arith.mulf %sub3A_54, %sub3A_54 : vector<128x16384xf32>
    %add3A_60 = arith.addf %add3A, %mul3A_59 : vector<128x16384xf32>
    %iota3A = tpu.iota {dimensions = array<i32: 1>} : vector<1x16384xi32>
    %le3A = arith.constant 2.500000e-01 : f32
    %le3A_61 = vector.broadcast %le3A : f32 to vector<128x16384xf32>
    %le3A_62 = arith.cmpf ole, %add3A_60, %le3A_61 : vector<128x16384xf32>
    %jit3A_63 = arith.constant 16384 : i32
    %broadcast_in_dim3A = vector.shape_cast %iota3A : vector<1x16384xi32> to vector<1x16384xi32>
    %broadcast_in_dim3A_64 = vector.broadcast %broadcast_in_dim3A : vector<1x16384xi32> to vector<128x16384xi32>
    %broadcast_in_dim3A_65 = vector.broadcast %jit3A_63 : i32 to vector<128x16384xi32>
    %select_n3A_66 = arith.select %le3A_62, %broadcast_in_dim3A_64, %broadcast_in_dim3A_65 : vector<128x16384xi1>, vector<128x16384xi32>
    %reduce_min3A = arith.constant dense<2147483647> : vector<128xi32>
    %reduce_min3A_67 = vector.multi_reduction <minsi>, %select_n3A_66, %reduce_min3A [1] : vector<128x16384xi32> to vector<128xi32>
    %broadcast_in_dim3A_68 = vector.shape_cast %reduce_min3A_67 : vector<128xi32> to vector<128x1xi32>
    %eq3A = vector.broadcast %broadcast_in_dim3A_68 : vector<128x1xi32> to vector<128x16384xi32>
    %eq3A_69 = arith.cmpi eq, %select_n3A_66, %eq3A : vector<128x16384xi32>
    %jit3A_70 = arith.constant 16384 : i32
    %broadcast_in_dim3A_71 = vector.broadcast %jit3A_70 : i32 to vector<128x16384xi32>
    %select_n3A_72 = arith.select %eq3A_69, %broadcast_in_dim3A_71, %select_n3A_66 : vector<128x16384xi1>, vector<128x16384xi32>
    %reduce_min3A_73 = arith.constant dense<2147483647> : vector<128xi32>
    %reduce_min3A_74 = vector.multi_reduction <minsi>, %select_n3A_72, %reduce_min3A_73 [1] : vector<128x16384xi32> to vector<128xi32>
    %broadcast_in_dim3A_75 = vector.shape_cast %reduce_min3A_74 : vector<128xi32> to vector<128x1xi32>
    %eq3A_76 = vector.broadcast %broadcast_in_dim3A_75 : vector<128x1xi32> to vector<128x16384xi32>
    %eq3A_77 = arith.cmpi eq, %select_n3A_72, %eq3A_76 : vector<128x16384xi32>
    %jit3A_78 = arith.constant 16384 : i32
    %broadcast_in_dim3A_79 = vector.broadcast %jit3A_78 : i32 to vector<128x16384xi32>
    %select_n3A_80 = arith.select %eq3A_77, %broadcast_in_dim3A_79, %select_n3A_72 : vector<128x16384xi1>, vector<128x16384xi32>
    %reduce_min3A_81 = arith.constant dense<2147483647> : vector<128xi32>
    %reduce_min3A_82 = vector.multi_reduction <minsi>, %select_n3A_80, %reduce_min3A_81 [1] : vector<128x16384xi32> to vector<128xi32>
    %broadcast_in_dim3A_83 = vector.shape_cast %reduce_min3A_82 : vector<128xi32> to vector<128x1xi32>
    %eq3A_84 = vector.broadcast %broadcast_in_dim3A_83 : vector<128x1xi32> to vector<128x16384xi32>
    %eq3A_85 = arith.cmpi eq, %select_n3A_80, %eq3A_84 : vector<128x16384xi32>
    %jit3A_86 = arith.constant 16384 : i32
    %broadcast_in_dim3A_87 = vector.broadcast %jit3A_86 : i32 to vector<128x16384xi32>
    %select_n3A_88 = arith.select %eq3A_85, %broadcast_in_dim3A_87, %select_n3A_80 : vector<128x16384xi1>, vector<128x16384xi32>
    %reduce_min3A_89 = arith.constant dense<2147483647> : vector<128xi32>
    %reduce_min3A_90 = vector.multi_reduction <minsi>, %select_n3A_88, %reduce_min3A_89 [1] : vector<128x16384xi32> to vector<128xi32>
    %broadcast_in_dim3A_91 = vector.shape_cast %reduce_min3A_90 : vector<128xi32> to vector<128x1xi32>
    %eq3A_92 = vector.broadcast %broadcast_in_dim3A_91 : vector<128x1xi32> to vector<128x16384xi32>
    %eq3A_93 = arith.cmpi eq, %select_n3A_88, %eq3A_92 : vector<128x16384xi32>
    %jit3A_94 = arith.constant 16384 : i32
    %broadcast_in_dim3A_95 = vector.broadcast %jit3A_94 : i32 to vector<128x16384xi32>
    %select_n3A_96 = arith.select %eq3A_93, %broadcast_in_dim3A_95, %select_n3A_88 : vector<128x16384xi1>, vector<128x16384xi32>
    %reduce_min3A_97 = arith.constant dense<2147483647> : vector<128xi32>
    %reduce_min3A_98 = vector.multi_reduction <minsi>, %select_n3A_96, %reduce_min3A_97 [1] : vector<128x16384xi32> to vector<128xi32>
    %broadcast_in_dim3A_99 = vector.shape_cast %reduce_min3A_98 : vector<128xi32> to vector<128x1xi32>
    %eq3A_100 = vector.broadcast %broadcast_in_dim3A_99 : vector<128x1xi32> to vector<128x16384xi32>
    %eq3A_101 = arith.cmpi eq, %select_n3A_96, %eq3A_100 : vector<128x16384xi32>
    %jit3A_102 = arith.constant 16384 : i32
    %broadcast_in_dim3A_103 = vector.broadcast %jit3A_102 : i32 to vector<128x16384xi32>
    %select_n3A_104 = arith.select %eq3A_101, %broadcast_in_dim3A_103, %select_n3A_96 : vector<128x16384xi1>, vector<128x16384xi32>
    %reduce_min3A_105 = arith.constant dense<2147483647> : vector<128xi32>
    %reduce_min3A_106 = vector.multi_reduction <minsi>, %select_n3A_104, %reduce_min3A_105 [1] : vector<128x16384xi32> to vector<128xi32>
    %broadcast_in_dim3A_107 = vector.shape_cast %reduce_min3A_106 : vector<128xi32> to vector<128x1xi32>
    %eq3A_108 = vector.broadcast %broadcast_in_dim3A_107 : vector<128x1xi32> to vector<128x16384xi32>
    %eq3A_109 = arith.cmpi eq, %select_n3A_104, %eq3A_108 : vector<128x16384xi32>
    %jit3A_110 = arith.constant 16384 : i32
    %broadcast_in_dim3A_111 = vector.broadcast %jit3A_110 : i32 to vector<128x16384xi32>
    %select_n3A_112 = arith.select %eq3A_109, %broadcast_in_dim3A_111, %select_n3A_104 : vector<128x16384xi1>, vector<128x16384xi32>
    %reduce_min3A_113 = arith.constant dense<2147483647> : vector<128xi32>
    %reduce_min3A_114 = vector.multi_reduction <minsi>, %select_n3A_112, %reduce_min3A_113 [1] : vector<128x16384xi32> to vector<128xi32>
    %broadcast_in_dim3A_115 = vector.shape_cast %reduce_min3A_114 : vector<128xi32> to vector<128x1xi32>
    %eq3A_116 = vector.broadcast %broadcast_in_dim3A_115 : vector<128x1xi32> to vector<128x16384xi32>
    %eq3A_117 = arith.cmpi eq, %select_n3A_112, %eq3A_116 : vector<128x16384xi32>
    %jit3A_118 = arith.constant 16384 : i32
    %broadcast_in_dim3A_119 = vector.broadcast %jit3A_118 : i32 to vector<128x16384xi32>
    %select_n3A_120 = arith.select %eq3A_117, %broadcast_in_dim3A_119, %select_n3A_112 : vector<128x16384xi1>, vector<128x16384xi32>
    %reduce_min3A_121 = arith.constant dense<2147483647> : vector<128xi32>
    %reduce_min3A_122 = vector.multi_reduction <minsi>, %select_n3A_120, %reduce_min3A_121 [1] : vector<128x16384xi32> to vector<128xi32>
    %broadcast_in_dim3A_123 = vector.shape_cast %reduce_min3A_122 : vector<128xi32> to vector<128x1xi32>
    %eq3A_124 = vector.broadcast %broadcast_in_dim3A_123 : vector<128x1xi32> to vector<128x16384xi32>
    %eq3A_125 = arith.cmpi eq, %select_n3A_120, %eq3A_124 : vector<128x16384xi32>
    %jit3A_126 = arith.constant 16384 : i32
    %broadcast_in_dim3A_127 = vector.broadcast %jit3A_126 : i32 to vector<128x16384xi32>
    %select_n3A_128 = arith.select %eq3A_125, %broadcast_in_dim3A_127, %select_n3A_120 : vector<128x16384xi1>, vector<128x16384xi32>
    %reduce_min3A_129 = arith.constant dense<2147483647> : vector<128xi32>
    %reduce_min3A_130 = vector.multi_reduction <minsi>, %select_n3A_128, %reduce_min3A_129 [1] : vector<128x16384xi32> to vector<128xi32>
    %broadcast_in_dim3A_131 = vector.shape_cast %reduce_min3A_130 : vector<128xi32> to vector<128x1xi32>
    %eq3A_132 = vector.broadcast %broadcast_in_dim3A_131 : vector<128x1xi32> to vector<128x16384xi32>
    %eq3A_133 = arith.cmpi eq, %select_n3A_128, %eq3A_132 : vector<128x16384xi32>
    %jit3A_134 = arith.constant 16384 : i32
    %broadcast_in_dim3A_135 = vector.broadcast %jit3A_134 : i32 to vector<128x16384xi32>
    %select_n3A_136 = arith.select %eq3A_133, %broadcast_in_dim3A_135, %select_n3A_128 : vector<128x16384xi1>, vector<128x16384xi32>
    %reduce_min3A_137 = arith.constant dense<2147483647> : vector<128xi32>
    %reduce_min3A_138 = vector.multi_reduction <minsi>, %select_n3A_136, %reduce_min3A_137 [1] : vector<128x16384xi32> to vector<128xi32>
    %broadcast_in_dim3A_139 = vector.shape_cast %reduce_min3A_138 : vector<128xi32> to vector<128x1xi32>
    %eq3A_140 = vector.broadcast %broadcast_in_dim3A_139 : vector<128x1xi32> to vector<128x16384xi32>
    %eq3A_141 = arith.cmpi eq, %select_n3A_136, %eq3A_140 : vector<128x16384xi32>
    %jit3A_142 = arith.constant 16384 : i32
    %broadcast_in_dim3A_143 = vector.broadcast %jit3A_142 : i32 to vector<128x16384xi32>
    %select_n3A_144 = arith.select %eq3A_141, %broadcast_in_dim3A_143, %select_n3A_136 : vector<128x16384xi1>, vector<128x16384xi32>
    %reduce_min3A_145 = arith.constant dense<2147483647> : vector<128xi32>
    %reduce_min3A_146 = vector.multi_reduction <minsi>, %select_n3A_144, %reduce_min3A_145 [1] : vector<128x16384xi32> to vector<128xi32>
    %broadcast_in_dim3A_147 = vector.shape_cast %reduce_min3A_146 : vector<128xi32> to vector<128x1xi32>
    %eq3A_148 = vector.broadcast %broadcast_in_dim3A_147 : vector<128x1xi32> to vector<128x16384xi32>
    %eq3A_149 = arith.cmpi eq, %select_n3A_144, %eq3A_148 : vector<128x16384xi32>
    %jit3A_150 = arith.constant 16384 : i32
    %broadcast_in_dim3A_151 = vector.broadcast %jit3A_150 : i32 to vector<128x16384xi32>
    %select_n3A_152 = arith.select %eq3A_149, %broadcast_in_dim3A_151, %select_n3A_144 : vector<128x16384xi1>, vector<128x16384xi32>
    %reduce_min3A_153 = arith.constant dense<2147483647> : vector<128xi32>
    %reduce_min3A_154 = vector.multi_reduction <minsi>, %select_n3A_152, %reduce_min3A_153 [1] : vector<128x16384xi32> to vector<128xi32>
    %broadcast_in_dim3A_155 = vector.shape_cast %reduce_min3A_154 : vector<128xi32> to vector<128x1xi32>
    %eq3A_156 = vector.broadcast %broadcast_in_dim3A_155 : vector<128x1xi32> to vector<128x16384xi32>
    %eq3A_157 = arith.cmpi eq, %select_n3A_152, %eq3A_156 : vector<128x16384xi32>
    %jit3A_158 = arith.constant 16384 : i32
    %broadcast_in_dim3A_159 = vector.broadcast %jit3A_158 : i32 to vector<128x16384xi32>
    %select_n3A_160 = arith.select %eq3A_157, %broadcast_in_dim3A_159, %select_n3A_152 : vector<128x16384xi1>, vector<128x16384xi32>
    %reduce_min3A_161 = arith.constant dense<2147483647> : vector<128xi32>
    %reduce_min3A_162 = vector.multi_reduction <minsi>, %select_n3A_160, %reduce_min3A_161 [1] : vector<128x16384xi32> to vector<128xi32>
    %broadcast_in_dim3A_163 = vector.shape_cast %reduce_min3A_162 : vector<128xi32> to vector<128x1xi32>
    %eq3A_164 = vector.broadcast %broadcast_in_dim3A_163 : vector<128x1xi32> to vector<128x16384xi32>
    %eq3A_165 = arith.cmpi eq, %select_n3A_160, %eq3A_164 : vector<128x16384xi32>
    %jit3A_166 = arith.constant 16384 : i32
    %broadcast_in_dim3A_167 = vector.broadcast %jit3A_166 : i32 to vector<128x16384xi32>
    %select_n3A_168 = arith.select %eq3A_165, %broadcast_in_dim3A_167, %select_n3A_160 : vector<128x16384xi1>, vector<128x16384xi32>
    %reduce_min3A_169 = arith.constant dense<2147483647> : vector<128xi32>
    %reduce_min3A_170 = vector.multi_reduction <minsi>, %select_n3A_168, %reduce_min3A_169 [1] : vector<128x16384xi32> to vector<128xi32>
    %broadcast_in_dim3A_171 = vector.shape_cast %reduce_min3A_170 : vector<128xi32> to vector<128x1xi32>
    %eq3A_172 = vector.broadcast %broadcast_in_dim3A_171 : vector<128x1xi32> to vector<128x16384xi32>
    %eq3A_173 = arith.cmpi eq, %select_n3A_168, %eq3A_172 : vector<128x16384xi32>
    %jit3A_174 = arith.constant 16384 : i32
    %broadcast_in_dim3A_175 = vector.broadcast %jit3A_174 : i32 to vector<128x16384xi32>
    %select_n3A_176 = arith.select %eq3A_173, %broadcast_in_dim3A_175, %select_n3A_168 : vector<128x16384xi1>, vector<128x16384xi32>
    %reduce_min3A_177 = arith.constant dense<2147483647> : vector<128xi32>
    %reduce_min3A_178 = vector.multi_reduction <minsi>, %select_n3A_176, %reduce_min3A_177 [1] : vector<128x16384xi32> to vector<128xi32>
    %broadcast_in_dim3A_179 = vector.shape_cast %reduce_min3A_178 : vector<128xi32> to vector<128x1xi32>
    %eq3A_180 = vector.broadcast %broadcast_in_dim3A_179 : vector<128x1xi32> to vector<128x16384xi32>
    %eq3A_181 = arith.cmpi eq, %select_n3A_176, %eq3A_180 : vector<128x16384xi32>
    %jit3A_182 = arith.constant 16384 : i32
    %broadcast_in_dim3A_183 = vector.broadcast %jit3A_182 : i32 to vector<128x16384xi32>
    %select_n3A_184 = arith.select %eq3A_181, %broadcast_in_dim3A_183, %select_n3A_176 : vector<128x16384xi1>, vector<128x16384xi32>
    %reduce_min3A_185 = arith.constant dense<2147483647> : vector<128xi32>
    %reduce_min3A_186 = vector.multi_reduction <minsi>, %select_n3A_184, %reduce_min3A_185 [1] : vector<128x16384xi32> to vector<128xi32>
    %broadcast_in_dim3A_187 = vector.shape_cast %reduce_min3A_186 : vector<128xi32> to vector<128x1xi32>
    %eq3A_188 = arith.constant 16384 : i32
    %eq3A_189 = vector.broadcast %eq3A_188 : i32 to vector<128x1xi32>
    %eq3A_190 = arith.cmpi eq, %broadcast_in_dim3A_75, %eq3A_189 : vector<128x1xi32>
    %select_n3A_191 = arith.select %eq3A_190, %broadcast_in_dim3A_68, %broadcast_in_dim3A_75 : vector<128x1xi1>, vector<128x1xi32>
    %eq3A_192 = arith.constant 16384 : i32
    %eq3A_193 = vector.broadcast %eq3A_192 : i32 to vector<128x1xi32>
    %eq3A_194 = arith.cmpi eq, %broadcast_in_dim3A_83, %eq3A_193 : vector<128x1xi32>
    %select_n3A_195 = arith.select %eq3A_194, %broadcast_in_dim3A_68, %broadcast_in_dim3A_83 : vector<128x1xi1>, vector<128x1xi32>
    %eq3A_196 = arith.constant 16384 : i32
    %eq3A_197 = vector.broadcast %eq3A_196 : i32 to vector<128x1xi32>
    %eq3A_198 = arith.cmpi eq, %broadcast_in_dim3A_91, %eq3A_197 : vector<128x1xi32>
    %select_n3A_199 = arith.select %eq3A_198, %broadcast_in_dim3A_68, %broadcast_in_dim3A_91 : vector<128x1xi1>, vector<128x1xi32>
    %eq3A_200 = arith.constant 16384 : i32
    %eq3A_201 = vector.broadcast %eq3A_200 : i32 to vector<128x1xi32>
    %eq3A_202 = arith.cmpi eq, %broadcast_in_dim3A_99, %eq3A_201 : vector<128x1xi32>
    %select_n3A_203 = arith.select %eq3A_202, %broadcast_in_dim3A_68, %broadcast_in_dim3A_99 : vector<128x1xi1>, vector<128x1xi32>
    %eq3A_204 = arith.constant 16384 : i32
    %eq3A_205 = vector.broadcast %eq3A_204 : i32 to vector<128x1xi32>
    %eq3A_206 = arith.cmpi eq, %broadcast_in_dim3A_107, %eq3A_205 : vector<128x1xi32>
    %select_n3A_207 = arith.select %eq3A_206, %broadcast_in_dim3A_68, %broadcast_in_dim3A_107 : vector<128x1xi1>, vector<128x1xi32>
    %eq3A_208 = arith.constant 16384 : i32
    %eq3A_209 = vector.broadcast %eq3A_208 : i32 to vector<128x1xi32>
    %eq3A_210 = arith.cmpi eq, %broadcast_in_dim3A_115, %eq3A_209 : vector<128x1xi32>
    %select_n3A_211 = arith.select %eq3A_210, %broadcast_in_dim3A_68, %broadcast_in_dim3A_115 : vector<128x1xi1>, vector<128x1xi32>
    %eq3A_212 = arith.constant 16384 : i32
    %eq3A_213 = vector.broadcast %eq3A_212 : i32 to vector<128x1xi32>
    %eq3A_214 = arith.cmpi eq, %broadcast_in_dim3A_123, %eq3A_213 : vector<128x1xi32>
    %select_n3A_215 = arith.select %eq3A_214, %broadcast_in_dim3A_68, %broadcast_in_dim3A_123 : vector<128x1xi1>, vector<128x1xi32>
    %eq3A_216 = arith.constant 16384 : i32
    %eq3A_217 = vector.broadcast %eq3A_216 : i32 to vector<128x1xi32>
    %eq3A_218 = arith.cmpi eq, %broadcast_in_dim3A_131, %eq3A_217 : vector<128x1xi32>
    %select_n3A_219 = arith.select %eq3A_218, %broadcast_in_dim3A_68, %broadcast_in_dim3A_131 : vector<128x1xi1>, vector<128x1xi32>
    %eq3A_220 = arith.constant 16384 : i32
    %eq3A_221 = vector.broadcast %eq3A_220 : i32 to vector<128x1xi32>
    %eq3A_222 = arith.cmpi eq, %broadcast_in_dim3A_139, %eq3A_221 : vector<128x1xi32>
    %select_n3A_223 = arith.select %eq3A_222, %broadcast_in_dim3A_68, %broadcast_in_dim3A_139 : vector<128x1xi1>, vector<128x1xi32>
    %eq3A_224 = arith.constant 16384 : i32
    %eq3A_225 = vector.broadcast %eq3A_224 : i32 to vector<128x1xi32>
    %eq3A_226 = arith.cmpi eq, %broadcast_in_dim3A_147, %eq3A_225 : vector<128x1xi32>
    %select_n3A_227 = arith.select %eq3A_226, %broadcast_in_dim3A_68, %broadcast_in_dim3A_147 : vector<128x1xi1>, vector<128x1xi32>
    %eq3A_228 = arith.constant 16384 : i32
    %eq3A_229 = vector.broadcast %eq3A_228 : i32 to vector<128x1xi32>
    %eq3A_230 = arith.cmpi eq, %broadcast_in_dim3A_155, %eq3A_229 : vector<128x1xi32>
    %select_n3A_231 = arith.select %eq3A_230, %broadcast_in_dim3A_68, %broadcast_in_dim3A_155 : vector<128x1xi1>, vector<128x1xi32>
    %eq3A_232 = arith.constant 16384 : i32
    %eq3A_233 = vector.broadcast %eq3A_232 : i32 to vector<128x1xi32>
    %eq3A_234 = arith.cmpi eq, %broadcast_in_dim3A_163, %eq3A_233 : vector<128x1xi32>
    %select_n3A_235 = arith.select %eq3A_234, %broadcast_in_dim3A_68, %broadcast_in_dim3A_163 : vector<128x1xi1>, vector<128x1xi32>
    %eq3A_236 = arith.constant 16384 : i32
    %eq3A_237 = vector.broadcast %eq3A_236 : i32 to vector<128x1xi32>
    %eq3A_238 = arith.cmpi eq, %broadcast_in_dim3A_171, %eq3A_237 : vector<128x1xi32>
    %select_n3A_239 = arith.select %eq3A_238, %broadcast_in_dim3A_68, %broadcast_in_dim3A_171 : vector<128x1xi1>, vector<128x1xi32>
    %eq3A_240 = arith.constant 16384 : i32
    %eq3A_241 = vector.broadcast %eq3A_240 : i32 to vector<128x1xi32>
    %eq3A_242 = arith.cmpi eq, %broadcast_in_dim3A_179, %eq3A_241 : vector<128x1xi32>
    %select_n3A_243 = arith.select %eq3A_242, %broadcast_in_dim3A_68, %broadcast_in_dim3A_179 : vector<128x1xi1>, vector<128x1xi32>
    %eq3A_244 = arith.constant 16384 : i32
    %eq3A_245 = vector.broadcast %eq3A_244 : i32 to vector<128x1xi32>
    %eq3A_246 = arith.cmpi eq, %broadcast_in_dim3A_187, %eq3A_245 : vector<128x1xi32>
    %select_n3A_247 = arith.select %eq3A_246, %broadcast_in_dim3A_68, %broadcast_in_dim3A_187 : vector<128x1xi1>, vector<128x1xi32>
    %concatenate3A = tpu.concatenate %broadcast_in_dim3A_68, %select_n3A_191, %select_n3A_195, %select_n3A_199, %select_n3A_203, %select_n3A_207, %select_n3A_211, %select_n3A_215, %select_n3A_219, %select_n3A_223, %select_n3A_227, %select_n3A_231, %select_n3A_235, %select_n3A_239, %select_n3A_243, %select_n3A_247 in 1 : vector<128x1xi32>, vector<128x1xi32>, vector<128x1xi32>, vector<128x1xi32>, vector<128x1xi32>, vector<128x1xi32>, vector<128x1xi32>, vector<128x1xi32>, vector<128x1xi32>, vector<128x1xi32>, vector<128x1xi32>, vector<128x1xi32>, vector<128x1xi32>, vector<128x1xi32>, vector<128x1xi32>, vector<128x1xi32> -> vector<128x16xi32>
    %mul3A_248 = arith.constant 16384 : i32
    %mul3A_249 = arith.muli %select_n3A, %mul3A_248 : i32
    %add3A_250 = vector.broadcast %mul3A_249 : i32 to vector<128x16xi32>
    %add3A_251 = arith.addi %concatenate3A, %add3A_250 : vector<128x16xi32>
    %swap3A = arith.constant 0 : index
    %swap3A_252 = arith.constant 0 : index
    %swap3A_253 = arith.constant 0 : index
    %swap3A_254 = vector.load %arg3[%swap3A, %swap3A_252, %swap3A_253] : memref<1x128x16xi32, #tpu.memory_space<vmem>>, vector<1x128x16xi32>
    %swap3A_255 = vector.shape_cast %swap3A_254 : vector<1x128x16xi32> to vector<128x16xi32>
    %swap3A_256 = vector.shape_cast %add3A_251 : vector<128x16xi32> to vector<1x128x16xi32>
    tpu.vector_store %arg3[%swap3A, %swap3A_252, %swap3A_253], %swap3A_256 {strides = array<i32>} : memref<1x128x16xi32, #tpu.memory_space<vmem>>, vector<1x128x16xi32>,
    return
  }
  func.func @transform_0(%arg0: i32) -> (i32, i32, i32) {
    %jit3A = arith.constant 8 : i32
    %div3A = arith.divsi %arg0, %jit3A : i32
    %sign3A = arith.constant 0 : i32
    %sign3A_0 = arith.cmpi sgt, %arg0, %sign3A : i32
    %sign3A_1 = arith.extui %sign3A_0 : i1 to i32
    %sign3A_2 = arith.constant 0 : i32
    %sign3A_3 = arith.cmpi slt, %arg0, %sign3A_2 : i32
    %sign3A_4 = arith.extui %sign3A_3 : i1 to i32
    %sign3A_5 = arith.subi %sign3A_1, %sign3A_4 : i32
    %sign3A_6 = arith.constant 0 : i32
    %sign3A_7 = arith.cmpi sgt, %jit3A, %sign3A_6 : i32
    %sign3A_8 = arith.extui %sign3A_7 : i1 to i32
    %sign3A_9 = arith.constant 0 : i32
    %sign3A_10 = arith.cmpi slt, %jit3A, %sign3A_9 : i32
    %sign3A_11 = arith.extui %sign3A_10 : i1 to i32
    %sign3A_12 = arith.subi %sign3A_8, %sign3A_11 : i32
    %ne3A = arith.cmpi ne, %sign3A_5, %sign3A_12 : i32
    %rem3A = arith.remsi %arg0, %jit3A : i32
    %ne3A_13 = arith.constant 0 : i32
    %ne3A_14 = arith.cmpi ne, %rem3A, %ne3A_13 : i32
    %and3A = arith.andi %ne3A, %ne3A_14 : i1
    %sub3A = arith.constant 1 : i32
    %sub3A_15 = arith.subi %div3A, %sub3A : i32
    %select_n3A = arith.select %and3A, %sub3A_15, %div3A : i32
    %c0_i32 = arith.constant 0 : i32
    %c0_i32_16 = arith.constant 0 : i32
    %c0_i32_17 = arith.constant 0 : i32
    return %select_n3A, %c0_i32, %c0_i32_16 : i32, i32, i32
  }
  func.func @transform_1(%arg0: i32) -> (i32, i32, i32) {
    %jit3A = arith.constant 8 : i32
    %div3A = arith.divsi %arg0, %jit3A : i32
    %sign3A = arith.constant 0 : i32
    %sign3A_0 = arith.cmpi sgt, %arg0, %sign3A : i32
    %sign3A_1 = arith.extui %sign3A_0 : i1 to i32
    %sign3A_2 = arith.constant 0 : i32
    %sign3A_3 = arith.cmpi slt, %arg0, %sign3A_2 : i32
    %sign3A_4 = arith.extui %sign3A_3 : i1 to i32
    %sign3A_5 = arith.subi %sign3A_1, %sign3A_4 : i32
    %sign3A_6 = arith.constant 0 : i32
    %sign3A_7 = arith.cmpi sgt, %jit3A, %sign3A_6 : i32
    %sign3A_8 = arith.extui %sign3A_7 : i1 to i32
    %sign3A_9 = arith.constant 0 : i32
    %sign3A_10 = arith.cmpi slt, %jit3A, %sign3A_9 : i32
    %sign3A_11 = arith.extui %sign3A_10 : i1 to i32
    %sign3A_12 = arith.subi %sign3A_8, %sign3A_11 : i32
    %ne3A = arith.cmpi ne, %sign3A_5, %sign3A_12 : i32
    %rem3A = arith.remsi %arg0, %jit3A : i32
    %ne3A_13 = arith.constant 0 : i32
    %ne3A_14 = arith.cmpi ne, %rem3A, %ne3A_13 : i32
    %and3A = arith.andi %ne3A, %ne3A_14 : i1
    %sub3A = arith.constant 1 : i32
    %sub3A_15 = arith.subi %div3A, %sub3A : i32
    %select_n3A = arith.select %and3A, %sub3A_15, %div3A : i32
    %jit3A_16 = arith.constant 8 : i32
    %eq3A = arith.constant 0 : i32
    %eq3A_17 = arith.cmpi eq, %jit3A_16, %eq3A : i32
    %jit3A_18 = arith.constant 1 : i32
    %select_n3A_19 = arith.select %eq3A_17, %jit3A_18, %jit3A_16 : i32
    %rem3A_20 = arith.remsi %arg0, %select_n3A_19 : i32
    %ne3A_21 = arith.constant 0 : i32
    %ne3A_22 = arith.cmpi ne, %rem3A_20, %ne3A_21 : i32
    %lt3A = arith.constant 0 : i32
    %lt3A_23 = arith.cmpi slt, %rem3A_20, %lt3A : i32
    %lt3A_24 = arith.constant 0 : i32
    %lt3A_25 = arith.cmpi slt, %select_n3A_19, %lt3A_24 : i32
    %ne3A_26 = arith.xori %lt3A_23, %lt3A_25 : i1
    %and3A_27 = arith.andi %ne3A_26, %ne3A_22 : i1
    %add3A = arith.addi %rem3A_20, %select_n3A_19 : i32
    %select_n3A_28 = arith.select %and3A_27, %add3A, %rem3A_20 : i32
    %c0_i32 = arith.constant 0 : i32
    %c0_i32_29 = arith.constant 0 : i32
    return %select_n3A, %select_n3A_28, %c0_i32 : i32, i32, i32
  }
  func.func @transform_2(%arg0: i32) -> (i32, i32, i32) {
    %jit3A = arith.constant 8 : i32
    %div3A = arith.divsi %arg0, %jit3A : i32
    %sign3A = arith.constant 0 : i32
    %sign3A_0 = arith.cmpi sgt, %arg0, %sign3A : i32
    %sign3A_1 = arith.extui %sign3A_0 : i1 to i32
    %sign3A_2 = arith.constant 0 : i32
    %sign3A_3 = arith.cmpi slt, %arg0, %sign3A_2 : i32
    %sign3A_4 = arith.extui %sign3A_3 : i1 to i32
    %sign3A_5 = arith.subi %sign3A_1, %sign3A_4 : i32
    %sign3A_6 = arith.constant 0 : i32
    %sign3A_7 = arith.cmpi sgt, %jit3A, %sign3A_6 : i32
    %sign3A_8 = arith.extui %sign3A_7 : i1 to i32
    %sign3A_9 = arith.constant 0 : i32
    %sign3A_10 = arith.cmpi slt, %jit3A, %sign3A_9 : i32
    %sign3A_11 = arith.extui %sign3A_10 : i1 to i32
    %sign3A_12 = arith.subi %sign3A_8, %sign3A_11 : i32
    %ne3A = arith.cmpi ne, %sign3A_5, %sign3A_12 : i32
    %rem3A = arith.remsi %arg0, %jit3A : i32
    %ne3A_13 = arith.constant 0 : i32
    %ne3A_14 = arith.cmpi ne, %rem3A, %ne3A_13 : i32
    %and3A = arith.andi %ne3A, %ne3A_14 : i1
    %sub3A = arith.constant 1 : i32
    %sub3A_15 = arith.subi %div3A, %sub3A : i32
    %select_n3A = arith.select %and3A, %sub3A_15, %div3A : i32
    %jit3A_16 = arith.constant 8 : i32
    %eq3A = arith.constant 0 : i32
    %eq3A_17 = arith.cmpi eq, %jit3A_16, %eq3A : i32
    %jit3A_18 = arith.constant 1 : i32
    %select_n3A_19 = arith.select %eq3A_17, %jit3A_18, %jit3A_16 : i32
    %rem3A_20 = arith.remsi %arg0, %select_n3A_19 : i32
    %ne3A_21 = arith.constant 0 : i32
    %ne3A_22 = arith.cmpi ne, %rem3A_20, %ne3A_21 : i32
    %lt3A = arith.constant 0 : i32
    %lt3A_23 = arith.cmpi slt, %rem3A_20, %lt3A : i32
    %lt3A_24 = arith.constant 0 : i32
    %lt3A_25 = arith.cmpi slt, %select_n3A_19, %lt3A_24 : i32
    %ne3A_26 = arith.xori %lt3A_23, %lt3A_25 : i1
    %and3A_27 = arith.andi %ne3A_26, %ne3A_22 : i1
    %add3A = arith.addi %rem3A_20, %select_n3A_19 : i32
    %select_n3A_28 = arith.select %and3A_27, %add3A, %rem3A_20 : i32
    %c0_i32 = arith.constant 0 : i32
    %c0_i32_29 = arith.constant 0 : i32
    return %select_n3A, %select_n3A_28, %c0_i32 : i32, i32, i32
  }
}

module attributes {stable_mosaic.version = 14 : i64} {
  func.func @_fps_body(%arg0: i32, %arg1: memref<4x3x8x128xf32, #tpu.memory_space<vmem>>, %arg2: memref<4x3x1024xf32, #tpu.memory_space<smem>>, %arg3: memref<8x128xf32, #tpu.memory_space<vmem>>, %arg4: memref<8x128xf32, #tpu.memory_space<vmem>>, %arg5: memref<8x128xf32, #tpu.memory_space<vmem>>, %arg6: memref<8x128xf32, #tpu.memory_space<vmem>>) attributes {dimension_semantics = [#tpu.dimension_semantics<arbitrary>], iteration_bounds = array<i64: 1>, scalar_prefetch = 0 : i64, scratch_operands = 4 : i64, tpu.core_type = #tpu.core_type<tc>, window_params = [{pipeline_mode = #tpu.pipeline_mode<synchronous>, transform_indices = @transform_0, window_bounds = array<i64: 4, 3, 8, 128>}, {transform_indices = @transform_1, window_bounds = array<i64: 4, 3, 1024>}]} {
    %broadcast_in_dim3A = arith.constant 1.000000e+10 : f32
    %broadcast_in_dim3A_0 = vector.broadcast %broadcast_in_dim3A : f32 to vector<8x128xf32>
    %swap3A = arith.constant 0 : index
    %swap3A_1 = arith.constant 0 : index
    %swap3A_2 = vector.load %arg3[%swap3A, %swap3A_1] : memref<8x128xf32, #tpu.memory_space<vmem>>, vector<8x128xf32>
    tpu.vector_store %arg3[%swap3A, %swap3A_1], %broadcast_in_dim3A_0 {strides = array<i32>} : memref<8x128xf32, #tpu.memory_space<vmem>>, vector<8x128xf32>,
    %broadcast_in_dim3A_3 = arith.constant 1.000000e+10 : f32
    %broadcast_in_dim3A_4 = vector.broadcast %broadcast_in_dim3A_3 : f32 to vector<8x128xf32>
    %swap3A_5 = arith.constant 0 : index
    %swap3A_6 = arith.constant 0 : index
    %swap3A_7 = vector.load %arg4[%swap3A_5, %swap3A_6] : memref<8x128xf32, #tpu.memory_space<vmem>>, vector<8x128xf32>
    tpu.vector_store %arg4[%swap3A_5, %swap3A_6], %broadcast_in_dim3A_4 {strides = array<i32>} : memref<8x128xf32, #tpu.memory_space<vmem>>, vector<8x128xf32>,
    %broadcast_in_dim3A_8 = arith.constant 1.000000e+10 : f32
    %broadcast_in_dim3A_9 = vector.broadcast %broadcast_in_dim3A_8 : f32 to vector<8x128xf32>
    %swap3A_10 = arith.constant 0 : index
    %swap3A_11 = arith.constant 0 : index
    %swap3A_12 = vector.load %arg5[%swap3A_10, %swap3A_11] : memref<8x128xf32, #tpu.memory_space<vmem>>, vector<8x128xf32>
    tpu.vector_store %arg5[%swap3A_10, %swap3A_11], %broadcast_in_dim3A_9 {strides = array<i32>} : memref<8x128xf32, #tpu.memory_space<vmem>>, vector<8x128xf32>,
    %broadcast_in_dim3A_13 = arith.constant 1.000000e+10 : f32
    %broadcast_in_dim3A_14 = vector.broadcast %broadcast_in_dim3A_13 : f32 to vector<8x128xf32>
    %swap3A_15 = arith.constant 0 : index
    %swap3A_16 = arith.constant 0 : index
    %swap3A_17 = vector.load %arg6[%swap3A_15, %swap3A_16] : memref<8x128xf32, #tpu.memory_space<vmem>>, vector<8x128xf32>
    tpu.vector_store %arg6[%swap3A_15, %swap3A_16], %broadcast_in_dim3A_14 {strides = array<i32>} : memref<8x128xf32, #tpu.memory_space<vmem>>, vector<8x128xf32>,
    %iota3A = tpu.iota {dimensions = array<i32: 1>} : vector<1x128xi32>
    %scan3A = arith.constant 0 : i32
    %scan3A_18 = arith.constant 0 : i32
    %scan3A_19 = arith.constant 0 : i32
    %scan3A_20 = arith.constant 0 : i32
    %scan3A_21 = arith.constant 0 : i32
    %scan3A_22 = arith.constant 1024 : i32
    %scan3A_23 = arith.addi %scan3A_21, %scan3A_22 : i32
    %scan3A_24 = arith.constant 1 : i32
    %scan3A_25:4 = scf.for %scan3A_27 = %scan3A_21 to %scan3A_23 step %scan3A_24 iter_args(%scan3A_28 = %scan3A, %scan3A_29 = %scan3A_18, %scan3A_30 = %scan3A_19, %scan3A_31 = %scan3A_20) -> (i32, i32, i32, i32)  : i32 {
      %iota3A_32 = tpu.iota {dimensions = array<i32: 0>} : vector<8x128xi32>
      %mul3A = arith.constant 128 : i32
      %mul3A_33 = vector.broadcast %mul3A : i32 to vector<8x128xi32>
      %mul3A_34 = arith.muli %iota3A_32, %mul3A_33 : vector<8x128xi32>
      %iota3A_35 = tpu.iota {dimensions = array<i32: 1>} : vector<8x128xi32>
      %add3A = arith.addi %mul3A_34, %iota3A_35 : vector<8x128xi32>
      %jit3A = arith.constant 128 : i32
      %div3A = arith.divsi %scan3A_28, %jit3A : i32
      %sign3A = arith.constant 0 : i32
      %sign3A_36 = arith.cmpi sgt, %scan3A_28, %sign3A : i32
      %sign3A_37 = arith.extui %sign3A_36 : i1 to i32
      %sign3A_38 = arith.constant 0 : i32
      %sign3A_39 = arith.cmpi slt, %scan3A_28, %sign3A_38 : i32
      %sign3A_40 = arith.extui %sign3A_39 : i1 to i32
      %sign3A_41 = arith.subi %sign3A_37, %sign3A_40 : i32
      %sign3A_42 = arith.constant 0 : i32
      %sign3A_43 = arith.cmpi sgt, %jit3A, %sign3A_42 : i32
      %sign3A_44 = arith.extui %sign3A_43 : i1 to i32
      %sign3A_45 = arith.constant 0 : i32
      %sign3A_46 = arith.cmpi slt, %jit3A, %sign3A_45 : i32
      %sign3A_47 = arith.extui %sign3A_46 : i1 to i32
      %sign3A_48 = arith.subi %sign3A_44, %sign3A_47 : i32
      %ne3A = arith.cmpi ne, %sign3A_41, %sign3A_48 : i32
      %rem3A = arith.remsi %scan3A_28, %jit3A : i32
      %ne3A_49 = arith.constant 0 : i32
      %ne3A_50 = arith.cmpi ne, %rem3A, %ne3A_49 : i32
      %and3A = arith.andi %ne3A, %ne3A_50 : i1
      %sub3A = arith.constant 1 : i32
      %sub3A_51 = arith.subi %div3A, %sub3A : i32
      %select_n3A = arith.select %and3A, %sub3A_51, %div3A : i32
      %jit3A_52 = arith.constant 128 : i32
      %eq3A = arith.constant 0 : i32
      %eq3A_53 = arith.cmpi eq, %jit3A_52, %eq3A : i32
      %jit3A_54 = arith.constant 1 : i32
      %select_n3A_55 = arith.select %eq3A_53, %jit3A_54, %jit3A_52 : i32
      %rem3A_56 = arith.remsi %scan3A_28, %select_n3A_55 : i32
      %ne3A_57 = arith.constant 0 : i32
      %ne3A_58 = arith.cmpi ne, %rem3A_56, %ne3A_57 : i32
      %lt3A = arith.constant 0 : i32
      %lt3A_59 = arith.cmpi slt, %rem3A_56, %lt3A : i32
      %lt3A_60 = arith.constant 0 : i32
      %lt3A_61 = arith.cmpi slt, %select_n3A_55, %lt3A_60 : i32
      %ne3A_62 = arith.xori %lt3A_59, %lt3A_61 : i1
      %and3A_63 = arith.andi %ne3A_62, %ne3A_58 : i1
      %add3A_64 = arith.addi %rem3A_56, %select_n3A_55 : i32
      %select_n3A_65 = arith.select %and3A_63, %add3A_64, %rem3A_56 : i32
      %eq3A_66 = vector.broadcast %select_n3A_65 : i32 to vector<1x128xi32>
      %eq3A_67 = arith.cmpi eq, %iota3A, %eq3A_66 : vector<1x128xi32>
      %get3A = arith.constant 0 : index
      %get3A_68 = arith.constant 0 : index
      %get3A_69 = arith.index_cast %select_n3A : i32 to index
      %get3A_70 = arith.constant 0 : index
      %get3A_71 = vector.load %arg1[%get3A, %get3A_68, %get3A_69, %get3A_70] : memref<4x3x8x128xf32, #tpu.memory_space<vmem>>, vector<1x1x1x128xf32>
      %get3A_72 = vector.shape_cast %get3A_71 : vector<1x1x1x128xf32> to vector<1x128xf32>
      %get3A_73 = arith.constant 0 : index
      %get3A_74 = arith.constant 1 : index
      %get3A_75 = arith.index_cast %select_n3A : i32 to index
      %get3A_76 = arith.constant 0 : index
      %get3A_77 = vector.load %arg1[%get3A_73, %get3A_74, %get3A_75, %get3A_76] : memref<4x3x8x128xf32, #tpu.memory_space<vmem>>, vector<1x1x1x128xf32>
      %get3A_78 = vector.shape_cast %get3A_77 : vector<1x1x1x128xf32> to vector<1x128xf32>
      %get3A_79 = arith.constant 0 : index
      %get3A_80 = arith.constant 2 : index
      %get3A_81 = arith.index_cast %select_n3A : i32 to index
      %get3A_82 = arith.constant 0 : index
      %get3A_83 = vector.load %arg1[%get3A_79, %get3A_80, %get3A_81, %get3A_82] : memref<4x3x8x128xf32, #tpu.memory_space<vmem>>, vector<1x1x1x128xf32>
      %get3A_84 = vector.shape_cast %get3A_83 : vector<1x1x1x128xf32> to vector<1x128xf32>
      %jit3A_85 = arith.constant 0.000000e+00 : f32
      %broadcast_in_dim3A_86 = vector.broadcast %jit3A_85 : f32 to vector<1x128xf32>
      %select_n3A_87 = arith.select %eq3A_67, %get3A_72, %broadcast_in_dim3A_86 : vector<1x128xi1>, vector<1x128xf32>
      %reduce_sum3A = vector.shape_cast %select_n3A_87 : vector<1x128xf32> to vector<1x1x128xf32>
      %reduce_sum3A_88 = arith.constant dense<0.000000e+00> : vector<1xf32>
      %reduce_sum3A_89 = vector.multi_reduction <add>, %reduce_sum3A, %reduce_sum3A_88 [1, 2] : vector<1x1x128xf32> to vector<1xf32>
      %reduce_sum3A_90 = vector.shape_cast %reduce_sum3A_89 : vector<1xf32> to vector<1x1x1xf32>
      %reduce_sum3A_91 = vector.extract %reduce_sum3A_90[0, 0, 0] : f32 from vector<1x1x1xf32>
      %jit3A_92 = arith.constant 0.000000e+00 : f32
      %broadcast_in_dim3A_93 = vector.broadcast %jit3A_92 : f32 to vector<1x128xf32>
      %select_n3A_94 = arith.select %eq3A_67, %get3A_78, %broadcast_in_dim3A_93 : vector<1x128xi1>, vector<1x128xf32>
      %reduce_sum3A_95 = vector.shape_cast %select_n3A_94 : vector<1x128xf32> to vector<1x1x128xf32>
      %reduce_sum3A_96 = arith.constant dense<0.000000e+00> : vector<1xf32>
      %reduce_sum3A_97 = vector.multi_reduction <add>, %reduce_sum3A_95, %reduce_sum3A_96 [1, 2] : vector<1x1x128xf32> to vector<1xf32>
      %reduce_sum3A_98 = vector.shape_cast %reduce_sum3A_97 : vector<1xf32> to vector<1x1x1xf32>
      %reduce_sum3A_99 = vector.extract %reduce_sum3A_98[0, 0, 0] : f32 from vector<1x1x1xf32>
      %jit3A_100 = arith.constant 0.000000e+00 : f32
      %broadcast_in_dim3A_101 = vector.broadcast %jit3A_100 : f32 to vector<1x128xf32>
      %select_n3A_102 = arith.select %eq3A_67, %get3A_84, %broadcast_in_dim3A_101 : vector<1x128xi1>, vector<1x128xf32>
      %reduce_sum3A_103 = vector.shape_cast %select_n3A_102 : vector<1x128xf32> to vector<1x1x128xf32>
      %reduce_sum3A_104 = arith.constant dense<0.000000e+00> : vector<1xf32>
      %reduce_sum3A_105 = vector.multi_reduction <add>, %reduce_sum3A_103, %reduce_sum3A_104 [1, 2] : vector<1x1x128xf32> to vector<1xf32>
      %reduce_sum3A_106 = vector.shape_cast %reduce_sum3A_105 : vector<1xf32> to vector<1x1x1xf32>
      %reduce_sum3A_107 = vector.extract %reduce_sum3A_106[0, 0, 0] : f32 from vector<1x1x1xf32>
      %swap3A_108 = arith.constant 0 : index
      %swap3A_109 = arith.constant 0 : index
      %swap3A_110 = arith.index_cast %scan3A_27 : i32 to index
      %swap3A_111 = memref.load %arg2[%swap3A_108, %swap3A_109, %swap3A_110] : memref<4x3x1024xf32, #tpu.memory_space<smem>>
      memref.store %reduce_sum3A_91, %arg2[%swap3A_108, %swap3A_109, %swap3A_110] : memref<4x3x1024xf32, #tpu.memory_space<smem>>
      %swap3A_112 = arith.constant 0 : index
      %swap3A_113 = arith.constant 1 : index
      %swap3A_114 = arith.index_cast %scan3A_27 : i32 to index
      %swap3A_115 = memref.load %arg2[%swap3A_112, %swap3A_113, %swap3A_114] : memref<4x3x1024xf32, #tpu.memory_space<smem>>
      memref.store %reduce_sum3A_99, %arg2[%swap3A_112, %swap3A_113, %swap3A_114] : memref<4x3x1024xf32, #tpu.memory_space<smem>>
      %swap3A_116 = arith.constant 0 : index
      %swap3A_117 = arith.constant 2 : index
      %swap3A_118 = arith.index_cast %scan3A_27 : i32 to index
      %swap3A_119 = memref.load %arg2[%swap3A_116, %swap3A_117, %swap3A_118] : memref<4x3x1024xf32, #tpu.memory_space<smem>>
      memref.store %reduce_sum3A_107, %arg2[%swap3A_116, %swap3A_117, %swap3A_118] : memref<4x3x1024xf32, #tpu.memory_space<smem>>
      %get3A_120 = arith.constant 0 : index
      %get3A_121 = arith.constant 0 : index
      %get3A_122 = arith.constant 0 : index
      %get3A_123 = arith.constant 0 : index
      %get3A_124 = vector.load %arg1[%get3A_120, %get3A_121, %get3A_122, %get3A_123] : memref<4x3x8x128xf32, #tpu.memory_space<vmem>>, vector<1x1x8x128xf32>
      %get3A_125 = vector.shape_cast %get3A_124 : vector<1x1x8x128xf32> to vector<8x128xf32>
      %sub3A_126 = vector.broadcast %reduce_sum3A_91 : f32 to vector<8x128xf32>
      %sub3A_127 = arith.subf %get3A_125, %sub3A_126 : vector<8x128xf32>
      %get3A_128 = arith.constant 0 : index
      %get3A_129 = arith.constant 1 : index
      %get3A_130 = arith.constant 0 : index
      %get3A_131 = arith.constant 0 : index
      %get3A_132 = vector.load %arg1[%get3A_128, %get3A_129, %get3A_130, %get3A_131] : memref<4x3x8x128xf32, #tpu.memory_space<vmem>>, vector<1x1x8x128xf32>
      %get3A_133 = vector.shape_cast %get3A_132 : vector<1x1x8x128xf32> to vector<8x128xf32>
      %sub3A_134 = vector.broadcast %reduce_sum3A_99 : f32 to vector<8x128xf32>
      %sub3A_135 = arith.subf %get3A_133, %sub3A_134 : vector<8x128xf32>
      %get3A_136 = arith.constant 0 : index
      %get3A_137 = arith.constant 2 : index
      %get3A_138 = arith.constant 0 : index
      %get3A_139 = arith.constant 0 : index
      %get3A_140 = vector.load %arg1[%get3A_136, %get3A_137, %get3A_138, %get3A_139] : memref<4x3x8x128xf32, #tpu.memory_space<vmem>>, vector<1x1x8x128xf32>
      %get3A_141 = vector.shape_cast %get3A_140 : vector<1x1x8x128xf32> to vector<8x128xf32>
      %sub3A_142 = vector.broadcast %reduce_sum3A_107 : f32 to vector<8x128xf32>
      %sub3A_143 = arith.subf %get3A_141, %sub3A_142 : vector<8x128xf32>
      %mul3A_144 = arith.mulf %sub3A_127, %sub3A_127 : vector<8x128xf32>
      %mul3A_145 = arith.mulf %sub3A_143, %sub3A_143 : vector<8x128xf32>
      %add3A_146 = arith.addf %mul3A_144, %mul3A_145 : vector<8x128xf32>
      %mul3A_147 = arith.mulf %sub3A_135, %sub3A_135 : vector<8x128xf32>
      %add3A_148 = arith.addf %add3A_146, %mul3A_147 : vector<8x128xf32>
      %get3A_149 = arith.constant 0 : index
      %get3A_150 = arith.constant 0 : index
      %get3A_151 = vector.load %arg3[%get3A_149, %get3A_150] : memref<8x128xf32, #tpu.memory_space<vmem>>, vector<8x128xf32>
      %min3A = arith.minimumf %get3A_151, %add3A_148 : vector<8x128xf32>
      %swap3A_152 = arith.constant 0 : index
      %swap3A_153 = arith.constant 0 : index
      %swap3A_154 = vector.load %arg3[%swap3A_152, %swap3A_153] : memref<8x128xf32, #tpu.memory_space<vmem>>, vector<8x128xf32>
      tpu.vector_store %arg3[%swap3A_152, %swap3A_153], %min3A {strides = array<i32>} : memref<8x128xf32, #tpu.memory_space<vmem>>, vector<8x128xf32>,
      %reduce_max3A = vector.shape_cast %min3A : vector<8x128xf32> to vector<1x8x128xf32>
      %reduce_max3A_155 = arith.constant dense<0xFF800000> : vector<1xf32>
      %reduce_max3A_156 = vector.multi_reduction <maximumf>, %reduce_max3A, %reduce_max3A_155 [1, 2] : vector<1x8x128xf32> to vector<1xf32>
      %reduce_max3A_157 = vector.shape_cast %reduce_max3A_156 : vector<1xf32> to vector<1x1x1xf32>
      %reduce_max3A_158 = vector.extract %reduce_max3A_157[0, 0, 0] : f32 from vector<1x1x1xf32>
      %eq3A_159 = vector.broadcast %reduce_max3A_158 : f32 to vector<8x128xf32>
      %eq3A_160 = arith.cmpf oeq, %min3A, %eq3A_159 : vector<8x128xf32>
      %jit3A_161 = arith.constant 1024 : i32
      %broadcast_in_dim3A_162 = vector.broadcast %jit3A_161 : i32 to vector<8x128xi32>
      %select_n3A_163 = arith.select %eq3A_160, %add3A, %broadcast_in_dim3A_162 : vector<8x128xi1>, vector<8x128xi32>
      %reduce_min3A = vector.shape_cast %select_n3A_163 : vector<8x128xi32> to vector<1x8x128xi32>
      %reduce_min3A_164 = arith.constant dense<2147483647> : vector<1xi32>
      %reduce_min3A_165 = vector.multi_reduction <minsi>, %reduce_min3A, %reduce_min3A_164 [1, 2] : vector<1x8x128xi32> to vector<1xi32>
      %reduce_min3A_166 = vector.shape_cast %reduce_min3A_165 : vector<1xi32> to vector<1x1x1xi32>
      %reduce_min3A_167 = vector.extract %reduce_min3A_166[0, 0, 0] : i32 from vector<1x1x1xi32>
      %jit3A_168 = arith.constant 128 : i32
      %div3A_169 = arith.divsi %scan3A_29, %jit3A_168 : i32
      %sign3A_170 = arith.constant 0 : i32
      %sign3A_171 = arith.cmpi sgt, %scan3A_29, %sign3A_170 : i32
      %sign3A_172 = arith.extui %sign3A_171 : i1 to i32
      %sign3A_173 = arith.constant 0 : i32
      %sign3A_174 = arith.cmpi slt, %scan3A_29, %sign3A_173 : i32
      %sign3A_175 = arith.extui %sign3A_174 : i1 to i32
      %sign3A_176 = arith.subi %sign3A_172, %sign3A_175 : i32
      %sign3A_177 = arith.constant 0 : i32
      %sign3A_178 = arith.cmpi sgt, %jit3A_168, %sign3A_177 : i32
      %sign3A_179 = arith.extui %sign3A_178 : i1 to i32
      %sign3A_180 = arith.constant 0 : i32
      %sign3A_181 = arith.cmpi slt, %jit3A_168, %sign3A_180 : i32
      %sign3A_182 = arith.extui %sign3A_181 : i1 to i32
      %sign3A_183 = arith.subi %sign3A_179, %sign3A_182 : i32
      %ne3A_184 = arith.cmpi ne, %sign3A_176, %sign3A_183 : i32
      %rem3A_185 = arith.remsi %scan3A_29, %jit3A_168 : i32
      %ne3A_186 = arith.constant 0 : i32
      %ne3A_187 = arith.cmpi ne, %rem3A_185, %ne3A_186 : i32
      %and3A_188 = arith.andi %ne3A_184, %ne3A_187 : i1
      %sub3A_189 = arith.constant 1 : i32
      %sub3A_190 = arith.subi %div3A_169, %sub3A_189 : i32
      %select_n3A_191 = arith.select %and3A_188, %sub3A_190, %div3A_169 : i32
      %jit3A_192 = arith.constant 128 : i32
      %eq3A_193 = arith.constant 0 : i32
      %eq3A_194 = arith.cmpi eq, %jit3A_192, %eq3A_193 : i32
      %jit3A_195 = arith.constant 1 : i32
      %select_n3A_196 = arith.select %eq3A_194, %jit3A_195, %jit3A_192 : i32
      %rem3A_197 = arith.remsi %scan3A_29, %select_n3A_196 : i32
      %ne3A_198 = arith.constant 0 : i32
      %ne3A_199 = arith.cmpi ne, %rem3A_197, %ne3A_198 : i32
      %lt3A_200 = arith.constant 0 : i32
      %lt3A_201 = arith.cmpi slt, %rem3A_197, %lt3A_200 : i32
      %lt3A_202 = arith.constant 0 : i32
      %lt3A_203 = arith.cmpi slt, %select_n3A_196, %lt3A_202 : i32
      %ne3A_204 = arith.xori %lt3A_201, %lt3A_203 : i1
      %and3A_205 = arith.andi %ne3A_204, %ne3A_199 : i1
      %add3A_206 = arith.addi %rem3A_197, %select_n3A_196 : i32
      %select_n3A_207 = arith.select %and3A_205, %add3A_206, %rem3A_197 : i32
      %eq3A_208 = vector.broadcast %select_n3A_207 : i32 to vector<1x128xi32>
      %eq3A_209 = arith.cmpi eq, %iota3A, %eq3A_208 : vector<1x128xi32>
      %get3A_210 = arith.constant 1 : index
      %get3A_211 = arith.constant 0 : index
      %get3A_212 = arith.index_cast %select_n3A_191 : i32 to index
      %get3A_213 = arith.constant 0 : index
      %get3A_214 = vector.load %arg1[%get3A_210, %get3A_211, %get3A_212, %get3A_213] : memref<4x3x8x128xf32, #tpu.memory_space<vmem>>, vector<1x1x1x128xf32>
      %get3A_215 = vector.shape_cast %get3A_214 : vector<1x1x1x128xf32> to vector<1x128xf32>
      %get3A_216 = arith.constant 1 : index
      %get3A_217 = arith.constant 1 : index
      %get3A_218 = arith.index_cast %select_n3A_191 : i32 to index
      %get3A_219 = arith.constant 0 : index
      %get3A_220 = vector.load %arg1[%get3A_216, %get3A_217, %get3A_218, %get3A_219] : memref<4x3x8x128xf32, #tpu.memory_space<vmem>>, vector<1x1x1x128xf32>
      %get3A_221 = vector.shape_cast %get3A_220 : vector<1x1x1x128xf32> to vector<1x128xf32>
      %get3A_222 = arith.constant 1 : index
      %get3A_223 = arith.constant 2 : index
      %get3A_224 = arith.index_cast %select_n3A_191 : i32 to index
      %get3A_225 = arith.constant 0 : index
      %get3A_226 = vector.load %arg1[%get3A_222, %get3A_223, %get3A_224, %get3A_225] : memref<4x3x8x128xf32, #tpu.memory_space<vmem>>, vector<1x1x1x128xf32>
      %get3A_227 = vector.shape_cast %get3A_226 : vector<1x1x1x128xf32> to vector<1x128xf32>
      %jit3A_228 = arith.constant 0.000000e+00 : f32
      %broadcast_in_dim3A_229 = vector.broadcast %jit3A_228 : f32 to vector<1x128xf32>
      %select_n3A_230 = arith.select %eq3A_209, %get3A_215, %broadcast_in_dim3A_229 : vector<1x128xi1>, vector<1x128xf32>
      %reduce_sum3A_231 = vector.shape_cast %select_n3A_230 : vector<1x128xf32> to vector<1x1x128xf32>
      %reduce_sum3A_232 = arith.constant dense<0.000000e+00> : vector<1xf32>
      %reduce_sum3A_233 = vector.multi_reduction <add>, %reduce_sum3A_231, %reduce_sum3A_232 [1, 2] : vector<1x1x128xf32> to vector<1xf32>
      %reduce_sum3A_234 = vector.shape_cast %reduce_sum3A_233 : vector<1xf32> to vector<1x1x1xf32>
      %reduce_sum3A_235 = vector.extract %reduce_sum3A_234[0, 0, 0] : f32 from vector<1x1x1xf32>
      %jit3A_236 = arith.constant 0.000000e+00 : f32
      %broadcast_in_dim3A_237 = vector.broadcast %jit3A_236 : f32 to vector<1x128xf32>
      %select_n3A_238 = arith.select %eq3A_209, %get3A_221, %broadcast_in_dim3A_237 : vector<1x128xi1>, vector<1x128xf32>
      %reduce_sum3A_239 = vector.shape_cast %select_n3A_238 : vector<1x128xf32> to vector<1x1x128xf32>
      %reduce_sum3A_240 = arith.constant dense<0.000000e+00> : vector<1xf32>
      %reduce_sum3A_241 = vector.multi_reduction <add>, %reduce_sum3A_239, %reduce_sum3A_240 [1, 2] : vector<1x1x128xf32> to vector<1xf32>
      %reduce_sum3A_242 = vector.shape_cast %reduce_sum3A_241 : vector<1xf32> to vector<1x1x1xf32>
      %reduce_sum3A_243 = vector.extract %reduce_sum3A_242[0, 0, 0] : f32 from vector<1x1x1xf32>
      %jit3A_244 = arith.constant 0.000000e+00 : f32
      %broadcast_in_dim3A_245 = vector.broadcast %jit3A_244 : f32 to vector<1x128xf32>
      %select_n3A_246 = arith.select %eq3A_209, %get3A_227, %broadcast_in_dim3A_245 : vector<1x128xi1>, vector<1x128xf32>
      %reduce_sum3A_247 = vector.shape_cast %select_n3A_246 : vector<1x128xf32> to vector<1x1x128xf32>
      %reduce_sum3A_248 = arith.constant dense<0.000000e+00> : vector<1xf32>
      %reduce_sum3A_249 = vector.multi_reduction <add>, %reduce_sum3A_247, %reduce_sum3A_248 [1, 2] : vector<1x1x128xf32> to vector<1xf32>
      %reduce_sum3A_250 = vector.shape_cast %reduce_sum3A_249 : vector<1xf32> to vector<1x1x1xf32>
      %reduce_sum3A_251 = vector.extract %reduce_sum3A_250[0, 0, 0] : f32 from vector<1x1x1xf32>
      %swap3A_252 = arith.constant 1 : index
      %swap3A_253 = arith.constant 0 : index
      %swap3A_254 = arith.index_cast %scan3A_27 : i32 to index
      %swap3A_255 = memref.load %arg2[%swap3A_252, %swap3A_253, %swap3A_254] : memref<4x3x1024xf32, #tpu.memory_space<smem>>
      memref.store %reduce_sum3A_235, %arg2[%swap3A_252, %swap3A_253, %swap3A_254] : memref<4x3x1024xf32, #tpu.memory_space<smem>>
      %swap3A_256 = arith.constant 1 : index
      %swap3A_257 = arith.constant 1 : index
      %swap3A_258 = arith.index_cast %scan3A_27 : i32 to index
      %swap3A_259 = memref.load %arg2[%swap3A_256, %swap3A_257, %swap3A_258] : memref<4x3x1024xf32, #tpu.memory_space<smem>>
      memref.store %reduce_sum3A_243, %arg2[%swap3A_256, %swap3A_257, %swap3A_258] : memref<4x3x1024xf32, #tpu.memory_space<smem>>
      %swap3A_260 = arith.constant 1 : index
      %swap3A_261 = arith.constant 2 : index
      %swap3A_262 = arith.index_cast %scan3A_27 : i32 to index
      %swap3A_263 = memref.load %arg2[%swap3A_260, %swap3A_261, %swap3A_262] : memref<4x3x1024xf32, #tpu.memory_space<smem>>
      memref.store %reduce_sum3A_251, %arg2[%swap3A_260, %swap3A_261, %swap3A_262] : memref<4x3x1024xf32, #tpu.memory_space<smem>>
      %get3A_264 = arith.constant 1 : index
      %get3A_265 = arith.constant 0 : index
      %get3A_266 = arith.constant 0 : index
      %get3A_267 = arith.constant 0 : index
      %get3A_268 = vector.load %arg1[%get3A_264, %get3A_265, %get3A_266, %get3A_267] : memref<4x3x8x128xf32, #tpu.memory_space<vmem>>, vector<1x1x8x128xf32>
      %get3A_269 = vector.shape_cast %get3A_268 : vector<1x1x8x128xf32> to vector<8x128xf32>
      %sub3A_270 = vector.broadcast %reduce_sum3A_235 : f32 to vector<8x128xf32>
      %sub3A_271 = arith.subf %get3A_269, %sub3A_270 : vector<8x128xf32>
      %get3A_272 = arith.constant 1 : index
      %get3A_273 = arith.constant 1 : index
      %get3A_274 = arith.constant 0 : index
      %get3A_275 = arith.constant 0 : index
      %get3A_276 = vector.load %arg1[%get3A_272, %get3A_273, %get3A_274, %get3A_275] : memref<4x3x8x128xf32, #tpu.memory_space<vmem>>, vector<1x1x8x128xf32>
      %get3A_277 = vector.shape_cast %get3A_276 : vector<1x1x8x128xf32> to vector<8x128xf32>
      %sub3A_278 = vector.broadcast %reduce_sum3A_243 : f32 to vector<8x128xf32>
      %sub3A_279 = arith.subf %get3A_277, %sub3A_278 : vector<8x128xf32>
      %get3A_280 = arith.constant 1 : index
      %get3A_281 = arith.constant 2 : index
      %get3A_282 = arith.constant 0 : index
      %get3A_283 = arith.constant 0 : index
      %get3A_284 = vector.load %arg1[%get3A_280, %get3A_281, %get3A_282, %get3A_283] : memref<4x3x8x128xf32, #tpu.memory_space<vmem>>, vector<1x1x8x128xf32>
      %get3A_285 = vector.shape_cast %get3A_284 : vector<1x1x8x128xf32> to vector<8x128xf32>
      %sub3A_286 = vector.broadcast %reduce_sum3A_251 : f32 to vector<8x128xf32>
      %sub3A_287 = arith.subf %get3A_285, %sub3A_286 : vector<8x128xf32>
      %mul3A_288 = arith.mulf %sub3A_271, %sub3A_271 : vector<8x128xf32>
      %mul3A_289 = arith.mulf %sub3A_287, %sub3A_287 : vector<8x128xf32>
      %add3A_290 = arith.addf %mul3A_288, %mul3A_289 : vector<8x128xf32>
      %mul3A_291 = arith.mulf %sub3A_279, %sub3A_279 : vector<8x128xf32>
      %add3A_292 = arith.addf %add3A_290, %mul3A_291 : vector<8x128xf32>
      %get3A_293 = arith.constant 0 : index
      %get3A_294 = arith.constant 0 : index
      %get3A_295 = vector.load %arg4[%get3A_293, %get3A_294] : memref<8x128xf32, #tpu.memory_space<vmem>>, vector<8x128xf32>
      %min3A_296 = arith.minimumf %get3A_295, %add3A_292 : vector<8x128xf32>
      %swap3A_297 = arith.constant 0 : index
      %swap3A_298 = arith.constant 0 : index
      %swap3A_299 = vector.load %arg4[%swap3A_297, %swap3A_298] : memref<8x128xf32, #tpu.memory_space<vmem>>, vector<8x128xf32>
      tpu.vector_store %arg4[%swap3A_297, %swap3A_298], %min3A_296 {strides = array<i32>} : memref<8x128xf32, #tpu.memory_space<vmem>>, vector<8x128xf32>,
      %reduce_max3A_300 = vector.shape_cast %min3A_296 : vector<8x128xf32> to vector<1x8x128xf32>
      %reduce_max3A_301 = arith.constant dense<0xFF800000> : vector<1xf32>
      %reduce_max3A_302 = vector.multi_reduction <maximumf>, %reduce_max3A_300, %reduce_max3A_301 [1, 2] : vector<1x8x128xf32> to vector<1xf32>
      %reduce_max3A_303 = vector.shape_cast %reduce_max3A_302 : vector<1xf32> to vector<1x1x1xf32>
      %reduce_max3A_304 = vector.extract %reduce_max3A_303[0, 0, 0] : f32 from vector<1x1x1xf32>
      %eq3A_305 = vector.broadcast %reduce_max3A_304 : f32 to vector<8x128xf32>
      %eq3A_306 = arith.cmpf oeq, %min3A_296, %eq3A_305 : vector<8x128xf32>
      %jit3A_307 = arith.constant 1024 : i32
      %broadcast_in_dim3A_308 = vector.broadcast %jit3A_307 : i32 to vector<8x128xi32>
      %select_n3A_309 = arith.select %eq3A_306, %add3A, %broadcast_in_dim3A_308 : vector<8x128xi1>, vector<8x128xi32>
      %reduce_min3A_310 = vector.shape_cast %select_n3A_309 : vector<8x128xi32> to vector<1x8x128xi32>
      %reduce_min3A_311 = arith.constant dense<2147483647> : vector<1xi32>
      %reduce_min3A_312 = vector.multi_reduction <minsi>, %reduce_min3A_310, %reduce_min3A_311 [1, 2] : vector<1x8x128xi32> to vector<1xi32>
      %reduce_min3A_313 = vector.shape_cast %reduce_min3A_312 : vector<1xi32> to vector<1x1x1xi32>
      %reduce_min3A_314 = vector.extract %reduce_min3A_313[0, 0, 0] : i32 from vector<1x1x1xi32>
      %jit3A_315 = arith.constant 128 : i32
      %div3A_316 = arith.divsi %scan3A_30, %jit3A_315 : i32
      %sign3A_317 = arith.constant 0 : i32
      %sign3A_318 = arith.cmpi sgt, %scan3A_30, %sign3A_317 : i32
      %sign3A_319 = arith.extui %sign3A_318 : i1 to i32
      %sign3A_320 = arith.constant 0 : i32
      %sign3A_321 = arith.cmpi slt, %scan3A_30, %sign3A_320 : i32
      %sign3A_322 = arith.extui %sign3A_321 : i1 to i32
      %sign3A_323 = arith.subi %sign3A_319, %sign3A_322 : i32
      %sign3A_324 = arith.constant 0 : i32
      %sign3A_325 = arith.cmpi sgt, %jit3A_315, %sign3A_324 : i32
      %sign3A_326 = arith.extui %sign3A_325 : i1 to i32
      %sign3A_327 = arith.constant 0 : i32
      %sign3A_328 = arith.cmpi slt, %jit3A_315, %sign3A_327 : i32
      %sign3A_329 = arith.extui %sign3A_328 : i1 to i32
      %sign3A_330 = arith.subi %sign3A_326, %sign3A_329 : i32
      %ne3A_331 = arith.cmpi ne, %sign3A_323, %sign3A_330 : i32
      %rem3A_332 = arith.remsi %scan3A_30, %jit3A_315 : i32
      %ne3A_333 = arith.constant 0 : i32
      %ne3A_334 = arith.cmpi ne, %rem3A_332, %ne3A_333 : i32
      %and3A_335 = arith.andi %ne3A_331, %ne3A_334 : i1
      %sub3A_336 = arith.constant 1 : i32
      %sub3A_337 = arith.subi %div3A_316, %sub3A_336 : i32
      %select_n3A_338 = arith.select %and3A_335, %sub3A_337, %div3A_316 : i32
      %jit3A_339 = arith.constant 128 : i32
      %eq3A_340 = arith.constant 0 : i32
      %eq3A_341 = arith.cmpi eq, %jit3A_339, %eq3A_340 : i32
      %jit3A_342 = arith.constant 1 : i32
      %select_n3A_343 = arith.select %eq3A_341, %jit3A_342, %jit3A_339 : i32
      %rem3A_344 = arith.remsi %scan3A_30, %select_n3A_343 : i32
      %ne3A_345 = arith.constant 0 : i32
      %ne3A_346 = arith.cmpi ne, %rem3A_344, %ne3A_345 : i32
      %lt3A_347 = arith.constant 0 : i32
      %lt3A_348 = arith.cmpi slt, %rem3A_344, %lt3A_347 : i32
      %lt3A_349 = arith.constant 0 : i32
      %lt3A_350 = arith.cmpi slt, %select_n3A_343, %lt3A_349 : i32
      %ne3A_351 = arith.xori %lt3A_348, %lt3A_350 : i1
      %and3A_352 = arith.andi %ne3A_351, %ne3A_346 : i1
      %add3A_353 = arith.addi %rem3A_344, %select_n3A_343 : i32
      %select_n3A_354 = arith.select %and3A_352, %add3A_353, %rem3A_344 : i32
      %eq3A_355 = vector.broadcast %select_n3A_354 : i32 to vector<1x128xi32>
      %eq3A_356 = arith.cmpi eq, %iota3A, %eq3A_355 : vector<1x128xi32>
      %get3A_357 = arith.constant 2 : index
      %get3A_358 = arith.constant 0 : index
      %get3A_359 = arith.index_cast %select_n3A_338 : i32 to index
      %get3A_360 = arith.constant 0 : index
      %get3A_361 = vector.load %arg1[%get3A_357, %get3A_358, %get3A_359, %get3A_360] : memref<4x3x8x128xf32, #tpu.memory_space<vmem>>, vector<1x1x1x128xf32>
      %get3A_362 = vector.shape_cast %get3A_361 : vector<1x1x1x128xf32> to vector<1x128xf32>
      %get3A_363 = arith.constant 2 : index
      %get3A_364 = arith.constant 1 : index
      %get3A_365 = arith.index_cast %select_n3A_338 : i32 to index
      %get3A_366 = arith.constant 0 : index
      %get3A_367 = vector.load %arg1[%get3A_363, %get3A_364, %get3A_365, %get3A_366] : memref<4x3x8x128xf32, #tpu.memory_space<vmem>>, vector<1x1x1x128xf32>
      %get3A_368 = vector.shape_cast %get3A_367 : vector<1x1x1x128xf32> to vector<1x128xf32>
      %get3A_369 = arith.constant 2 : index
      %get3A_370 = arith.constant 2 : index
      %get3A_371 = arith.index_cast %select_n3A_338 : i32 to index
      %get3A_372 = arith.constant 0 : index
      %get3A_373 = vector.load %arg1[%get3A_369, %get3A_370, %get3A_371, %get3A_372] : memref<4x3x8x128xf32, #tpu.memory_space<vmem>>, vector<1x1x1x128xf32>
      %get3A_374 = vector.shape_cast %get3A_373 : vector<1x1x1x128xf32> to vector<1x128xf32>
      %jit3A_375 = arith.constant 0.000000e+00 : f32
      %broadcast_in_dim3A_376 = vector.broadcast %jit3A_375 : f32 to vector<1x128xf32>
      %select_n3A_377 = arith.select %eq3A_356, %get3A_362, %broadcast_in_dim3A_376 : vector<1x128xi1>, vector<1x128xf32>
      %reduce_sum3A_378 = vector.shape_cast %select_n3A_377 : vector<1x128xf32> to vector<1x1x128xf32>
      %reduce_sum3A_379 = arith.constant dense<0.000000e+00> : vector<1xf32>
      %reduce_sum3A_380 = vector.multi_reduction <add>, %reduce_sum3A_378, %reduce_sum3A_379 [1, 2] : vector<1x1x128xf32> to vector<1xf32>
      %reduce_sum3A_381 = vector.shape_cast %reduce_sum3A_380 : vector<1xf32> to vector<1x1x1xf32>
      %reduce_sum3A_382 = vector.extract %reduce_sum3A_381[0, 0, 0] : f32 from vector<1x1x1xf32>
      %jit3A_383 = arith.constant 0.000000e+00 : f32
      %broadcast_in_dim3A_384 = vector.broadcast %jit3A_383 : f32 to vector<1x128xf32>
      %select_n3A_385 = arith.select %eq3A_356, %get3A_368, %broadcast_in_dim3A_384 : vector<1x128xi1>, vector<1x128xf32>
      %reduce_sum3A_386 = vector.shape_cast %select_n3A_385 : vector<1x128xf32> to vector<1x1x128xf32>
      %reduce_sum3A_387 = arith.constant dense<0.000000e+00> : vector<1xf32>
      %reduce_sum3A_388 = vector.multi_reduction <add>, %reduce_sum3A_386, %reduce_sum3A_387 [1, 2] : vector<1x1x128xf32> to vector<1xf32>
      %reduce_sum3A_389 = vector.shape_cast %reduce_sum3A_388 : vector<1xf32> to vector<1x1x1xf32>
      %reduce_sum3A_390 = vector.extract %reduce_sum3A_389[0, 0, 0] : f32 from vector<1x1x1xf32>
      %jit3A_391 = arith.constant 0.000000e+00 : f32
      %broadcast_in_dim3A_392 = vector.broadcast %jit3A_391 : f32 to vector<1x128xf32>
      %select_n3A_393 = arith.select %eq3A_356, %get3A_374, %broadcast_in_dim3A_392 : vector<1x128xi1>, vector<1x128xf32>
      %reduce_sum3A_394 = vector.shape_cast %select_n3A_393 : vector<1x128xf32> to vector<1x1x128xf32>
      %reduce_sum3A_395 = arith.constant dense<0.000000e+00> : vector<1xf32>
      %reduce_sum3A_396 = vector.multi_reduction <add>, %reduce_sum3A_394, %reduce_sum3A_395 [1, 2] : vector<1x1x128xf32> to vector<1xf32>
      %reduce_sum3A_397 = vector.shape_cast %reduce_sum3A_396 : vector<1xf32> to vector<1x1x1xf32>
      %reduce_sum3A_398 = vector.extract %reduce_sum3A_397[0, 0, 0] : f32 from vector<1x1x1xf32>
      %swap3A_399 = arith.constant 2 : index
      %swap3A_400 = arith.constant 0 : index
      %swap3A_401 = arith.index_cast %scan3A_27 : i32 to index
      %swap3A_402 = memref.load %arg2[%swap3A_399, %swap3A_400, %swap3A_401] : memref<4x3x1024xf32, #tpu.memory_space<smem>>
      memref.store %reduce_sum3A_382, %arg2[%swap3A_399, %swap3A_400, %swap3A_401] : memref<4x3x1024xf32, #tpu.memory_space<smem>>
      %swap3A_403 = arith.constant 2 : index
      %swap3A_404 = arith.constant 1 : index
      %swap3A_405 = arith.index_cast %scan3A_27 : i32 to index
      %swap3A_406 = memref.load %arg2[%swap3A_403, %swap3A_404, %swap3A_405] : memref<4x3x1024xf32, #tpu.memory_space<smem>>
      memref.store %reduce_sum3A_390, %arg2[%swap3A_403, %swap3A_404, %swap3A_405] : memref<4x3x1024xf32, #tpu.memory_space<smem>>
      %swap3A_407 = arith.constant 2 : index
      %swap3A_408 = arith.constant 2 : index
      %swap3A_409 = arith.index_cast %scan3A_27 : i32 to index
      %swap3A_410 = memref.load %arg2[%swap3A_407, %swap3A_408, %swap3A_409] : memref<4x3x1024xf32, #tpu.memory_space<smem>>
      memref.store %reduce_sum3A_398, %arg2[%swap3A_407, %swap3A_408, %swap3A_409] : memref<4x3x1024xf32, #tpu.memory_space<smem>>
      %get3A_411 = arith.constant 2 : index
      %get3A_412 = arith.constant 0 : index
      %get3A_413 = arith.constant 0 : index
      %get3A_414 = arith.constant 0 : index
      %get3A_415 = vector.load %arg1[%get3A_411, %get3A_412, %get3A_413, %get3A_414] : memref<4x3x8x128xf32, #tpu.memory_space<vmem>>, vector<1x1x8x128xf32>
      %get3A_416 = vector.shape_cast %get3A_415 : vector<1x1x8x128xf32> to vector<8x128xf32>
      %sub3A_417 = vector.broadcast %reduce_sum3A_382 : f32 to vector<8x128xf32>
      %sub3A_418 = arith.subf %get3A_416, %sub3A_417 : vector<8x128xf32>
      %get3A_419 = arith.constant 2 : index
      %get3A_420 = arith.constant 1 : index
      %get3A_421 = arith.constant 0 : index
      %get3A_422 = arith.constant 0 : index
      %get3A_423 = vector.load %arg1[%get3A_419, %get3A_420, %get3A_421, %get3A_422] : memref<4x3x8x128xf32, #tpu.memory_space<vmem>>, vector<1x1x8x128xf32>
      %get3A_424 = vector.shape_cast %get3A_423 : vector<1x1x8x128xf32> to vector<8x128xf32>
      %sub3A_425 = vector.broadcast %reduce_sum3A_390 : f32 to vector<8x128xf32>
      %sub3A_426 = arith.subf %get3A_424, %sub3A_425 : vector<8x128xf32>
      %get3A_427 = arith.constant 2 : index
      %get3A_428 = arith.constant 2 : index
      %get3A_429 = arith.constant 0 : index
      %get3A_430 = arith.constant 0 : index
      %get3A_431 = vector.load %arg1[%get3A_427, %get3A_428, %get3A_429, %get3A_430] : memref<4x3x8x128xf32, #tpu.memory_space<vmem>>, vector<1x1x8x128xf32>
      %get3A_432 = vector.shape_cast %get3A_431 : vector<1x1x8x128xf32> to vector<8x128xf32>
      %sub3A_433 = vector.broadcast %reduce_sum3A_398 : f32 to vector<8x128xf32>
      %sub3A_434 = arith.subf %get3A_432, %sub3A_433 : vector<8x128xf32>
      %mul3A_435 = arith.mulf %sub3A_418, %sub3A_418 : vector<8x128xf32>
      %mul3A_436 = arith.mulf %sub3A_434, %sub3A_434 : vector<8x128xf32>
      %add3A_437 = arith.addf %mul3A_435, %mul3A_436 : vector<8x128xf32>
      %mul3A_438 = arith.mulf %sub3A_426, %sub3A_426 : vector<8x128xf32>
      %add3A_439 = arith.addf %add3A_437, %mul3A_438 : vector<8x128xf32>
      %get3A_440 = arith.constant 0 : index
      %get3A_441 = arith.constant 0 : index
      %get3A_442 = vector.load %arg5[%get3A_440, %get3A_441] : memref<8x128xf32, #tpu.memory_space<vmem>>, vector<8x128xf32>
      %min3A_443 = arith.minimumf %get3A_442, %add3A_439 : vector<8x128xf32>
      %swap3A_444 = arith.constant 0 : index
      %swap3A_445 = arith.constant 0 : index
      %swap3A_446 = vector.load %arg5[%swap3A_444, %swap3A_445] : memref<8x128xf32, #tpu.memory_space<vmem>>, vector<8x128xf32>
      tpu.vector_store %arg5[%swap3A_444, %swap3A_445], %min3A_443 {strides = array<i32>} : memref<8x128xf32, #tpu.memory_space<vmem>>, vector<8x128xf32>,
      %reduce_max3A_447 = vector.shape_cast %min3A_443 : vector<8x128xf32> to vector<1x8x128xf32>
      %reduce_max3A_448 = arith.constant dense<0xFF800000> : vector<1xf32>
      %reduce_max3A_449 = vector.multi_reduction <maximumf>, %reduce_max3A_447, %reduce_max3A_448 [1, 2] : vector<1x8x128xf32> to vector<1xf32>
      %reduce_max3A_450 = vector.shape_cast %reduce_max3A_449 : vector<1xf32> to vector<1x1x1xf32>
      %reduce_max3A_451 = vector.extract %reduce_max3A_450[0, 0, 0] : f32 from vector<1x1x1xf32>
      %eq3A_452 = vector.broadcast %reduce_max3A_451 : f32 to vector<8x128xf32>
      %eq3A_453 = arith.cmpf oeq, %min3A_443, %eq3A_452 : vector<8x128xf32>
      %jit3A_454 = arith.constant 1024 : i32
      %broadcast_in_dim3A_455 = vector.broadcast %jit3A_454 : i32 to vector<8x128xi32>
      %select_n3A_456 = arith.select %eq3A_453, %add3A, %broadcast_in_dim3A_455 : vector<8x128xi1>, vector<8x128xi32>
      %reduce_min3A_457 = vector.shape_cast %select_n3A_456 : vector<8x128xi32> to vector<1x8x128xi32>
      %reduce_min3A_458 = arith.constant dense<2147483647> : vector<1xi32>
      %reduce_min3A_459 = vector.multi_reduction <minsi>, %reduce_min3A_457, %reduce_min3A_458 [1, 2] : vector<1x8x128xi32> to vector<1xi32>
      %reduce_min3A_460 = vector.shape_cast %reduce_min3A_459 : vector<1xi32> to vector<1x1x1xi32>
      %reduce_min3A_461 = vector.extract %reduce_min3A_460[0, 0, 0] : i32 from vector<1x1x1xi32>
      %jit3A_462 = arith.constant 128 : i32
      %div3A_463 = arith.divsi %scan3A_31, %jit3A_462 : i32
      %sign3A_464 = arith.constant 0 : i32
      %sign3A_465 = arith.cmpi sgt, %scan3A_31, %sign3A_464 : i32
      %sign3A_466 = arith.extui %sign3A_465 : i1 to i32
      %sign3A_467 = arith.constant 0 : i32
      %sign3A_468 = arith.cmpi slt, %scan3A_31, %sign3A_467 : i32
      %sign3A_469 = arith.extui %sign3A_468 : i1 to i32
      %sign3A_470 = arith.subi %sign3A_466, %sign3A_469 : i32
      %sign3A_471 = arith.constant 0 : i32
      %sign3A_472 = arith.cmpi sgt, %jit3A_462, %sign3A_471 : i32
      %sign3A_473 = arith.extui %sign3A_472 : i1 to i32
      %sign3A_474 = arith.constant 0 : i32
      %sign3A_475 = arith.cmpi slt, %jit3A_462, %sign3A_474 : i32
      %sign3A_476 = arith.extui %sign3A_475 : i1 to i32
      %sign3A_477 = arith.subi %sign3A_473, %sign3A_476 : i32
      %ne3A_478 = arith.cmpi ne, %sign3A_470, %sign3A_477 : i32
      %rem3A_479 = arith.remsi %scan3A_31, %jit3A_462 : i32
      %ne3A_480 = arith.constant 0 : i32
      %ne3A_481 = arith.cmpi ne, %rem3A_479, %ne3A_480 : i32
      %and3A_482 = arith.andi %ne3A_478, %ne3A_481 : i1
      %sub3A_483 = arith.constant 1 : i32
      %sub3A_484 = arith.subi %div3A_463, %sub3A_483 : i32
      %select_n3A_485 = arith.select %and3A_482, %sub3A_484, %div3A_463 : i32
      %jit3A_486 = arith.constant 128 : i32
      %eq3A_487 = arith.constant 0 : i32
      %eq3A_488 = arith.cmpi eq, %jit3A_486, %eq3A_487 : i32
      %jit3A_489 = arith.constant 1 : i32
      %select_n3A_490 = arith.select %eq3A_488, %jit3A_489, %jit3A_486 : i32
      %rem3A_491 = arith.remsi %scan3A_31, %select_n3A_490 : i32
      %ne3A_492 = arith.constant 0 : i32
      %ne3A_493 = arith.cmpi ne, %rem3A_491, %ne3A_492 : i32
      %lt3A_494 = arith.constant 0 : i32
      %lt3A_495 = arith.cmpi slt, %rem3A_491, %lt3A_494 : i32
      %lt3A_496 = arith.constant 0 : i32
      %lt3A_497 = arith.cmpi slt, %select_n3A_490, %lt3A_496 : i32
      %ne3A_498 = arith.xori %lt3A_495, %lt3A_497 : i1
      %and3A_499 = arith.andi %ne3A_498, %ne3A_493 : i1
      %add3A_500 = arith.addi %rem3A_491, %select_n3A_490 : i32
      %select_n3A_501 = arith.select %and3A_499, %add3A_500, %rem3A_491 : i32
      %eq3A_502 = vector.broadcast %select_n3A_501 : i32 to vector<1x128xi32>
      %eq3A_503 = arith.cmpi eq, %iota3A, %eq3A_502 : vector<1x128xi32>
      %get3A_504 = arith.constant 3 : index
      %get3A_505 = arith.constant 0 : index
      %get3A_506 = arith.index_cast %select_n3A_485 : i32 to index
      %get3A_507 = arith.constant 0 : index
      %get3A_508 = vector.load %arg1[%get3A_504, %get3A_505, %get3A_506, %get3A_507] : memref<4x3x8x128xf32, #tpu.memory_space<vmem>>, vector<1x1x1x128xf32>
      %get3A_509 = vector.shape_cast %get3A_508 : vector<1x1x1x128xf32> to vector<1x128xf32>
      %get3A_510 = arith.constant 3 : index
      %get3A_511 = arith.constant 1 : index
      %get3A_512 = arith.index_cast %select_n3A_485 : i32 to index
      %get3A_513 = arith.constant 0 : index
      %get3A_514 = vector.load %arg1[%get3A_510, %get3A_511, %get3A_512, %get3A_513] : memref<4x3x8x128xf32, #tpu.memory_space<vmem>>, vector<1x1x1x128xf32>
      %get3A_515 = vector.shape_cast %get3A_514 : vector<1x1x1x128xf32> to vector<1x128xf32>
      %get3A_516 = arith.constant 3 : index
      %get3A_517 = arith.constant 2 : index
      %get3A_518 = arith.index_cast %select_n3A_485 : i32 to index
      %get3A_519 = arith.constant 0 : index
      %get3A_520 = vector.load %arg1[%get3A_516, %get3A_517, %get3A_518, %get3A_519] : memref<4x3x8x128xf32, #tpu.memory_space<vmem>>, vector<1x1x1x128xf32>
      %get3A_521 = vector.shape_cast %get3A_520 : vector<1x1x1x128xf32> to vector<1x128xf32>
      %jit3A_522 = arith.constant 0.000000e+00 : f32
      %broadcast_in_dim3A_523 = vector.broadcast %jit3A_522 : f32 to vector<1x128xf32>
      %select_n3A_524 = arith.select %eq3A_503, %get3A_509, %broadcast_in_dim3A_523 : vector<1x128xi1>, vector<1x128xf32>
      %reduce_sum3A_525 = vector.shape_cast %select_n3A_524 : vector<1x128xf32> to vector<1x1x128xf32>
      %reduce_sum3A_526 = arith.constant dense<0.000000e+00> : vector<1xf32>
      %reduce_sum3A_527 = vector.multi_reduction <add>, %reduce_sum3A_525, %reduce_sum3A_526 [1, 2] : vector<1x1x128xf32> to vector<1xf32>
      %reduce_sum3A_528 = vector.shape_cast %reduce_sum3A_527 : vector<1xf32> to vector<1x1x1xf32>
      %reduce_sum3A_529 = vector.extract %reduce_sum3A_528[0, 0, 0] : f32 from vector<1x1x1xf32>
      %jit3A_530 = arith.constant 0.000000e+00 : f32
      %broadcast_in_dim3A_531 = vector.broadcast %jit3A_530 : f32 to vector<1x128xf32>
      %select_n3A_532 = arith.select %eq3A_503, %get3A_515, %broadcast_in_dim3A_531 : vector<1x128xi1>, vector<1x128xf32>
      %reduce_sum3A_533 = vector.shape_cast %select_n3A_532 : vector<1x128xf32> to vector<1x1x128xf32>
      %reduce_sum3A_534 = arith.constant dense<0.000000e+00> : vector<1xf32>
      %reduce_sum3A_535 = vector.multi_reduction <add>, %reduce_sum3A_533, %reduce_sum3A_534 [1, 2] : vector<1x1x128xf32> to vector<1xf32>
      %reduce_sum3A_536 = vector.shape_cast %reduce_sum3A_535 : vector<1xf32> to vector<1x1x1xf32>
      %reduce_sum3A_537 = vector.extract %reduce_sum3A_536[0, 0, 0] : f32 from vector<1x1x1xf32>
      %jit3A_538 = arith.constant 0.000000e+00 : f32
      %broadcast_in_dim3A_539 = vector.broadcast %jit3A_538 : f32 to vector<1x128xf32>
      %select_n3A_540 = arith.select %eq3A_503, %get3A_521, %broadcast_in_dim3A_539 : vector<1x128xi1>, vector<1x128xf32>
      %reduce_sum3A_541 = vector.shape_cast %select_n3A_540 : vector<1x128xf32> to vector<1x1x128xf32>
      %reduce_sum3A_542 = arith.constant dense<0.000000e+00> : vector<1xf32>
      %reduce_sum3A_543 = vector.multi_reduction <add>, %reduce_sum3A_541, %reduce_sum3A_542 [1, 2] : vector<1x1x128xf32> to vector<1xf32>
      %reduce_sum3A_544 = vector.shape_cast %reduce_sum3A_543 : vector<1xf32> to vector<1x1x1xf32>
      %reduce_sum3A_545 = vector.extract %reduce_sum3A_544[0, 0, 0] : f32 from vector<1x1x1xf32>
      %swap3A_546 = arith.constant 3 : index
      %swap3A_547 = arith.constant 0 : index
      %swap3A_548 = arith.index_cast %scan3A_27 : i32 to index
      %swap3A_549 = memref.load %arg2[%swap3A_546, %swap3A_547, %swap3A_548] : memref<4x3x1024xf32, #tpu.memory_space<smem>>
      memref.store %reduce_sum3A_529, %arg2[%swap3A_546, %swap3A_547, %swap3A_548] : memref<4x3x1024xf32, #tpu.memory_space<smem>>
      %swap3A_550 = arith.constant 3 : index
      %swap3A_551 = arith.constant 1 : index
      %swap3A_552 = arith.index_cast %scan3A_27 : i32 to index
      %swap3A_553 = memref.load %arg2[%swap3A_550, %swap3A_551, %swap3A_552] : memref<4x3x1024xf32, #tpu.memory_space<smem>>
      memref.store %reduce_sum3A_537, %arg2[%swap3A_550, %swap3A_551, %swap3A_552] : memref<4x3x1024xf32, #tpu.memory_space<smem>>
      %swap3A_554 = arith.constant 3 : index
      %swap3A_555 = arith.constant 2 : index
      %swap3A_556 = arith.index_cast %scan3A_27 : i32 to index
      %swap3A_557 = memref.load %arg2[%swap3A_554, %swap3A_555, %swap3A_556] : memref<4x3x1024xf32, #tpu.memory_space<smem>>
      memref.store %reduce_sum3A_545, %arg2[%swap3A_554, %swap3A_555, %swap3A_556] : memref<4x3x1024xf32, #tpu.memory_space<smem>>
      %get3A_558 = arith.constant 3 : index
      %get3A_559 = arith.constant 0 : index
      %get3A_560 = arith.constant 0 : index
      %get3A_561 = arith.constant 0 : index
      %get3A_562 = vector.load %arg1[%get3A_558, %get3A_559, %get3A_560, %get3A_561] : memref<4x3x8x128xf32, #tpu.memory_space<vmem>>, vector<1x1x8x128xf32>
      %get3A_563 = vector.shape_cast %get3A_562 : vector<1x1x8x128xf32> to vector<8x128xf32>
      %sub3A_564 = vector.broadcast %reduce_sum3A_529 : f32 to vector<8x128xf32>
      %sub3A_565 = arith.subf %get3A_563, %sub3A_564 : vector<8x128xf32>
      %get3A_566 = arith.constant 3 : index
      %get3A_567 = arith.constant 1 : index
      %get3A_568 = arith.constant 0 : index
      %get3A_569 = arith.constant 0 : index
      %get3A_570 = vector.load %arg1[%get3A_566, %get3A_567, %get3A_568, %get3A_569] : memref<4x3x8x128xf32, #tpu.memory_space<vmem>>, vector<1x1x8x128xf32>
      %get3A_571 = vector.shape_cast %get3A_570 : vector<1x1x8x128xf32> to vector<8x128xf32>
      %sub3A_572 = vector.broadcast %reduce_sum3A_537 : f32 to vector<8x128xf32>
      %sub3A_573 = arith.subf %get3A_571, %sub3A_572 : vector<8x128xf32>
      %get3A_574 = arith.constant 3 : index
      %get3A_575 = arith.constant 2 : index
      %get3A_576 = arith.constant 0 : index
      %get3A_577 = arith.constant 0 : index
      %get3A_578 = vector.load %arg1[%get3A_574, %get3A_575, %get3A_576, %get3A_577] : memref<4x3x8x128xf32, #tpu.memory_space<vmem>>, vector<1x1x8x128xf32>
      %get3A_579 = vector.shape_cast %get3A_578 : vector<1x1x8x128xf32> to vector<8x128xf32>
      %sub3A_580 = vector.broadcast %reduce_sum3A_545 : f32 to vector<8x128xf32>
      %sub3A_581 = arith.subf %get3A_579, %sub3A_580 : vector<8x128xf32>
      %mul3A_582 = arith.mulf %sub3A_565, %sub3A_565 : vector<8x128xf32>
      %mul3A_583 = arith.mulf %sub3A_581, %sub3A_581 : vector<8x128xf32>
      %add3A_584 = arith.addf %mul3A_582, %mul3A_583 : vector<8x128xf32>
      %mul3A_585 = arith.mulf %sub3A_573, %sub3A_573 : vector<8x128xf32>
      %add3A_586 = arith.addf %add3A_584, %mul3A_585 : vector<8x128xf32>
      %get3A_587 = arith.constant 0 : index
      %get3A_588 = arith.constant 0 : index
      %get3A_589 = vector.load %arg6[%get3A_587, %get3A_588] : memref<8x128xf32, #tpu.memory_space<vmem>>, vector<8x128xf32>
      %min3A_590 = arith.minimumf %get3A_589, %add3A_586 : vector<8x128xf32>
      %swap3A_591 = arith.constant 0 : index
      %swap3A_592 = arith.constant 0 : index
      %swap3A_593 = vector.load %arg6[%swap3A_591, %swap3A_592] : memref<8x128xf32, #tpu.memory_space<vmem>>, vector<8x128xf32>
      tpu.vector_store %arg6[%swap3A_591, %swap3A_592], %min3A_590 {strides = array<i32>} : memref<8x128xf32, #tpu.memory_space<vmem>>, vector<8x128xf32>,
      %reduce_max3A_594 = vector.shape_cast %min3A_590 : vector<8x128xf32> to vector<1x8x128xf32>
      %reduce_max3A_595 = arith.constant dense<0xFF800000> : vector<1xf32>
      %reduce_max3A_596 = vector.multi_reduction <maximumf>, %reduce_max3A_594, %reduce_max3A_595 [1, 2] : vector<1x8x128xf32> to vector<1xf32>
      %reduce_max3A_597 = vector.shape_cast %reduce_max3A_596 : vector<1xf32> to vector<1x1x1xf32>
      %reduce_max3A_598 = vector.extract %reduce_max3A_597[0, 0, 0] : f32 from vector<1x1x1xf32>
      %eq3A_599 = vector.broadcast %reduce_max3A_598 : f32 to vector<8x128xf32>
      %eq3A_600 = arith.cmpf oeq, %min3A_590, %eq3A_599 : vector<8x128xf32>
      %jit3A_601 = arith.constant 1024 : i32
      %broadcast_in_dim3A_602 = vector.broadcast %jit3A_601 : i32 to vector<8x128xi32>
      %select_n3A_603 = arith.select %eq3A_600, %add3A, %broadcast_in_dim3A_602 : vector<8x128xi1>, vector<8x128xi32>
      %reduce_min3A_604 = vector.shape_cast %select_n3A_603 : vector<8x128xi32> to vector<1x8x128xi32>
      %reduce_min3A_605 = arith.constant dense<2147483647> : vector<1xi32>
      %reduce_min3A_606 = vector.multi_reduction <minsi>, %reduce_min3A_604, %reduce_min3A_605 [1, 2] : vector<1x8x128xi32> to vector<1xi32>
      %reduce_min3A_607 = vector.shape_cast %reduce_min3A_606 : vector<1xi32> to vector<1x1x1xi32>
      %reduce_min3A_608 = vector.extract %reduce_min3A_607[0, 0, 0] : i32 from vector<1x1x1xi32>
      scf.yield %reduce_min3A_167, %reduce_min3A_314, %reduce_min3A_461, %reduce_min3A_608 : i32, i32, i32, i32
    }
    %scan3A_26 = arith.constant 1024 : i32
    return
  }
  func.func @transform_0(%arg0: i32) -> (i32, i32, i32, i32) {
    %c0_i32 = arith.constant 0 : i32
    %c0_i32_0 = arith.constant 0 : i32
    %c0_i32_1 = arith.constant 0 : i32
    %c0_i32_2 = arith.constant 0 : i32
    %c0_i32_3 = arith.constant 0 : i32
    return %c0_i32, %c0_i32_0, %c0_i32_1, %c0_i32_2 : i32, i32, i32, i32
  }
  func.func @transform_1(%arg0: i32) -> (i32, i32, i32) {
    %c0_i32 = arith.constant 0 : i32
    %c0_i32_0 = arith.constant 0 : i32
    %c0_i32_1 = arith.constant 0 : i32
    %c0_i32_2 = arith.constant 0 : i32
    return %c0_i32, %c0_i32_0, %c0_i32_1 : i32, i32, i32
  }
}

module attributes {stable_mosaic.version = 14 : i64} {
  func.func @_bq_body(%arg0: i32, %arg1: memref<1x3x1024xf32, #tpu.memory_space<vmem>>, %arg2: memref<1x128x3xf32, #tpu.memory_space<vmem>>, %arg3: memref<1x128x16xi32, #tpu.memory_space<vmem>>) attributes {dimension_semantics = [#tpu.dimension_semantics<arbitrary>], iteration_bounds = array<i64: 32>, scalar_prefetch = 0 : i64, scratch_operands = 0 : i64, tpu.core_type = #tpu.core_type<tc>, window_params = [{transform_indices = @transform_0, window_bounds = array<i64: 1, 3, 1024>}, {transform_indices = @transform_1, window_bounds = array<i64: 1, 128, 3>}, {transform_indices = @transform_2, window_bounds = array<i64: 1, 128, 16>}]} {
    %jit3A = arith.constant 8 : i32
    %div3A = arith.divsi %arg0, %jit3A : i32
    %sign3A = arith.constant 0 : i32
    %sign3A_0 = arith.cmpi sgt, %arg0, %sign3A : i32
    %sign3A_1 = arith.extui %sign3A_0 : i1 to i32
    %sign3A_2 = arith.constant 0 : i32
    %sign3A_3 = arith.cmpi slt, %arg0, %sign3A_2 : i32
    %sign3A_4 = arith.extui %sign3A_3 : i1 to i32
    %sign3A_5 = arith.subi %sign3A_1, %sign3A_4 : i32
    %sign3A_6 = arith.constant 0 : i32
    %sign3A_7 = arith.cmpi sgt, %jit3A, %sign3A_6 : i32
    %sign3A_8 = arith.extui %sign3A_7 : i1 to i32
    %sign3A_9 = arith.constant 0 : i32
    %sign3A_10 = arith.cmpi slt, %jit3A, %sign3A_9 : i32
    %sign3A_11 = arith.extui %sign3A_10 : i1 to i32
    %sign3A_12 = arith.subi %sign3A_8, %sign3A_11 : i32
    %ne3A = arith.cmpi ne, %sign3A_5, %sign3A_12 : i32
    %rem3A = arith.remsi %arg0, %jit3A : i32
    %ne3A_13 = arith.constant 0 : i32
    %ne3A_14 = arith.cmpi ne, %rem3A, %ne3A_13 : i32
    %and3A = arith.andi %ne3A, %ne3A_14 : i1
    %sub3A = arith.constant 1 : i32
    %sub3A_15 = arith.subi %div3A, %sub3A : i32
    %select_n3A = arith.select %and3A, %sub3A_15, %div3A : i32
    %get3A = arith.constant 0 : index
    %get3A_16 = arith.constant 0 : index
    %get3A_17 = arith.constant 0 : index
    %get3A_18 = vector.load %arg1[%get3A, %get3A_16, %get3A_17] : memref<1x3x1024xf32, #tpu.memory_space<vmem>>, vector<1x1x1024xf32>
    %get3A_19 = vector.shape_cast %get3A_18 : vector<1x1x1024xf32> to vector<1024xf32>
    %reshape3A = vector.shape_cast %get3A_19 : vector<1024xf32> to vector<1x1024xf32>
    %get3A_20 = arith.constant 0 : index
    %get3A_21 = arith.constant 1 : index
    %get3A_22 = arith.constant 0 : index
    %get3A_23 = vector.load %arg1[%get3A_20, %get3A_21, %get3A_22] : memref<1x3x1024xf32, #tpu.memory_space<vmem>>, vector<1x1x1024xf32>
    %get3A_24 = vector.shape_cast %get3A_23 : vector<1x1x1024xf32> to vector<1024xf32>
    %reshape3A_25 = vector.shape_cast %get3A_24 : vector<1024xf32> to vector<1x1024xf32>
    %get3A_26 = arith.constant 0 : index
    %get3A_27 = arith.constant 2 : index
    %get3A_28 = arith.constant 0 : index
    %get3A_29 = vector.load %arg1[%get3A_26, %get3A_27, %get3A_28] : memref<1x3x1024xf32, #tpu.memory_space<vmem>>, vector<1x1x1024xf32>
    %get3A_30 = vector.shape_cast %get3A_29 : vector<1x1x1024xf32> to vector<1024xf32>
    %reshape3A_31 = vector.shape_cast %get3A_30 : vector<1024xf32> to vector<1x1024xf32>
    %get3A_32 = arith.constant 0 : index
    %get3A_33 = arith.constant 0 : index
    %get3A_34 = arith.constant 0 : index
    %get3A_35 = vector.load %arg2[%get3A_32, %get3A_33, %get3A_34] : memref<1x128x3xf32, #tpu.memory_space<vmem>>, vector<1x128x3xf32>
    %get3A_36 = vector.shape_cast %get3A_35 : vector<1x128x3xf32> to vector<128x3xf32>
    %slice3A = vector.extract_strided_slice %get3A_36 {offsets = [0, 0], sizes = [128, 1], strides = [1, 1]} : vector<128x3xf32> to vector<128x1xf32>
    %get3A_37 = arith.constant 0 : index
    %get3A_38 = arith.constant 0 : index
    %get3A_39 = arith.constant 0 : index
    %get3A_40 = vector.load %arg2[%get3A_37, %get3A_38, %get3A_39] : memref<1x128x3xf32, #tpu.memory_space<vmem>>, vector<1x128x3xf32>
    %get3A_41 = vector.shape_cast %get3A_40 : vector<1x128x3xf32> to vector<128x3xf32>
    %slice3A_42 = vector.extract_strided_slice %get3A_41 {offsets = [0, 1], sizes = [128, 1], strides = [1, 1]} : vector<128x3xf32> to vector<128x1xf32>
    %get3A_43 = arith.constant 0 : index
    %get3A_44 = arith.constant 0 : index
    %get3A_45 = arith.constant 0 : index
    %get3A_46 = vector.load %arg2[%get3A_43, %get3A_44, %get3A_45] : memref<1x128x3xf32, #tpu.memory_space<vmem>>, vector<1x128x3xf32>
    %get3A_47 = vector.shape_cast %get3A_46 : vector<1x128x3xf32> to vector<128x3xf32>
    %slice3A_48 = vector.extract_strided_slice %get3A_47 {offsets = [0, 2], sizes = [128, 1], strides = [1, 1]} : vector<128x3xf32> to vector<128x1xf32>
    %sub3A_49 = vector.broadcast %reshape3A : vector<1x1024xf32> to vector<128x1024xf32>
    %sub3A_50 = vector.broadcast %slice3A : vector<128x1xf32> to vector<128x1024xf32>
    %sub3A_51 = arith.subf %sub3A_49, %sub3A_50 : vector<128x1024xf32>
    %sub3A_52 = vector.broadcast %reshape3A_25 : vector<1x1024xf32> to vector<128x1024xf32>
    %sub3A_53 = vector.broadcast %slice3A_42 : vector<128x1xf32> to vector<128x1024xf32>
    %sub3A_54 = arith.subf %sub3A_52, %sub3A_53 : vector<128x1024xf32>
    %sub3A_55 = vector.broadcast %reshape3A_31 : vector<1x1024xf32> to vector<128x1024xf32>
    %sub3A_56 = vector.broadcast %slice3A_48 : vector<128x1xf32> to vector<128x1024xf32>
    %sub3A_57 = arith.subf %sub3A_55, %sub3A_56 : vector<128x1024xf32>
    %mul3A = arith.mulf %sub3A_51, %sub3A_51 : vector<128x1024xf32>
    %mul3A_58 = arith.mulf %sub3A_57, %sub3A_57 : vector<128x1024xf32>
    %add3A = arith.addf %mul3A, %mul3A_58 : vector<128x1024xf32>
    %mul3A_59 = arith.mulf %sub3A_54, %sub3A_54 : vector<128x1024xf32>
    %add3A_60 = arith.addf %add3A, %mul3A_59 : vector<128x1024xf32>
    %iota3A = tpu.iota {dimensions = array<i32: 1>} : vector<1x1024xi32>
    %le3A = arith.constant 1.000000e+00 : f32
    %le3A_61 = vector.broadcast %le3A : f32 to vector<128x1024xf32>
    %le3A_62 = arith.cmpf ole, %add3A_60, %le3A_61 : vector<128x1024xf32>
    %jit3A_63 = arith.constant 1024 : i32
    %broadcast_in_dim3A = vector.shape_cast %iota3A : vector<1x1024xi32> to vector<1x1024xi32>
    %broadcast_in_dim3A_64 = vector.broadcast %broadcast_in_dim3A : vector<1x1024xi32> to vector<128x1024xi32>
    %broadcast_in_dim3A_65 = vector.broadcast %jit3A_63 : i32 to vector<128x1024xi32>
    %select_n3A_66 = arith.select %le3A_62, %broadcast_in_dim3A_64, %broadcast_in_dim3A_65 : vector<128x1024xi1>, vector<128x1024xi32>
    %reduce_min3A = arith.constant dense<2147483647> : vector<128xi32>
    %reduce_min3A_67 = vector.multi_reduction <minsi>, %select_n3A_66, %reduce_min3A [1] : vector<128x1024xi32> to vector<128xi32>
    %broadcast_in_dim3A_68 = vector.shape_cast %reduce_min3A_67 : vector<128xi32> to vector<128x1xi32>
    %eq3A = vector.broadcast %broadcast_in_dim3A_68 : vector<128x1xi32> to vector<128x1024xi32>
    %eq3A_69 = arith.cmpi eq, %select_n3A_66, %eq3A : vector<128x1024xi32>
    %jit3A_70 = arith.constant 1024 : i32
    %broadcast_in_dim3A_71 = vector.broadcast %jit3A_70 : i32 to vector<128x1024xi32>
    %select_n3A_72 = arith.select %eq3A_69, %broadcast_in_dim3A_71, %select_n3A_66 : vector<128x1024xi1>, vector<128x1024xi32>
    %reduce_min3A_73 = arith.constant dense<2147483647> : vector<128xi32>
    %reduce_min3A_74 = vector.multi_reduction <minsi>, %select_n3A_72, %reduce_min3A_73 [1] : vector<128x1024xi32> to vector<128xi32>
    %broadcast_in_dim3A_75 = vector.shape_cast %reduce_min3A_74 : vector<128xi32> to vector<128x1xi32>
    %eq3A_76 = vector.broadcast %broadcast_in_dim3A_75 : vector<128x1xi32> to vector<128x1024xi32>
    %eq3A_77 = arith.cmpi eq, %select_n3A_72, %eq3A_76 : vector<128x1024xi32>
    %jit3A_78 = arith.constant 1024 : i32
    %broadcast_in_dim3A_79 = vector.broadcast %jit3A_78 : i32 to vector<128x1024xi32>
    %select_n3A_80 = arith.select %eq3A_77, %broadcast_in_dim3A_79, %select_n3A_72 : vector<128x1024xi1>, vector<128x1024xi32>
    %reduce_min3A_81 = arith.constant dense<2147483647> : vector<128xi32>
    %reduce_min3A_82 = vector.multi_reduction <minsi>, %select_n3A_80, %reduce_min3A_81 [1] : vector<128x1024xi32> to vector<128xi32>
    %broadcast_in_dim3A_83 = vector.shape_cast %reduce_min3A_82 : vector<128xi32> to vector<128x1xi32>
    %eq3A_84 = vector.broadcast %broadcast_in_dim3A_83 : vector<128x1xi32> to vector<128x1024xi32>
    %eq3A_85 = arith.cmpi eq, %select_n3A_80, %eq3A_84 : vector<128x1024xi32>
    %jit3A_86 = arith.constant 1024 : i32
    %broadcast_in_dim3A_87 = vector.broadcast %jit3A_86 : i32 to vector<128x1024xi32>
    %select_n3A_88 = arith.select %eq3A_85, %broadcast_in_dim3A_87, %select_n3A_80 : vector<128x1024xi1>, vector<128x1024xi32>
    %reduce_min3A_89 = arith.constant dense<2147483647> : vector<128xi32>
    %reduce_min3A_90 = vector.multi_reduction <minsi>, %select_n3A_88, %reduce_min3A_89 [1] : vector<128x1024xi32> to vector<128xi32>
    %broadcast_in_dim3A_91 = vector.shape_cast %reduce_min3A_90 : vector<128xi32> to vector<128x1xi32>
    %eq3A_92 = vector.broadcast %broadcast_in_dim3A_91 : vector<128x1xi32> to vector<128x1024xi32>
    %eq3A_93 = arith.cmpi eq, %select_n3A_88, %eq3A_92 : vector<128x1024xi32>
    %jit3A_94 = arith.constant 1024 : i32
    %broadcast_in_dim3A_95 = vector.broadcast %jit3A_94 : i32 to vector<128x1024xi32>
    %select_n3A_96 = arith.select %eq3A_93, %broadcast_in_dim3A_95, %select_n3A_88 : vector<128x1024xi1>, vector<128x1024xi32>
    %reduce_min3A_97 = arith.constant dense<2147483647> : vector<128xi32>
    %reduce_min3A_98 = vector.multi_reduction <minsi>, %select_n3A_96, %reduce_min3A_97 [1] : vector<128x1024xi32> to vector<128xi32>
    %broadcast_in_dim3A_99 = vector.shape_cast %reduce_min3A_98 : vector<128xi32> to vector<128x1xi32>
    %eq3A_100 = vector.broadcast %broadcast_in_dim3A_99 : vector<128x1xi32> to vector<128x1024xi32>
    %eq3A_101 = arith.cmpi eq, %select_n3A_96, %eq3A_100 : vector<128x1024xi32>
    %jit3A_102 = arith.constant 1024 : i32
    %broadcast_in_dim3A_103 = vector.broadcast %jit3A_102 : i32 to vector<128x1024xi32>
    %select_n3A_104 = arith.select %eq3A_101, %broadcast_in_dim3A_103, %select_n3A_96 : vector<128x1024xi1>, vector<128x1024xi32>
    %reduce_min3A_105 = arith.constant dense<2147483647> : vector<128xi32>
    %reduce_min3A_106 = vector.multi_reduction <minsi>, %select_n3A_104, %reduce_min3A_105 [1] : vector<128x1024xi32> to vector<128xi32>
    %broadcast_in_dim3A_107 = vector.shape_cast %reduce_min3A_106 : vector<128xi32> to vector<128x1xi32>
    %eq3A_108 = vector.broadcast %broadcast_in_dim3A_107 : vector<128x1xi32> to vector<128x1024xi32>
    %eq3A_109 = arith.cmpi eq, %select_n3A_104, %eq3A_108 : vector<128x1024xi32>
    %jit3A_110 = arith.constant 1024 : i32
    %broadcast_in_dim3A_111 = vector.broadcast %jit3A_110 : i32 to vector<128x1024xi32>
    %select_n3A_112 = arith.select %eq3A_109, %broadcast_in_dim3A_111, %select_n3A_104 : vector<128x1024xi1>, vector<128x1024xi32>
    %reduce_min3A_113 = arith.constant dense<2147483647> : vector<128xi32>
    %reduce_min3A_114 = vector.multi_reduction <minsi>, %select_n3A_112, %reduce_min3A_113 [1] : vector<128x1024xi32> to vector<128xi32>
    %broadcast_in_dim3A_115 = vector.shape_cast %reduce_min3A_114 : vector<128xi32> to vector<128x1xi32>
    %eq3A_116 = vector.broadcast %broadcast_in_dim3A_115 : vector<128x1xi32> to vector<128x1024xi32>
    %eq3A_117 = arith.cmpi eq, %select_n3A_112, %eq3A_116 : vector<128x1024xi32>
    %jit3A_118 = arith.constant 1024 : i32
    %broadcast_in_dim3A_119 = vector.broadcast %jit3A_118 : i32 to vector<128x1024xi32>
    %select_n3A_120 = arith.select %eq3A_117, %broadcast_in_dim3A_119, %select_n3A_112 : vector<128x1024xi1>, vector<128x1024xi32>
    %reduce_min3A_121 = arith.constant dense<2147483647> : vector<128xi32>
    %reduce_min3A_122 = vector.multi_reduction <minsi>, %select_n3A_120, %reduce_min3A_121 [1] : vector<128x1024xi32> to vector<128xi32>
    %broadcast_in_dim3A_123 = vector.shape_cast %reduce_min3A_122 : vector<128xi32> to vector<128x1xi32>
    %eq3A_124 = vector.broadcast %broadcast_in_dim3A_123 : vector<128x1xi32> to vector<128x1024xi32>
    %eq3A_125 = arith.cmpi eq, %select_n3A_120, %eq3A_124 : vector<128x1024xi32>
    %jit3A_126 = arith.constant 1024 : i32
    %broadcast_in_dim3A_127 = vector.broadcast %jit3A_126 : i32 to vector<128x1024xi32>
    %select_n3A_128 = arith.select %eq3A_125, %broadcast_in_dim3A_127, %select_n3A_120 : vector<128x1024xi1>, vector<128x1024xi32>
    %reduce_min3A_129 = arith.constant dense<2147483647> : vector<128xi32>
    %reduce_min3A_130 = vector.multi_reduction <minsi>, %select_n3A_128, %reduce_min3A_129 [1] : vector<128x1024xi32> to vector<128xi32>
    %broadcast_in_dim3A_131 = vector.shape_cast %reduce_min3A_130 : vector<128xi32> to vector<128x1xi32>
    %eq3A_132 = vector.broadcast %broadcast_in_dim3A_131 : vector<128x1xi32> to vector<128x1024xi32>
    %eq3A_133 = arith.cmpi eq, %select_n3A_128, %eq3A_132 : vector<128x1024xi32>
    %jit3A_134 = arith.constant 1024 : i32
    %broadcast_in_dim3A_135 = vector.broadcast %jit3A_134 : i32 to vector<128x1024xi32>
    %select_n3A_136 = arith.select %eq3A_133, %broadcast_in_dim3A_135, %select_n3A_128 : vector<128x1024xi1>, vector<128x1024xi32>
    %reduce_min3A_137 = arith.constant dense<2147483647> : vector<128xi32>
    %reduce_min3A_138 = vector.multi_reduction <minsi>, %select_n3A_136, %reduce_min3A_137 [1] : vector<128x1024xi32> to vector<128xi32>
    %broadcast_in_dim3A_139 = vector.shape_cast %reduce_min3A_138 : vector<128xi32> to vector<128x1xi32>
    %eq3A_140 = vector.broadcast %broadcast_in_dim3A_139 : vector<128x1xi32> to vector<128x1024xi32>
    %eq3A_141 = arith.cmpi eq, %select_n3A_136, %eq3A_140 : vector<128x1024xi32>
    %jit3A_142 = arith.constant 1024 : i32
    %broadcast_in_dim3A_143 = vector.broadcast %jit3A_142 : i32 to vector<128x1024xi32>
    %select_n3A_144 = arith.select %eq3A_141, %broadcast_in_dim3A_143, %select_n3A_136 : vector<128x1024xi1>, vector<128x1024xi32>
    %reduce_min3A_145 = arith.constant dense<2147483647> : vector<128xi32>
    %reduce_min3A_146 = vector.multi_reduction <minsi>, %select_n3A_144, %reduce_min3A_145 [1] : vector<128x1024xi32> to vector<128xi32>
    %broadcast_in_dim3A_147 = vector.shape_cast %reduce_min3A_146 : vector<128xi32> to vector<128x1xi32>
    %eq3A_148 = vector.broadcast %broadcast_in_dim3A_147 : vector<128x1xi32> to vector<128x1024xi32>
    %eq3A_149 = arith.cmpi eq, %select_n3A_144, %eq3A_148 : vector<128x1024xi32>
    %jit3A_150 = arith.constant 1024 : i32
    %broadcast_in_dim3A_151 = vector.broadcast %jit3A_150 : i32 to vector<128x1024xi32>
    %select_n3A_152 = arith.select %eq3A_149, %broadcast_in_dim3A_151, %select_n3A_144 : vector<128x1024xi1>, vector<128x1024xi32>
    %reduce_min3A_153 = arith.constant dense<2147483647> : vector<128xi32>
    %reduce_min3A_154 = vector.multi_reduction <minsi>, %select_n3A_152, %reduce_min3A_153 [1] : vector<128x1024xi32> to vector<128xi32>
    %broadcast_in_dim3A_155 = vector.shape_cast %reduce_min3A_154 : vector<128xi32> to vector<128x1xi32>
    %eq3A_156 = vector.broadcast %broadcast_in_dim3A_155 : vector<128x1xi32> to vector<128x1024xi32>
    %eq3A_157 = arith.cmpi eq, %select_n3A_152, %eq3A_156 : vector<128x1024xi32>
    %jit3A_158 = arith.constant 1024 : i32
    %broadcast_in_dim3A_159 = vector.broadcast %jit3A_158 : i32 to vector<128x1024xi32>
    %select_n3A_160 = arith.select %eq3A_157, %broadcast_in_dim3A_159, %select_n3A_152 : vector<128x1024xi1>, vector<128x1024xi32>
    %reduce_min3A_161 = arith.constant dense<2147483647> : vector<128xi32>
    %reduce_min3A_162 = vector.multi_reduction <minsi>, %select_n3A_160, %reduce_min3A_161 [1] : vector<128x1024xi32> to vector<128xi32>
    %broadcast_in_dim3A_163 = vector.shape_cast %reduce_min3A_162 : vector<128xi32> to vector<128x1xi32>
    %eq3A_164 = vector.broadcast %broadcast_in_dim3A_163 : vector<128x1xi32> to vector<128x1024xi32>
    %eq3A_165 = arith.cmpi eq, %select_n3A_160, %eq3A_164 : vector<128x1024xi32>
    %jit3A_166 = arith.constant 1024 : i32
    %broadcast_in_dim3A_167 = vector.broadcast %jit3A_166 : i32 to vector<128x1024xi32>
    %select_n3A_168 = arith.select %eq3A_165, %broadcast_in_dim3A_167, %select_n3A_160 : vector<128x1024xi1>, vector<128x1024xi32>
    %reduce_min3A_169 = arith.constant dense<2147483647> : vector<128xi32>
    %reduce_min3A_170 = vector.multi_reduction <minsi>, %select_n3A_168, %reduce_min3A_169 [1] : vector<128x1024xi32> to vector<128xi32>
    %broadcast_in_dim3A_171 = vector.shape_cast %reduce_min3A_170 : vector<128xi32> to vector<128x1xi32>
    %eq3A_172 = vector.broadcast %broadcast_in_dim3A_171 : vector<128x1xi32> to vector<128x1024xi32>
    %eq3A_173 = arith.cmpi eq, %select_n3A_168, %eq3A_172 : vector<128x1024xi32>
    %jit3A_174 = arith.constant 1024 : i32
    %broadcast_in_dim3A_175 = vector.broadcast %jit3A_174 : i32 to vector<128x1024xi32>
    %select_n3A_176 = arith.select %eq3A_173, %broadcast_in_dim3A_175, %select_n3A_168 : vector<128x1024xi1>, vector<128x1024xi32>
    %reduce_min3A_177 = arith.constant dense<2147483647> : vector<128xi32>
    %reduce_min3A_178 = vector.multi_reduction <minsi>, %select_n3A_176, %reduce_min3A_177 [1] : vector<128x1024xi32> to vector<128xi32>
    %broadcast_in_dim3A_179 = vector.shape_cast %reduce_min3A_178 : vector<128xi32> to vector<128x1xi32>
    %eq3A_180 = vector.broadcast %broadcast_in_dim3A_179 : vector<128x1xi32> to vector<128x1024xi32>
    %eq3A_181 = arith.cmpi eq, %select_n3A_176, %eq3A_180 : vector<128x1024xi32>
    %jit3A_182 = arith.constant 1024 : i32
    %broadcast_in_dim3A_183 = vector.broadcast %jit3A_182 : i32 to vector<128x1024xi32>
    %select_n3A_184 = arith.select %eq3A_181, %broadcast_in_dim3A_183, %select_n3A_176 : vector<128x1024xi1>, vector<128x1024xi32>
    %reduce_min3A_185 = arith.constant dense<2147483647> : vector<128xi32>
    %reduce_min3A_186 = vector.multi_reduction <minsi>, %select_n3A_184, %reduce_min3A_185 [1] : vector<128x1024xi32> to vector<128xi32>
    %broadcast_in_dim3A_187 = vector.shape_cast %reduce_min3A_186 : vector<128xi32> to vector<128x1xi32>
    %eq3A_188 = arith.constant 1024 : i32
    %eq3A_189 = vector.broadcast %eq3A_188 : i32 to vector<128x1xi32>
    %eq3A_190 = arith.cmpi eq, %broadcast_in_dim3A_75, %eq3A_189 : vector<128x1xi32>
    %select_n3A_191 = arith.select %eq3A_190, %broadcast_in_dim3A_68, %broadcast_in_dim3A_75 : vector<128x1xi1>, vector<128x1xi32>
    %eq3A_192 = arith.constant 1024 : i32
    %eq3A_193 = vector.broadcast %eq3A_192 : i32 to vector<128x1xi32>
    %eq3A_194 = arith.cmpi eq, %broadcast_in_dim3A_83, %eq3A_193 : vector<128x1xi32>
    %select_n3A_195 = arith.select %eq3A_194, %broadcast_in_dim3A_68, %broadcast_in_dim3A_83 : vector<128x1xi1>, vector<128x1xi32>
    %eq3A_196 = arith.constant 1024 : i32
    %eq3A_197 = vector.broadcast %eq3A_196 : i32 to vector<128x1xi32>
    %eq3A_198 = arith.cmpi eq, %broadcast_in_dim3A_91, %eq3A_197 : vector<128x1xi32>
    %select_n3A_199 = arith.select %eq3A_198, %broadcast_in_dim3A_68, %broadcast_in_dim3A_91 : vector<128x1xi1>, vector<128x1xi32>
    %eq3A_200 = arith.constant 1024 : i32
    %eq3A_201 = vector.broadcast %eq3A_200 : i32 to vector<128x1xi32>
    %eq3A_202 = arith.cmpi eq, %broadcast_in_dim3A_99, %eq3A_201 : vector<128x1xi32>
    %select_n3A_203 = arith.select %eq3A_202, %broadcast_in_dim3A_68, %broadcast_in_dim3A_99 : vector<128x1xi1>, vector<128x1xi32>
    %eq3A_204 = arith.constant 1024 : i32
    %eq3A_205 = vector.broadcast %eq3A_204 : i32 to vector<128x1xi32>
    %eq3A_206 = arith.cmpi eq, %broadcast_in_dim3A_107, %eq3A_205 : vector<128x1xi32>
    %select_n3A_207 = arith.select %eq3A_206, %broadcast_in_dim3A_68, %broadcast_in_dim3A_107 : vector<128x1xi1>, vector<128x1xi32>
    %eq3A_208 = arith.constant 1024 : i32
    %eq3A_209 = vector.broadcast %eq3A_208 : i32 to vector<128x1xi32>
    %eq3A_210 = arith.cmpi eq, %broadcast_in_dim3A_115, %eq3A_209 : vector<128x1xi32>
    %select_n3A_211 = arith.select %eq3A_210, %broadcast_in_dim3A_68, %broadcast_in_dim3A_115 : vector<128x1xi1>, vector<128x1xi32>
    %eq3A_212 = arith.constant 1024 : i32
    %eq3A_213 = vector.broadcast %eq3A_212 : i32 to vector<128x1xi32>
    %eq3A_214 = arith.cmpi eq, %broadcast_in_dim3A_123, %eq3A_213 : vector<128x1xi32>
    %select_n3A_215 = arith.select %eq3A_214, %broadcast_in_dim3A_68, %broadcast_in_dim3A_123 : vector<128x1xi1>, vector<128x1xi32>
    %eq3A_216 = arith.constant 1024 : i32
    %eq3A_217 = vector.broadcast %eq3A_216 : i32 to vector<128x1xi32>
    %eq3A_218 = arith.cmpi eq, %broadcast_in_dim3A_131, %eq3A_217 : vector<128x1xi32>
    %select_n3A_219 = arith.select %eq3A_218, %broadcast_in_dim3A_68, %broadcast_in_dim3A_131 : vector<128x1xi1>, vector<128x1xi32>
    %eq3A_220 = arith.constant 1024 : i32
    %eq3A_221 = vector.broadcast %eq3A_220 : i32 to vector<128x1xi32>
    %eq3A_222 = arith.cmpi eq, %broadcast_in_dim3A_139, %eq3A_221 : vector<128x1xi32>
    %select_n3A_223 = arith.select %eq3A_222, %broadcast_in_dim3A_68, %broadcast_in_dim3A_139 : vector<128x1xi1>, vector<128x1xi32>
    %eq3A_224 = arith.constant 1024 : i32
    %eq3A_225 = vector.broadcast %eq3A_224 : i32 to vector<128x1xi32>
    %eq3A_226 = arith.cmpi eq, %broadcast_in_dim3A_147, %eq3A_225 : vector<128x1xi32>
    %select_n3A_227 = arith.select %eq3A_226, %broadcast_in_dim3A_68, %broadcast_in_dim3A_147 : vector<128x1xi1>, vector<128x1xi32>
    %eq3A_228 = arith.constant 1024 : i32
    %eq3A_229 = vector.broadcast %eq3A_228 : i32 to vector<128x1xi32>
    %eq3A_230 = arith.cmpi eq, %broadcast_in_dim3A_155, %eq3A_229 : vector<128x1xi32>
    %select_n3A_231 = arith.select %eq3A_230, %broadcast_in_dim3A_68, %broadcast_in_dim3A_155 : vector<128x1xi1>, vector<128x1xi32>
    %eq3A_232 = arith.constant 1024 : i32
    %eq3A_233 = vector.broadcast %eq3A_232 : i32 to vector<128x1xi32>
    %eq3A_234 = arith.cmpi eq, %broadcast_in_dim3A_163, %eq3A_233 : vector<128x1xi32>
    %select_n3A_235 = arith.select %eq3A_234, %broadcast_in_dim3A_68, %broadcast_in_dim3A_163 : vector<128x1xi1>, vector<128x1xi32>
    %eq3A_236 = arith.constant 1024 : i32
    %eq3A_237 = vector.broadcast %eq3A_236 : i32 to vector<128x1xi32>
    %eq3A_238 = arith.cmpi eq, %broadcast_in_dim3A_171, %eq3A_237 : vector<128x1xi32>
    %select_n3A_239 = arith.select %eq3A_238, %broadcast_in_dim3A_68, %broadcast_in_dim3A_171 : vector<128x1xi1>, vector<128x1xi32>
    %eq3A_240 = arith.constant 1024 : i32
    %eq3A_241 = vector.broadcast %eq3A_240 : i32 to vector<128x1xi32>
    %eq3A_242 = arith.cmpi eq, %broadcast_in_dim3A_179, %eq3A_241 : vector<128x1xi32>
    %select_n3A_243 = arith.select %eq3A_242, %broadcast_in_dim3A_68, %broadcast_in_dim3A_179 : vector<128x1xi1>, vector<128x1xi32>
    %eq3A_244 = arith.constant 1024 : i32
    %eq3A_245 = vector.broadcast %eq3A_244 : i32 to vector<128x1xi32>
    %eq3A_246 = arith.cmpi eq, %broadcast_in_dim3A_187, %eq3A_245 : vector<128x1xi32>
    %select_n3A_247 = arith.select %eq3A_246, %broadcast_in_dim3A_68, %broadcast_in_dim3A_187 : vector<128x1xi1>, vector<128x1xi32>
    %concatenate3A = tpu.concatenate %broadcast_in_dim3A_68, %select_n3A_191, %select_n3A_195, %select_n3A_199, %select_n3A_203, %select_n3A_207, %select_n3A_211, %select_n3A_215, %select_n3A_219, %select_n3A_223, %select_n3A_227, %select_n3A_231, %select_n3A_235, %select_n3A_239, %select_n3A_243, %select_n3A_247 in 1 : vector<128x1xi32>, vector<128x1xi32>, vector<128x1xi32>, vector<128x1xi32>, vector<128x1xi32>, vector<128x1xi32>, vector<128x1xi32>, vector<128x1xi32>, vector<128x1xi32>, vector<128x1xi32>, vector<128x1xi32>, vector<128x1xi32>, vector<128x1xi32>, vector<128x1xi32>, vector<128x1xi32>, vector<128x1xi32> -> vector<128x16xi32>
    %mul3A_248 = arith.constant 1024 : i32
    %mul3A_249 = arith.muli %select_n3A, %mul3A_248 : i32
    %add3A_250 = vector.broadcast %mul3A_249 : i32 to vector<128x16xi32>
    %add3A_251 = arith.addi %concatenate3A, %add3A_250 : vector<128x16xi32>
    %swap3A = arith.constant 0 : index
    %swap3A_252 = arith.constant 0 : index
    %swap3A_253 = arith.constant 0 : index
    %swap3A_254 = vector.load %arg3[%swap3A, %swap3A_252, %swap3A_253] : memref<1x128x16xi32, #tpu.memory_space<vmem>>, vector<1x128x16xi32>
    %swap3A_255 = vector.shape_cast %swap3A_254 : vector<1x128x16xi32> to vector<128x16xi32>
    %swap3A_256 = vector.shape_cast %add3A_251 : vector<128x16xi32> to vector<1x128x16xi32>
    tpu.vector_store %arg3[%swap3A, %swap3A_252, %swap3A_253], %swap3A_256 {strides = array<i32>} : memref<1x128x16xi32, #tpu.memory_space<vmem>>, vector<1x128x16xi32>,
    return
  }
  func.func @transform_0(%arg0: i32) -> (i32, i32, i32) {
    %jit3A = arith.constant 8 : i32
    %div3A = arith.divsi %arg0, %jit3A : i32
    %sign3A = arith.constant 0 : i32
    %sign3A_0 = arith.cmpi sgt, %arg0, %sign3A : i32
    %sign3A_1 = arith.extui %sign3A_0 : i1 to i32
    %sign3A_2 = arith.constant 0 : i32
    %sign3A_3 = arith.cmpi slt, %arg0, %sign3A_2 : i32
    %sign3A_4 = arith.extui %sign3A_3 : i1 to i32
    %sign3A_5 = arith.subi %sign3A_1, %sign3A_4 : i32
    %sign3A_6 = arith.constant 0 : i32
    %sign3A_7 = arith.cmpi sgt, %jit3A, %sign3A_6 : i32
    %sign3A_8 = arith.extui %sign3A_7 : i1 to i32
    %sign3A_9 = arith.constant 0 : i32
    %sign3A_10 = arith.cmpi slt, %jit3A, %sign3A_9 : i32
    %sign3A_11 = arith.extui %sign3A_10 : i1 to i32
    %sign3A_12 = arith.subi %sign3A_8, %sign3A_11 : i32
    %ne3A = arith.cmpi ne, %sign3A_5, %sign3A_12 : i32
    %rem3A = arith.remsi %arg0, %jit3A : i32
    %ne3A_13 = arith.constant 0 : i32
    %ne3A_14 = arith.cmpi ne, %rem3A, %ne3A_13 : i32
    %and3A = arith.andi %ne3A, %ne3A_14 : i1
    %sub3A = arith.constant 1 : i32
    %sub3A_15 = arith.subi %div3A, %sub3A : i32
    %select_n3A = arith.select %and3A, %sub3A_15, %div3A : i32
    %c0_i32 = arith.constant 0 : i32
    %c0_i32_16 = arith.constant 0 : i32
    %c0_i32_17 = arith.constant 0 : i32
    return %select_n3A, %c0_i32, %c0_i32_16 : i32, i32, i32
  }
  func.func @transform_1(%arg0: i32) -> (i32, i32, i32) {
    %jit3A = arith.constant 8 : i32
    %div3A = arith.divsi %arg0, %jit3A : i32
    %sign3A = arith.constant 0 : i32
    %sign3A_0 = arith.cmpi sgt, %arg0, %sign3A : i32
    %sign3A_1 = arith.extui %sign3A_0 : i1 to i32
    %sign3A_2 = arith.constant 0 : i32
    %sign3A_3 = arith.cmpi slt, %arg0, %sign3A_2 : i32
    %sign3A_4 = arith.extui %sign3A_3 : i1 to i32
    %sign3A_5 = arith.subi %sign3A_1, %sign3A_4 : i32
    %sign3A_6 = arith.constant 0 : i32
    %sign3A_7 = arith.cmpi sgt, %jit3A, %sign3A_6 : i32
    %sign3A_8 = arith.extui %sign3A_7 : i1 to i32
    %sign3A_9 = arith.constant 0 : i32
    %sign3A_10 = arith.cmpi slt, %jit3A, %sign3A_9 : i32
    %sign3A_11 = arith.extui %sign3A_10 : i1 to i32
    %sign3A_12 = arith.subi %sign3A_8, %sign3A_11 : i32
    %ne3A = arith.cmpi ne, %sign3A_5, %sign3A_12 : i32
    %rem3A = arith.remsi %arg0, %jit3A : i32
    %ne3A_13 = arith.constant 0 : i32
    %ne3A_14 = arith.cmpi ne, %rem3A, %ne3A_13 : i32
    %and3A = arith.andi %ne3A, %ne3A_14 : i1
    %sub3A = arith.constant 1 : i32
    %sub3A_15 = arith.subi %div3A, %sub3A : i32
    %select_n3A = arith.select %and3A, %sub3A_15, %div3A : i32
    %jit3A_16 = arith.constant 8 : i32
    %eq3A = arith.constant 0 : i32
    %eq3A_17 = arith.cmpi eq, %jit3A_16, %eq3A : i32
    %jit3A_18 = arith.constant 1 : i32
    %select_n3A_19 = arith.select %eq3A_17, %jit3A_18, %jit3A_16 : i32
    %rem3A_20 = arith.remsi %arg0, %select_n3A_19 : i32
    %ne3A_21 = arith.constant 0 : i32
    %ne3A_22 = arith.cmpi ne, %rem3A_20, %ne3A_21 : i32
    %lt3A = arith.constant 0 : i32
    %lt3A_23 = arith.cmpi slt, %rem3A_20, %lt3A : i32
    %lt3A_24 = arith.constant 0 : i32
    %lt3A_25 = arith.cmpi slt, %select_n3A_19, %lt3A_24 : i32
    %ne3A_26 = arith.xori %lt3A_23, %lt3A_25 : i1
    %and3A_27 = arith.andi %ne3A_26, %ne3A_22 : i1
    %add3A = arith.addi %rem3A_20, %select_n3A_19 : i32
    %select_n3A_28 = arith.select %and3A_27, %add3A, %rem3A_20 : i32
    %c0_i32 = arith.constant 0 : i32
    %c0_i32_29 = arith.constant 0 : i32
    return %select_n3A, %select_n3A_28, %c0_i32 : i32, i32, i32
  }
  func.func @transform_2(%arg0: i32) -> (i32, i32, i32) {
    %jit3A = arith.constant 8 : i32
    %div3A = arith.divsi %arg0, %jit3A : i32
    %sign3A = arith.constant 0 : i32
    %sign3A_0 = arith.cmpi sgt, %arg0, %sign3A : i32
    %sign3A_1 = arith.extui %sign3A_0 : i1 to i32
    %sign3A_2 = arith.constant 0 : i32
    %sign3A_3 = arith.cmpi slt, %arg0, %sign3A_2 : i32
    %sign3A_4 = arith.extui %sign3A_3 : i1 to i32
    %sign3A_5 = arith.subi %sign3A_1, %sign3A_4 : i32
    %sign3A_6 = arith.constant 0 : i32
    %sign3A_7 = arith.cmpi sgt, %jit3A, %sign3A_6 : i32
    %sign3A_8 = arith.extui %sign3A_7 : i1 to i32
    %sign3A_9 = arith.constant 0 : i32
    %sign3A_10 = arith.cmpi slt, %jit3A, %sign3A_9 : i32
    %sign3A_11 = arith.extui %sign3A_10 : i1 to i32
    %sign3A_12 = arith.subi %sign3A_8, %sign3A_11 : i32
    %ne3A = arith.cmpi ne, %sign3A_5, %sign3A_12 : i32
    %rem3A = arith.remsi %arg0, %jit3A : i32
    %ne3A_13 = arith.constant 0 : i32
    %ne3A_14 = arith.cmpi ne, %rem3A, %ne3A_13 : i32
    %and3A = arith.andi %ne3A, %ne3A_14 : i1
    %sub3A = arith.constant 1 : i32
    %sub3A_15 = arith.subi %div3A, %sub3A : i32
    %select_n3A = arith.select %and3A, %sub3A_15, %div3A : i32
    %jit3A_16 = arith.constant 8 : i32
    %eq3A = arith.constant 0 : i32
    %eq3A_17 = arith.cmpi eq, %jit3A_16, %eq3A : i32
    %jit3A_18 = arith.constant 1 : i32
    %select_n3A_19 = arith.select %eq3A_17, %jit3A_18, %jit3A_16 : i32
    %rem3A_20 = arith.remsi %arg0, %select_n3A_19 : i32
    %ne3A_21 = arith.constant 0 : i32
    %ne3A_22 = arith.cmpi ne, %rem3A_20, %ne3A_21 : i32
    %lt3A = arith.constant 0 : i32
    %lt3A_23 = arith.cmpi slt, %rem3A_20, %lt3A : i32
    %lt3A_24 = arith.constant 0 : i32
    %lt3A_25 = arith.cmpi slt, %select_n3A_19, %lt3A_24 : i32
    %ne3A_26 = arith.xori %lt3A_23, %lt3A_25 : i1
    %and3A_27 = arith.andi %ne3A_26, %ne3A_22 : i1
    %add3A = arith.addi %rem3A_20, %select_n3A_19 : i32
    %select_n3A_28 = arith.select %and3A_27, %add3A, %rem3A_20 : i32
    %c0_i32 = arith.constant 0 : i32
    %c0_i32_29 = arith.constant 0 : i32
    return %select_n3A, %select_n3A_28, %c0_i32 : i32, i32, i32
  }
}

module attributes {stable_mosaic.version = 14 : i64} {
  func.func @_mlp_body(%arg0: i32, %arg1: memref<1x2048x128xf32, #tpu.memory_space<vmem>>, %arg2: memref<1x128x3xf32, #tpu.memory_space<vmem>>, %arg3: memref<1x128x32xf32, #tpu.memory_space<vmem>>, %arg4: memref<1x3x32xf32, #tpu.memory_space<vmem>>, %arg5: memref<1x1x32xf32, #tpu.memory_space<vmem>>, %arg6: memref<1x32x32xf32, #tpu.memory_space<vmem>>, %arg7: memref<1x1x32xf32, #tpu.memory_space<vmem>>, %arg8: memref<1x32x64xf32, #tpu.memory_space<vmem>>, %arg9: memref<1x1x64xf32, #tpu.memory_space<vmem>>, %arg10: memref<1x128x64xf32, #tpu.memory_space<vmem>>) attributes {dimension_semantics = [#tpu.dimension_semantics<arbitrary>], iteration_bounds = array<i64: 32>, scalar_prefetch = 0 : i64, scratch_operands = 0 : i64, tpu.core_type = #tpu.core_type<tc>, window_params = [{transform_indices = @transform_0, window_bounds = array<i64: 1, 2048, 128>}, {transform_indices = @transform_1, window_bounds = array<i64: 1, 128, 3>}, {transform_indices = @transform_2, window_bounds = array<i64: 1, 128, 32>}, {transform_indices = @transform_3, window_bounds = array<i64: 1, 3, 32>}, {transform_indices = @transform_4, window_bounds = array<i64: 1, 1, 32>}, {transform_indices = @transform_5, window_bounds = array<i64: 1, 32, 32>}, {transform_indices = @transform_6, window_bounds = array<i64: 1, 1, 32>}, {transform_indices = @transform_7, window_bounds = array<i64: 1, 32, 64>}, {transform_indices = @transform_8, window_bounds = array<i64: 1, 1, 64>}, {transform_indices = @transform_9, window_bounds = array<i64: 1, 128, 64>}]} {
    %get3A = arith.constant 0 : index
    %get3A_0 = arith.constant 0 : index
    %get3A_1 = arith.constant 0 : index
    %get3A_2 = vector.load %arg2[%get3A, %get3A_0, %get3A_1] : memref<1x128x3xf32, #tpu.memory_space<vmem>>, vector<1x128x3xf32>
    %get3A_3 = vector.shape_cast %get3A_2 : vector<1x128x3xf32> to vector<128x3xf32>
    %broadcast_in_dim3A = arith.constant 0.000000e+00 : f32
    %broadcast_in_dim3A_4 = vector.broadcast %broadcast_in_dim3A : f32 to vector<128x125xf32>
    %concatenate3A = tpu.concatenate %get3A_3, %broadcast_in_dim3A_4 in 1 : vector<128x3xf32>, vector<128x125xf32> -> vector<128x128xf32>
    %get3A_5 = arith.constant 0 : index
    %get3A_6 = arith.constant 0 : index
    %get3A_7 = arith.constant 0 : index
    %get3A_8 = vector.load %arg1[%get3A_5, %get3A_6, %get3A_7] : memref<1x2048x128xf32, #tpu.memory_space<vmem>>, vector<1x2048x128xf32>
    %get3A_9 = vector.shape_cast %get3A_8 : vector<1x2048x128xf32> to vector<2048x128xf32>
    %reshape3A = vector.shape_cast %get3A_9 : vector<2048x128xf32> to vector<128x16x128xf32>
    %broadcast_in_dim3A_10 = vector.shape_cast %concatenate3A : vector<128x128xf32> to vector<128x1x128xf32>
    %sub3A = vector.broadcast %broadcast_in_dim3A_10 : vector<128x1x128xf32> to vector<128x16x128xf32>
    %sub3A_11 = arith.subf %reshape3A, %sub3A : vector<128x16x128xf32>
    %reshape3A_12 = vector.shape_cast %sub3A_11 : vector<128x16x128xf32> to vector<2048x128xf32>
    %get3A_13 = arith.constant 0 : index
    %get3A_14 = arith.constant 0 : index
    %get3A_15 = arith.constant 0 : index
    %get3A_16 = vector.load %arg3[%get3A_13, %get3A_14, %get3A_15] : memref<1x128x32xf32, #tpu.memory_space<vmem>>, vector<1x128x32xf32>
    %get3A_17 = vector.shape_cast %get3A_16 : vector<1x128x32xf32> to vector<128x32xf32>
    %dot_general3A = arith.constant dense<0.000000e+00> : vector<2048x32xf32>
    %dot_general3A_18 = tpu.matmul %reshape3A_12, %get3A_17, %dot_general3A {dimension_numbers = #tpu.dot_dimension_numbers<[1], [0], [0], [1], [0, 0, 1, 1], [], []>, transpose_lhs_hint = false} : vector<2048x128xf32>, vector<128x32xf32>, vector<2048x32xf32> -> vector<2048x32xf32>
    %get3A_19 = arith.constant 0 : index
    %get3A_20 = arith.constant 0 : index
    %get3A_21 = arith.constant 0 : index
    %get3A_22 = vector.load %arg5[%get3A_19, %get3A_20, %get3A_21] : memref<1x1x32xf32, #tpu.memory_space<vmem>>, vector<1x1x32xf32>
    %get3A_23 = vector.shape_cast %get3A_22 : vector<1x1x32xf32> to vector<1x32xf32>
    %add3A = vector.broadcast %get3A_23 : vector<1x32xf32> to vector<2048x32xf32>
    %add3A_24 = arith.addf %dot_general3A_18, %add3A : vector<2048x32xf32>
    %max3A = arith.constant 0.000000e+00 : f32
    %max3A_25 = vector.broadcast %max3A : f32 to vector<2048x32xf32>
    %max3A_26 = arith.maximumf %add3A_24, %max3A_25 : vector<2048x32xf32>
    %get3A_27 = arith.constant 0 : index
    %get3A_28 = arith.constant 0 : index
    %get3A_29 = arith.constant 0 : index
    %get3A_30 = vector.load %arg6[%get3A_27, %get3A_28, %get3A_29] : memref<1x32x32xf32, #tpu.memory_space<vmem>>, vector<1x32x32xf32>
    %get3A_31 = vector.shape_cast %get3A_30 : vector<1x32x32xf32> to vector<32x32xf32>
    %dot_general3A_32 = arith.constant dense<0.000000e+00> : vector<2048x32xf32>
    %dot_general3A_33 = tpu.matmul %max3A_26, %get3A_31, %dot_general3A_32 {dimension_numbers = #tpu.dot_dimension_numbers<[1], [0], [0], [1], [0, 0, 1, 1], [], []>, transpose_lhs_hint = false} : vector<2048x32xf32>, vector<32x32xf32>, vector<2048x32xf32> -> vector<2048x32xf32>
    %get3A_34 = arith.constant 0 : index
    %get3A_35 = arith.constant 0 : index
    %get3A_36 = arith.constant 0 : index
    %get3A_37 = vector.load %arg7[%get3A_34, %get3A_35, %get3A_36] : memref<1x1x32xf32, #tpu.memory_space<vmem>>, vector<1x1x32xf32>
    %get3A_38 = vector.shape_cast %get3A_37 : vector<1x1x32xf32> to vector<1x32xf32>
    %add3A_39 = vector.broadcast %get3A_38 : vector<1x32xf32> to vector<2048x32xf32>
    %add3A_40 = arith.addf %dot_general3A_33, %add3A_39 : vector<2048x32xf32>
    %max3A_41 = arith.constant 0.000000e+00 : f32
    %max3A_42 = vector.broadcast %max3A_41 : f32 to vector<2048x32xf32>
    %max3A_43 = arith.maximumf %add3A_40, %max3A_42 : vector<2048x32xf32>
    %get3A_44 = arith.constant 0 : index
    %get3A_45 = arith.constant 0 : index
    %get3A_46 = arith.constant 0 : index
    %get3A_47 = vector.load %arg8[%get3A_44, %get3A_45, %get3A_46] : memref<1x32x64xf32, #tpu.memory_space<vmem>>, vector<1x32x64xf32>
    %get3A_48 = vector.shape_cast %get3A_47 : vector<1x32x64xf32> to vector<32x64xf32>
    %dot_general3A_49 = arith.constant dense<0.000000e+00> : vector<2048x64xf32>
    %dot_general3A_50 = tpu.matmul %max3A_43, %get3A_48, %dot_general3A_49 {dimension_numbers = #tpu.dot_dimension_numbers<[1], [0], [0], [1], [0, 0, 1, 1], [], []>, transpose_lhs_hint = false} : vector<2048x32xf32>, vector<32x64xf32>, vector<2048x64xf32> -> vector<2048x64xf32>
    %get3A_51 = arith.constant 0 : index
    %get3A_52 = arith.constant 0 : index
    %get3A_53 = arith.constant 0 : index
    %get3A_54 = vector.load %arg9[%get3A_51, %get3A_52, %get3A_53] : memref<1x1x64xf32, #tpu.memory_space<vmem>>, vector<1x1x64xf32>
    %get3A_55 = vector.shape_cast %get3A_54 : vector<1x1x64xf32> to vector<1x64xf32>
    %add3A_56 = vector.broadcast %get3A_55 : vector<1x64xf32> to vector<2048x64xf32>
    %add3A_57 = arith.addf %dot_general3A_50, %add3A_56 : vector<2048x64xf32>
    %max3A_58 = arith.constant 0.000000e+00 : f32
    %max3A_59 = vector.broadcast %max3A_58 : f32 to vector<2048x64xf32>
    %max3A_60 = arith.maximumf %add3A_57, %max3A_59 : vector<2048x64xf32>
    %reshape3A_61 = vector.shape_cast %max3A_60 : vector<2048x64xf32> to vector<128x16x64xf32>
    %reduce_max3A = arith.constant dense<0xFF800000> : vector<128x64xf32>
    %reduce_max3A_62 = vector.multi_reduction <maximumf>, %reshape3A_61, %reduce_max3A [1] : vector<128x16x64xf32> to vector<128x64xf32>
    %swap3A = arith.constant 0 : index
    %swap3A_63 = arith.constant 0 : index
    %swap3A_64 = arith.constant 0 : index
    %swap3A_65 = vector.load %arg10[%swap3A, %swap3A_63, %swap3A_64] : memref<1x128x64xf32, #tpu.memory_space<vmem>>, vector<1x128x64xf32>
    %swap3A_66 = vector.shape_cast %swap3A_65 : vector<1x128x64xf32> to vector<128x64xf32>
    %swap3A_67 = vector.shape_cast %reduce_max3A_62 : vector<128x64xf32> to vector<1x128x64xf32>
    tpu.vector_store %arg10[%swap3A, %swap3A_63, %swap3A_64], %swap3A_67 {strides = array<i32>} : memref<1x128x64xf32, #tpu.memory_space<vmem>>, vector<1x128x64xf32>,
    return
  }
  func.func @transform_0(%arg0: i32) -> (i32, i32, i32) {
    %c0_i32 = arith.constant 0 : i32
    %c0_i32_0 = arith.constant 0 : i32
    %c0_i32_1 = arith.constant 0 : i32
    return %arg0, %c0_i32, %c0_i32_0 : i32, i32, i32
  }
  func.func @transform_1(%arg0: i32) -> (i32, i32, i32) {
    %c0_i32 = arith.constant 0 : i32
    %c0_i32_0 = arith.constant 0 : i32
    %c0_i32_1 = arith.constant 0 : i32
    return %arg0, %c0_i32, %c0_i32_0 : i32, i32, i32
  }
  func.func @transform_2(%arg0: i32) -> (i32, i32, i32) {
    %jit3A = arith.constant 16 : i32
    %div3A = arith.divsi %arg0, %jit3A : i32
    %sign3A = arith.constant 0 : i32
    %sign3A_0 = arith.cmpi sgt, %arg0, %sign3A : i32
    %sign3A_1 = arith.extui %sign3A_0 : i1 to i32
    %sign3A_2 = arith.constant 0 : i32
    %sign3A_3 = arith.cmpi slt, %arg0, %sign3A_2 : i32
    %sign3A_4 = arith.extui %sign3A_3 : i1 to i32
    %sign3A_5 = arith.subi %sign3A_1, %sign3A_4 : i32
    %sign3A_6 = arith.constant 0 : i32
    %sign3A_7 = arith.cmpi sgt, %jit3A, %sign3A_6 : i32
    %sign3A_8 = arith.extui %sign3A_7 : i1 to i32
    %sign3A_9 = arith.constant 0 : i32
    %sign3A_10 = arith.cmpi slt, %jit3A, %sign3A_9 : i32
    %sign3A_11 = arith.extui %sign3A_10 : i1 to i32
    %sign3A_12 = arith.subi %sign3A_8, %sign3A_11 : i32
    %ne3A = arith.cmpi ne, %sign3A_5, %sign3A_12 : i32
    %rem3A = arith.remsi %arg0, %jit3A : i32
    %ne3A_13 = arith.constant 0 : i32
    %ne3A_14 = arith.cmpi ne, %rem3A, %ne3A_13 : i32
    %and3A = arith.andi %ne3A, %ne3A_14 : i1
    %sub3A = arith.constant 1 : i32
    %sub3A_15 = arith.subi %div3A, %sub3A : i32
    %select_n3A = arith.select %and3A, %sub3A_15, %div3A : i32
    %c0_i32 = arith.constant 0 : i32
    %c0_i32_16 = arith.constant 0 : i32
    %c0_i32_17 = arith.constant 0 : i32
    return %select_n3A, %c0_i32, %c0_i32_16 : i32, i32, i32
  }
  func.func @transform_3(%arg0: i32) -> (i32, i32, i32) {
    %jit3A = arith.constant 16 : i32
    %div3A = arith.divsi %arg0, %jit3A : i32
    %sign3A = arith.constant 0 : i32
    %sign3A_0 = arith.cmpi sgt, %arg0, %sign3A : i32
    %sign3A_1 = arith.extui %sign3A_0 : i1 to i32
    %sign3A_2 = arith.constant 0 : i32
    %sign3A_3 = arith.cmpi slt, %arg0, %sign3A_2 : i32
    %sign3A_4 = arith.extui %sign3A_3 : i1 to i32
    %sign3A_5 = arith.subi %sign3A_1, %sign3A_4 : i32
    %sign3A_6 = arith.constant 0 : i32
    %sign3A_7 = arith.cmpi sgt, %jit3A, %sign3A_6 : i32
    %sign3A_8 = arith.extui %sign3A_7 : i1 to i32
    %sign3A_9 = arith.constant 0 : i32
    %sign3A_10 = arith.cmpi slt, %jit3A, %sign3A_9 : i32
    %sign3A_11 = arith.extui %sign3A_10 : i1 to i32
    %sign3A_12 = arith.subi %sign3A_8, %sign3A_11 : i32
    %ne3A = arith.cmpi ne, %sign3A_5, %sign3A_12 : i32
    %rem3A = arith.remsi %arg0, %jit3A : i32
    %ne3A_13 = arith.constant 0 : i32
    %ne3A_14 = arith.cmpi ne, %rem3A, %ne3A_13 : i32
    %and3A = arith.andi %ne3A, %ne3A_14 : i1
    %sub3A = arith.constant 1 : i32
    %sub3A_15 = arith.subi %div3A, %sub3A : i32
    %select_n3A = arith.select %and3A, %sub3A_15, %div3A : i32
    %c0_i32 = arith.constant 0 : i32
    %c0_i32_16 = arith.constant 0 : i32
    %c0_i32_17 = arith.constant 0 : i32
    return %select_n3A, %c0_i32, %c0_i32_16 : i32, i32, i32
  }
  func.func @transform_4(%arg0: i32) -> (i32, i32, i32) {
    %jit3A = arith.constant 16 : i32
    %div3A = arith.divsi %arg0, %jit3A : i32
    %sign3A = arith.constant 0 : i32
    %sign3A_0 = arith.cmpi sgt, %arg0, %sign3A : i32
    %sign3A_1 = arith.extui %sign3A_0 : i1 to i32
    %sign3A_2 = arith.constant 0 : i32
    %sign3A_3 = arith.cmpi slt, %arg0, %sign3A_2 : i32
    %sign3A_4 = arith.extui %sign3A_3 : i1 to i32
    %sign3A_5 = arith.subi %sign3A_1, %sign3A_4 : i32
    %sign3A_6 = arith.constant 0 : i32
    %sign3A_7 = arith.cmpi sgt, %jit3A, %sign3A_6 : i32
    %sign3A_8 = arith.extui %sign3A_7 : i1 to i32
    %sign3A_9 = arith.constant 0 : i32
    %sign3A_10 = arith.cmpi slt, %jit3A, %sign3A_9 : i32
    %sign3A_11 = arith.extui %sign3A_10 : i1 to i32
    %sign3A_12 = arith.subi %sign3A_8, %sign3A_11 : i32
    %ne3A = arith.cmpi ne, %sign3A_5, %sign3A_12 : i32
    %rem3A = arith.remsi %arg0, %jit3A : i32
    %ne3A_13 = arith.constant 0 : i32
    %ne3A_14 = arith.cmpi ne, %rem3A, %ne3A_13 : i32
    %and3A = arith.andi %ne3A, %ne3A_14 : i1
    %sub3A = arith.constant 1 : i32
    %sub3A_15 = arith.subi %div3A, %sub3A : i32
    %select_n3A = arith.select %and3A, %sub3A_15, %div3A : i32
    %c0_i32 = arith.constant 0 : i32
    %c0_i32_16 = arith.constant 0 : i32
    %c0_i32_17 = arith.constant 0 : i32
    return %select_n3A, %c0_i32, %c0_i32_16 : i32, i32, i32
  }
  func.func @transform_5(%arg0: i32) -> (i32, i32, i32) {
    %jit3A = arith.constant 16 : i32
    %div3A = arith.divsi %arg0, %jit3A : i32
    %sign3A = arith.constant 0 : i32
    %sign3A_0 = arith.cmpi sgt, %arg0, %sign3A : i32
    %sign3A_1 = arith.extui %sign3A_0 : i1 to i32
    %sign3A_2 = arith.constant 0 : i32
    %sign3A_3 = arith.cmpi slt, %arg0, %sign3A_2 : i32
    %sign3A_4 = arith.extui %sign3A_3 : i1 to i32
    %sign3A_5 = arith.subi %sign3A_1, %sign3A_4 : i32
    %sign3A_6 = arith.constant 0 : i32
    %sign3A_7 = arith.cmpi sgt, %jit3A, %sign3A_6 : i32
    %sign3A_8 = arith.extui %sign3A_7 : i1 to i32
    %sign3A_9 = arith.constant 0 : i32
    %sign3A_10 = arith.cmpi slt, %jit3A, %sign3A_9 : i32
    %sign3A_11 = arith.extui %sign3A_10 : i1 to i32
    %sign3A_12 = arith.subi %sign3A_8, %sign3A_11 : i32
    %ne3A = arith.cmpi ne, %sign3A_5, %sign3A_12 : i32
    %rem3A = arith.remsi %arg0, %jit3A : i32
    %ne3A_13 = arith.constant 0 : i32
    %ne3A_14 = arith.cmpi ne, %rem3A, %ne3A_13 : i32
    %and3A = arith.andi %ne3A, %ne3A_14 : i1
    %sub3A = arith.constant 1 : i32
    %sub3A_15 = arith.subi %div3A, %sub3A : i32
    %select_n3A = arith.select %and3A, %sub3A_15, %div3A : i32
    %c0_i32 = arith.constant 0 : i32
    %c0_i32_16 = arith.constant 0 : i32
    %c0_i32_17 = arith.constant 0 : i32
    return %select_n3A, %c0_i32, %c0_i32_16 : i32, i32, i32
  }
  func.func @transform_6(%arg0: i32) -> (i32, i32, i32) {
    %jit3A = arith.constant 16 : i32
    %div3A = arith.divsi %arg0, %jit3A : i32
    %sign3A = arith.constant 0 : i32
    %sign3A_0 = arith.cmpi sgt, %arg0, %sign3A : i32
    %sign3A_1 = arith.extui %sign3A_0 : i1 to i32
    %sign3A_2 = arith.constant 0 : i32
    %sign3A_3 = arith.cmpi slt, %arg0, %sign3A_2 : i32
    %sign3A_4 = arith.extui %sign3A_3 : i1 to i32
    %sign3A_5 = arith.subi %sign3A_1, %sign3A_4 : i32
    %sign3A_6 = arith.constant 0 : i32
    %sign3A_7 = arith.cmpi sgt, %jit3A, %sign3A_6 : i32
    %sign3A_8 = arith.extui %sign3A_7 : i1 to i32
    %sign3A_9 = arith.constant 0 : i32
    %sign3A_10 = arith.cmpi slt, %jit3A, %sign3A_9 : i32
    %sign3A_11 = arith.extui %sign3A_10 : i1 to i32
    %sign3A_12 = arith.subi %sign3A_8, %sign3A_11 : i32
    %ne3A = arith.cmpi ne, %sign3A_5, %sign3A_12 : i32
    %rem3A = arith.remsi %arg0, %jit3A : i32
    %ne3A_13 = arith.constant 0 : i32
    %ne3A_14 = arith.cmpi ne, %rem3A, %ne3A_13 : i32
    %and3A = arith.andi %ne3A, %ne3A_14 : i1
    %sub3A = arith.constant 1 : i32
    %sub3A_15 = arith.subi %div3A, %sub3A : i32
    %select_n3A = arith.select %and3A, %sub3A_15, %div3A : i32
    %c0_i32 = arith.constant 0 : i32
    %c0_i32_16 = arith.constant 0 : i32
    %c0_i32_17 = arith.constant 0 : i32
    return %select_n3A, %c0_i32, %c0_i32_16 : i32, i32, i32
  }
  func.func @transform_7(%arg0: i32) -> (i32, i32, i32) {
    %jit3A = arith.constant 16 : i32
    %div3A = arith.divsi %arg0, %jit3A : i32
    %sign3A = arith.constant 0 : i32
    %sign3A_0 = arith.cmpi sgt, %arg0, %sign3A : i32
    %sign3A_1 = arith.extui %sign3A_0 : i1 to i32
    %sign3A_2 = arith.constant 0 : i32
    %sign3A_3 = arith.cmpi slt, %arg0, %sign3A_2 : i32
    %sign3A_4 = arith.extui %sign3A_3 : i1 to i32
    %sign3A_5 = arith.subi %sign3A_1, %sign3A_4 : i32
    %sign3A_6 = arith.constant 0 : i32
    %sign3A_7 = arith.cmpi sgt, %jit3A, %sign3A_6 : i32
    %sign3A_8 = arith.extui %sign3A_7 : i1 to i32
    %sign3A_9 = arith.constant 0 : i32
    %sign3A_10 = arith.cmpi slt, %jit3A, %sign3A_9 : i32
    %sign3A_11 = arith.extui %sign3A_10 : i1 to i32
    %sign3A_12 = arith.subi %sign3A_8, %sign3A_11 : i32
    %ne3A = arith.cmpi ne, %sign3A_5, %sign3A_12 : i32
    %rem3A = arith.remsi %arg0, %jit3A : i32
    %ne3A_13 = arith.constant 0 : i32
    %ne3A_14 = arith.cmpi ne, %rem3A, %ne3A_13 : i32
    %and3A = arith.andi %ne3A, %ne3A_14 : i1
    %sub3A = arith.constant 1 : i32
    %sub3A_15 = arith.subi %div3A, %sub3A : i32
    %select_n3A = arith.select %and3A, %sub3A_15, %div3A : i32
    %c0_i32 = arith.constant 0 : i32
    %c0_i32_16 = arith.constant 0 : i32
    %c0_i32_17 = arith.constant 0 : i32
    return %select_n3A, %c0_i32, %c0_i32_16 : i32, i32, i32
  }
  func.func @transform_8(%arg0: i32) -> (i32, i32, i32) {
    %jit3A = arith.constant 16 : i32
    %div3A = arith.divsi %arg0, %jit3A : i32
    %sign3A = arith.constant 0 : i32
    %sign3A_0 = arith.cmpi sgt, %arg0, %sign3A : i32
    %sign3A_1 = arith.extui %sign3A_0 : i1 to i32
    %sign3A_2 = arith.constant 0 : i32
    %sign3A_3 = arith.cmpi slt, %arg0, %sign3A_2 : i32
    %sign3A_4 = arith.extui %sign3A_3 : i1 to i32
    %sign3A_5 = arith.subi %sign3A_1, %sign3A_4 : i32
    %sign3A_6 = arith.constant 0 : i32
    %sign3A_7 = arith.cmpi sgt, %jit3A, %sign3A_6 : i32
    %sign3A_8 = arith.extui %sign3A_7 : i1 to i32
    %sign3A_9 = arith.constant 0 : i32
    %sign3A_10 = arith.cmpi slt, %jit3A, %sign3A_9 : i32
    %sign3A_11 = arith.extui %sign3A_10 : i1 to i32
    %sign3A_12 = arith.subi %sign3A_8, %sign3A_11 : i32
    %ne3A = arith.cmpi ne, %sign3A_5, %sign3A_12 : i32
    %rem3A = arith.remsi %arg0, %jit3A : i32
    %ne3A_13 = arith.constant 0 : i32
    %ne3A_14 = arith.cmpi ne, %rem3A, %ne3A_13 : i32
    %and3A = arith.andi %ne3A, %ne3A_14 : i1
    %sub3A = arith.constant 1 : i32
    %sub3A_15 = arith.subi %div3A, %sub3A : i32
    %select_n3A = arith.select %and3A, %sub3A_15, %div3A : i32
    %c0_i32 = arith.constant 0 : i32
    %c0_i32_16 = arith.constant 0 : i32
    %c0_i32_17 = arith.constant 0 : i32
    return %select_n3A, %c0_i32, %c0_i32_16 : i32, i32, i32
  }
  func.func @transform_9(%arg0: i32) -> (i32, i32, i32) {
    %c0_i32 = arith.constant 0 : i32
    %c0_i32_0 = arith.constant 0 : i32
    %c0_i32_1 = arith.constant 0 : i32
    return %arg0, %c0_i32, %c0_i32_0 : i32, i32, i32
  }
}

module attributes {stable_mosaic.version = 14 : i64} {
  func.func @_mlp_body(%arg0: i32, %arg1: memref<1x2048x128xf32, #tpu.memory_space<vmem>>, %arg2: memref<1x128x3xf32, #tpu.memory_space<vmem>>, %arg3: memref<1x128x64xf32, #tpu.memory_space<vmem>>, %arg4: memref<1x3x64xf32, #tpu.memory_space<vmem>>, %arg5: memref<1x1x64xf32, #tpu.memory_space<vmem>>, %arg6: memref<1x64x64xf32, #tpu.memory_space<vmem>>, %arg7: memref<1x1x64xf32, #tpu.memory_space<vmem>>, %arg8: memref<1x64x128xf32, #tpu.memory_space<vmem>>, %arg9: memref<1x1x128xf32, #tpu.memory_space<vmem>>, %arg10: memref<1x128x128xf32, #tpu.memory_space<vmem>>) attributes {dimension_semantics = [#tpu.dimension_semantics<arbitrary>], iteration_bounds = array<i64: 32>, scalar_prefetch = 0 : i64, scratch_operands = 0 : i64, tpu.core_type = #tpu.core_type<tc>, window_params = [{transform_indices = @transform_0, window_bounds = array<i64: 1, 2048, 128>}, {transform_indices = @transform_1, window_bounds = array<i64: 1, 128, 3>}, {transform_indices = @transform_2, window_bounds = array<i64: 1, 128, 64>}, {transform_indices = @transform_3, window_bounds = array<i64: 1, 3, 64>}, {transform_indices = @transform_4, window_bounds = array<i64: 1, 1, 64>}, {transform_indices = @transform_5, window_bounds = array<i64: 1, 64, 64>}, {transform_indices = @transform_6, window_bounds = array<i64: 1, 1, 64>}, {transform_indices = @transform_7, window_bounds = array<i64: 1, 64, 128>}, {transform_indices = @transform_8, window_bounds = array<i64: 1, 1, 128>}, {transform_indices = @transform_9, window_bounds = array<i64: 1, 128, 128>}]} {
    %get3A = arith.constant 0 : index
    %get3A_0 = arith.constant 0 : index
    %get3A_1 = arith.constant 0 : index
    %get3A_2 = vector.load %arg2[%get3A, %get3A_0, %get3A_1] : memref<1x128x3xf32, #tpu.memory_space<vmem>>, vector<1x128x3xf32>
    %get3A_3 = vector.shape_cast %get3A_2 : vector<1x128x3xf32> to vector<128x3xf32>
    %broadcast_in_dim3A = arith.constant 0.000000e+00 : f32
    %broadcast_in_dim3A_4 = vector.broadcast %broadcast_in_dim3A : f32 to vector<128x125xf32>
    %concatenate3A = tpu.concatenate %get3A_3, %broadcast_in_dim3A_4 in 1 : vector<128x3xf32>, vector<128x125xf32> -> vector<128x128xf32>
    %get3A_5 = arith.constant 0 : index
    %get3A_6 = arith.constant 0 : index
    %get3A_7 = arith.constant 0 : index
    %get3A_8 = vector.load %arg1[%get3A_5, %get3A_6, %get3A_7] : memref<1x2048x128xf32, #tpu.memory_space<vmem>>, vector<1x2048x128xf32>
    %get3A_9 = vector.shape_cast %get3A_8 : vector<1x2048x128xf32> to vector<2048x128xf32>
    %reshape3A = vector.shape_cast %get3A_9 : vector<2048x128xf32> to vector<128x16x128xf32>
    %broadcast_in_dim3A_10 = vector.shape_cast %concatenate3A : vector<128x128xf32> to vector<128x1x128xf32>
    %sub3A = vector.broadcast %broadcast_in_dim3A_10 : vector<128x1x128xf32> to vector<128x16x128xf32>
    %sub3A_11 = arith.subf %reshape3A, %sub3A : vector<128x16x128xf32>
    %reshape3A_12 = vector.shape_cast %sub3A_11 : vector<128x16x128xf32> to vector<2048x128xf32>
    %get3A_13 = arith.constant 0 : index
    %get3A_14 = arith.constant 0 : index
    %get3A_15 = arith.constant 0 : index
    %get3A_16 = vector.load %arg3[%get3A_13, %get3A_14, %get3A_15] : memref<1x128x64xf32, #tpu.memory_space<vmem>>, vector<1x128x64xf32>
    %get3A_17 = vector.shape_cast %get3A_16 : vector<1x128x64xf32> to vector<128x64xf32>
    %dot_general3A = arith.constant dense<0.000000e+00> : vector<2048x64xf32>
    %dot_general3A_18 = tpu.matmul %reshape3A_12, %get3A_17, %dot_general3A {dimension_numbers = #tpu.dot_dimension_numbers<[1], [0], [0], [1], [0, 0, 1, 1], [], []>, transpose_lhs_hint = false} : vector<2048x128xf32>, vector<128x64xf32>, vector<2048x64xf32> -> vector<2048x64xf32>
    %get3A_19 = arith.constant 0 : index
    %get3A_20 = arith.constant 0 : index
    %get3A_21 = arith.constant 0 : index
    %get3A_22 = vector.load %arg5[%get3A_19, %get3A_20, %get3A_21] : memref<1x1x64xf32, #tpu.memory_space<vmem>>, vector<1x1x64xf32>
    %get3A_23 = vector.shape_cast %get3A_22 : vector<1x1x64xf32> to vector<1x64xf32>
    %add3A = vector.broadcast %get3A_23 : vector<1x64xf32> to vector<2048x64xf32>
    %add3A_24 = arith.addf %dot_general3A_18, %add3A : vector<2048x64xf32>
    %max3A = arith.constant 0.000000e+00 : f32
    %max3A_25 = vector.broadcast %max3A : f32 to vector<2048x64xf32>
    %max3A_26 = arith.maximumf %add3A_24, %max3A_25 : vector<2048x64xf32>
    %get3A_27 = arith.constant 0 : index
    %get3A_28 = arith.constant 0 : index
    %get3A_29 = arith.constant 0 : index
    %get3A_30 = vector.load %arg6[%get3A_27, %get3A_28, %get3A_29] : memref<1x64x64xf32, #tpu.memory_space<vmem>>, vector<1x64x64xf32>
    %get3A_31 = vector.shape_cast %get3A_30 : vector<1x64x64xf32> to vector<64x64xf32>
    %dot_general3A_32 = arith.constant dense<0.000000e+00> : vector<2048x64xf32>
    %dot_general3A_33 = tpu.matmul %max3A_26, %get3A_31, %dot_general3A_32 {dimension_numbers = #tpu.dot_dimension_numbers<[1], [0], [0], [1], [0, 0, 1, 1], [], []>, transpose_lhs_hint = false} : vector<2048x64xf32>, vector<64x64xf32>, vector<2048x64xf32> -> vector<2048x64xf32>
    %get3A_34 = arith.constant 0 : index
    %get3A_35 = arith.constant 0 : index
    %get3A_36 = arith.constant 0 : index
    %get3A_37 = vector.load %arg7[%get3A_34, %get3A_35, %get3A_36] : memref<1x1x64xf32, #tpu.memory_space<vmem>>, vector<1x1x64xf32>
    %get3A_38 = vector.shape_cast %get3A_37 : vector<1x1x64xf32> to vector<1x64xf32>
    %add3A_39 = vector.broadcast %get3A_38 : vector<1x64xf32> to vector<2048x64xf32>
    %add3A_40 = arith.addf %dot_general3A_33, %add3A_39 : vector<2048x64xf32>
    %max3A_41 = arith.constant 0.000000e+00 : f32
    %max3A_42 = vector.broadcast %max3A_41 : f32 to vector<2048x64xf32>
    %max3A_43 = arith.maximumf %add3A_40, %max3A_42 : vector<2048x64xf32>
    %get3A_44 = arith.constant 0 : index
    %get3A_45 = arith.constant 0 : index
    %get3A_46 = arith.constant 0 : index
    %get3A_47 = vector.load %arg8[%get3A_44, %get3A_45, %get3A_46] : memref<1x64x128xf32, #tpu.memory_space<vmem>>, vector<1x64x128xf32>
    %get3A_48 = vector.shape_cast %get3A_47 : vector<1x64x128xf32> to vector<64x128xf32>
    %dot_general3A_49 = arith.constant dense<0.000000e+00> : vector<2048x128xf32>
    %dot_general3A_50 = tpu.matmul %max3A_43, %get3A_48, %dot_general3A_49 {dimension_numbers = #tpu.dot_dimension_numbers<[1], [0], [0], [1], [0, 0, 1, 1], [], []>, transpose_lhs_hint = false} : vector<2048x64xf32>, vector<64x128xf32>, vector<2048x128xf32> -> vector<2048x128xf32>
    %get3A_51 = arith.constant 0 : index
    %get3A_52 = arith.constant 0 : index
    %get3A_53 = arith.constant 0 : index
    %get3A_54 = vector.load %arg9[%get3A_51, %get3A_52, %get3A_53] : memref<1x1x128xf32, #tpu.memory_space<vmem>>, vector<1x1x128xf32>
    %get3A_55 = vector.shape_cast %get3A_54 : vector<1x1x128xf32> to vector<1x128xf32>
    %add3A_56 = vector.broadcast %get3A_55 : vector<1x128xf32> to vector<2048x128xf32>
    %add3A_57 = arith.addf %dot_general3A_50, %add3A_56 : vector<2048x128xf32>
    %max3A_58 = arith.constant 0.000000e+00 : f32
    %max3A_59 = vector.broadcast %max3A_58 : f32 to vector<2048x128xf32>
    %max3A_60 = arith.maximumf %add3A_57, %max3A_59 : vector<2048x128xf32>
    %reshape3A_61 = vector.shape_cast %max3A_60 : vector<2048x128xf32> to vector<128x16x128xf32>
    %reduce_max3A = arith.constant dense<0xFF800000> : vector<128x128xf32>
    %reduce_max3A_62 = vector.multi_reduction <maximumf>, %reshape3A_61, %reduce_max3A [1] : vector<128x16x128xf32> to vector<128x128xf32>
    %swap3A = arith.constant 0 : index
    %swap3A_63 = arith.constant 0 : index
    %swap3A_64 = arith.constant 0 : index
    %swap3A_65 = vector.load %arg10[%swap3A, %swap3A_63, %swap3A_64] : memref<1x128x128xf32, #tpu.memory_space<vmem>>, vector<1x128x128xf32>
    %swap3A_66 = vector.shape_cast %swap3A_65 : vector<1x128x128xf32> to vector<128x128xf32>
    %swap3A_67 = vector.shape_cast %reduce_max3A_62 : vector<128x128xf32> to vector<1x128x128xf32>
    tpu.vector_store %arg10[%swap3A, %swap3A_63, %swap3A_64], %swap3A_67 {strides = array<i32>} : memref<1x128x128xf32, #tpu.memory_space<vmem>>, vector<1x128x128xf32>,
    return
  }
  func.func @transform_0(%arg0: i32) -> (i32, i32, i32) {
    %c0_i32 = arith.constant 0 : i32
    %c0_i32_0 = arith.constant 0 : i32
    %c0_i32_1 = arith.constant 0 : i32
    return %arg0, %c0_i32, %c0_i32_0 : i32, i32, i32
  }
  func.func @transform_1(%arg0: i32) -> (i32, i32, i32) {
    %c0_i32 = arith.constant 0 : i32
    %c0_i32_0 = arith.constant 0 : i32
    %c0_i32_1 = arith.constant 0 : i32
    return %arg0, %c0_i32, %c0_i32_0 : i32, i32, i32
  }
  func.func @transform_2(%arg0: i32) -> (i32, i32, i32) {
    %jit3A = arith.constant 16 : i32
    %div3A = arith.divsi %arg0, %jit3A : i32
    %sign3A = arith.constant 0 : i32
    %sign3A_0 = arith.cmpi sgt, %arg0, %sign3A : i32
    %sign3A_1 = arith.extui %sign3A_0 : i1 to i32
    %sign3A_2 = arith.constant 0 : i32
    %sign3A_3 = arith.cmpi slt, %arg0, %sign3A_2 : i32
    %sign3A_4 = arith.extui %sign3A_3 : i1 to i32
    %sign3A_5 = arith.subi %sign3A_1, %sign3A_4 : i32
    %sign3A_6 = arith.constant 0 : i32
    %sign3A_7 = arith.cmpi sgt, %jit3A, %sign3A_6 : i32
    %sign3A_8 = arith.extui %sign3A_7 : i1 to i32
    %sign3A_9 = arith.constant 0 : i32
    %sign3A_10 = arith.cmpi slt, %jit3A, %sign3A_9 : i32
    %sign3A_11 = arith.extui %sign3A_10 : i1 to i32
    %sign3A_12 = arith.subi %sign3A_8, %sign3A_11 : i32
    %ne3A = arith.cmpi ne, %sign3A_5, %sign3A_12 : i32
    %rem3A = arith.remsi %arg0, %jit3A : i32
    %ne3A_13 = arith.constant 0 : i32
    %ne3A_14 = arith.cmpi ne, %rem3A, %ne3A_13 : i32
    %and3A = arith.andi %ne3A, %ne3A_14 : i1
    %sub3A = arith.constant 1 : i32
    %sub3A_15 = arith.subi %div3A, %sub3A : i32
    %select_n3A = arith.select %and3A, %sub3A_15, %div3A : i32
    %c0_i32 = arith.constant 0 : i32
    %c0_i32_16 = arith.constant 0 : i32
    %c0_i32_17 = arith.constant 0 : i32
    return %select_n3A, %c0_i32, %c0_i32_16 : i32, i32, i32
  }
  func.func @transform_3(%arg0: i32) -> (i32, i32, i32) {
    %jit3A = arith.constant 16 : i32
    %div3A = arith.divsi %arg0, %jit3A : i32
    %sign3A = arith.constant 0 : i32
    %sign3A_0 = arith.cmpi sgt, %arg0, %sign3A : i32
    %sign3A_1 = arith.extui %sign3A_0 : i1 to i32
    %sign3A_2 = arith.constant 0 : i32
    %sign3A_3 = arith.cmpi slt, %arg0, %sign3A_2 : i32
    %sign3A_4 = arith.extui %sign3A_3 : i1 to i32
    %sign3A_5 = arith.subi %sign3A_1, %sign3A_4 : i32
    %sign3A_6 = arith.constant 0 : i32
    %sign3A_7 = arith.cmpi sgt, %jit3A, %sign3A_6 : i32
    %sign3A_8 = arith.extui %sign3A_7 : i1 to i32
    %sign3A_9 = arith.constant 0 : i32
    %sign3A_10 = arith.cmpi slt, %jit3A, %sign3A_9 : i32
    %sign3A_11 = arith.extui %sign3A_10 : i1 to i32
    %sign3A_12 = arith.subi %sign3A_8, %sign3A_11 : i32
    %ne3A = arith.cmpi ne, %sign3A_5, %sign3A_12 : i32
    %rem3A = arith.remsi %arg0, %jit3A : i32
    %ne3A_13 = arith.constant 0 : i32
    %ne3A_14 = arith.cmpi ne, %rem3A, %ne3A_13 : i32
    %and3A = arith.andi %ne3A, %ne3A_14 : i1
    %sub3A = arith.constant 1 : i32
    %sub3A_15 = arith.subi %div3A, %sub3A : i32
    %select_n3A = arith.select %and3A, %sub3A_15, %div3A : i32
    %c0_i32 = arith.constant 0 : i32
    %c0_i32_16 = arith.constant 0 : i32
    %c0_i32_17 = arith.constant 0 : i32
    return %select_n3A, %c0_i32, %c0_i32_16 : i32, i32, i32
  }
  func.func @transform_4(%arg0: i32) -> (i32, i32, i32) {
    %jit3A = arith.constant 16 : i32
    %div3A = arith.divsi %arg0, %jit3A : i32
    %sign3A = arith.constant 0 : i32
    %sign3A_0 = arith.cmpi sgt, %arg0, %sign3A : i32
    %sign3A_1 = arith.extui %sign3A_0 : i1 to i32
    %sign3A_2 = arith.constant 0 : i32
    %sign3A_3 = arith.cmpi slt, %arg0, %sign3A_2 : i32
    %sign3A_4 = arith.extui %sign3A_3 : i1 to i32
    %sign3A_5 = arith.subi %sign3A_1, %sign3A_4 : i32
    %sign3A_6 = arith.constant 0 : i32
    %sign3A_7 = arith.cmpi sgt, %jit3A, %sign3A_6 : i32
    %sign3A_8 = arith.extui %sign3A_7 : i1 to i32
    %sign3A_9 = arith.constant 0 : i32
    %sign3A_10 = arith.cmpi slt, %jit3A, %sign3A_9 : i32
    %sign3A_11 = arith.extui %sign3A_10 : i1 to i32
    %sign3A_12 = arith.subi %sign3A_8, %sign3A_11 : i32
    %ne3A = arith.cmpi ne, %sign3A_5, %sign3A_12 : i32
    %rem3A = arith.remsi %arg0, %jit3A : i32
    %ne3A_13 = arith.constant 0 : i32
    %ne3A_14 = arith.cmpi ne, %rem3A, %ne3A_13 : i32
    %and3A = arith.andi %ne3A, %ne3A_14 : i1
    %sub3A = arith.constant 1 : i32
    %sub3A_15 = arith.subi %div3A, %sub3A : i32
    %select_n3A = arith.select %and3A, %sub3A_15, %div3A : i32
    %c0_i32 = arith.constant 0 : i32
    %c0_i32_16 = arith.constant 0 : i32
    %c0_i32_17 = arith.constant 0 : i32
    return %select_n3A, %c0_i32, %c0_i32_16 : i32, i32, i32
  }
  func.func @transform_5(%arg0: i32) -> (i32, i32, i32) {
    %jit3A = arith.constant 16 : i32
    %div3A = arith.divsi %arg0, %jit3A : i32
    %sign3A = arith.constant 0 : i32
    %sign3A_0 = arith.cmpi sgt, %arg0, %sign3A : i32
    %sign3A_1 = arith.extui %sign3A_0 : i1 to i32
    %sign3A_2 = arith.constant 0 : i32
    %sign3A_3 = arith.cmpi slt, %arg0, %sign3A_2 : i32
    %sign3A_4 = arith.extui %sign3A_3 : i1 to i32
    %sign3A_5 = arith.subi %sign3A_1, %sign3A_4 : i32
    %sign3A_6 = arith.constant 0 : i32
    %sign3A_7 = arith.cmpi sgt, %jit3A, %sign3A_6 : i32
    %sign3A_8 = arith.extui %sign3A_7 : i1 to i32
    %sign3A_9 = arith.constant 0 : i32
    %sign3A_10 = arith.cmpi slt, %jit3A, %sign3A_9 : i32
    %sign3A_11 = arith.extui %sign3A_10 : i1 to i32
    %sign3A_12 = arith.subi %sign3A_8, %sign3A_11 : i32
    %ne3A = arith.cmpi ne, %sign3A_5, %sign3A_12 : i32
    %rem3A = arith.remsi %arg0, %jit3A : i32
    %ne3A_13 = arith.constant 0 : i32
    %ne3A_14 = arith.cmpi ne, %rem3A, %ne3A_13 : i32
    %and3A = arith.andi %ne3A, %ne3A_14 : i1
    %sub3A = arith.constant 1 : i32
    %sub3A_15 = arith.subi %div3A, %sub3A : i32
    %select_n3A = arith.select %and3A, %sub3A_15, %div3A : i32
    %c0_i32 = arith.constant 0 : i32
    %c0_i32_16 = arith.constant 0 : i32
    %c0_i32_17 = arith.constant 0 : i32
    return %select_n3A, %c0_i32, %c0_i32_16 : i32, i32, i32
  }
  func.func @transform_6(%arg0: i32) -> (i32, i32, i32) {
    %jit3A = arith.constant 16 : i32
    %div3A = arith.divsi %arg0, %jit3A : i32
    %sign3A = arith.constant 0 : i32
    %sign3A_0 = arith.cmpi sgt, %arg0, %sign3A : i32
    %sign3A_1 = arith.extui %sign3A_0 : i1 to i32
    %sign3A_2 = arith.constant 0 : i32
    %sign3A_3 = arith.cmpi slt, %arg0, %sign3A_2 : i32
    %sign3A_4 = arith.extui %sign3A_3 : i1 to i32
    %sign3A_5 = arith.subi %sign3A_1, %sign3A_4 : i32
    %sign3A_6 = arith.constant 0 : i32
    %sign3A_7 = arith.cmpi sgt, %jit3A, %sign3A_6 : i32
    %sign3A_8 = arith.extui %sign3A_7 : i1 to i32
    %sign3A_9 = arith.constant 0 : i32
    %sign3A_10 = arith.cmpi slt, %jit3A, %sign3A_9 : i32
    %sign3A_11 = arith.extui %sign3A_10 : i1 to i32
    %sign3A_12 = arith.subi %sign3A_8, %sign3A_11 : i32
    %ne3A = arith.cmpi ne, %sign3A_5, %sign3A_12 : i32
    %rem3A = arith.remsi %arg0, %jit3A : i32
    %ne3A_13 = arith.constant 0 : i32
    %ne3A_14 = arith.cmpi ne, %rem3A, %ne3A_13 : i32
    %and3A = arith.andi %ne3A, %ne3A_14 : i1
    %sub3A = arith.constant 1 : i32
    %sub3A_15 = arith.subi %div3A, %sub3A : i32
    %select_n3A = arith.select %and3A, %sub3A_15, %div3A : i32
    %c0_i32 = arith.constant 0 : i32
    %c0_i32_16 = arith.constant 0 : i32
    %c0_i32_17 = arith.constant 0 : i32
    return %select_n3A, %c0_i32, %c0_i32_16 : i32, i32, i32
  }
  func.func @transform_7(%arg0: i32) -> (i32, i32, i32) {
    %jit3A = arith.constant 16 : i32
    %div3A = arith.divsi %arg0, %jit3A : i32
    %sign3A = arith.constant 0 : i32
    %sign3A_0 = arith.cmpi sgt, %arg0, %sign3A : i32
    %sign3A_1 = arith.extui %sign3A_0 : i1 to i32
    %sign3A_2 = arith.constant 0 : i32
    %sign3A_3 = arith.cmpi slt, %arg0, %sign3A_2 : i32
    %sign3A_4 = arith.extui %sign3A_3 : i1 to i32
    %sign3A_5 = arith.subi %sign3A_1, %sign3A_4 : i32
    %sign3A_6 = arith.constant 0 : i32
    %sign3A_7 = arith.cmpi sgt, %jit3A, %sign3A_6 : i32
    %sign3A_8 = arith.extui %sign3A_7 : i1 to i32
    %sign3A_9 = arith.constant 0 : i32
    %sign3A_10 = arith.cmpi slt, %jit3A, %sign3A_9 : i32
    %sign3A_11 = arith.extui %sign3A_10 : i1 to i32
    %sign3A_12 = arith.subi %sign3A_8, %sign3A_11 : i32
    %ne3A = arith.cmpi ne, %sign3A_5, %sign3A_12 : i32
    %rem3A = arith.remsi %arg0, %jit3A : i32
    %ne3A_13 = arith.constant 0 : i32
    %ne3A_14 = arith.cmpi ne, %rem3A, %ne3A_13 : i32
    %and3A = arith.andi %ne3A, %ne3A_14 : i1
    %sub3A = arith.constant 1 : i32
    %sub3A_15 = arith.subi %div3A, %sub3A : i32
    %select_n3A = arith.select %and3A, %sub3A_15, %div3A : i32
    %c0_i32 = arith.constant 0 : i32
    %c0_i32_16 = arith.constant 0 : i32
    %c0_i32_17 = arith.constant 0 : i32
    return %select_n3A, %c0_i32, %c0_i32_16 : i32, i32, i32
  }
  func.func @transform_8(%arg0: i32) -> (i32, i32, i32) {
    %jit3A = arith.constant 16 : i32
    %div3A = arith.divsi %arg0, %jit3A : i32
    %sign3A = arith.constant 0 : i32
    %sign3A_0 = arith.cmpi sgt, %arg0, %sign3A : i32
    %sign3A_1 = arith.extui %sign3A_0 : i1 to i32
    %sign3A_2 = arith.constant 0 : i32
    %sign3A_3 = arith.cmpi slt, %arg0, %sign3A_2 : i32
    %sign3A_4 = arith.extui %sign3A_3 : i1 to i32
    %sign3A_5 = arith.subi %sign3A_1, %sign3A_4 : i32
    %sign3A_6 = arith.constant 0 : i32
    %sign3A_7 = arith.cmpi sgt, %jit3A, %sign3A_6 : i32
    %sign3A_8 = arith.extui %sign3A_7 : i1 to i32
    %sign3A_9 = arith.constant 0 : i32
    %sign3A_10 = arith.cmpi slt, %jit3A, %sign3A_9 : i32
    %sign3A_11 = arith.extui %sign3A_10 : i1 to i32
    %sign3A_12 = arith.subi %sign3A_8, %sign3A_11 : i32
    %ne3A = arith.cmpi ne, %sign3A_5, %sign3A_12 : i32
    %rem3A = arith.remsi %arg0, %jit3A : i32
    %ne3A_13 = arith.constant 0 : i32
    %ne3A_14 = arith.cmpi ne, %rem3A, %ne3A_13 : i32
    %and3A = arith.andi %ne3A, %ne3A_14 : i1
    %sub3A = arith.constant 1 : i32
    %sub3A_15 = arith.subi %div3A, %sub3A : i32
    %select_n3A = arith.select %and3A, %sub3A_15, %div3A : i32
    %c0_i32 = arith.constant 0 : i32
    %c0_i32_16 = arith.constant 0 : i32
    %c0_i32_17 = arith.constant 0 : i32
    return %select_n3A, %c0_i32, %c0_i32_16 : i32, i32, i32
  }
  func.func @transform_9(%arg0: i32) -> (i32, i32, i32) {
    %c0_i32 = arith.constant 0 : i32
    %c0_i32_0 = arith.constant 0 : i32
    %c0_i32_1 = arith.constant 0 : i32
    return %arg0, %c0_i32, %c0_i32_0 : i32, i32, i32
  }
}

</mosaic_0001>

<sc_bundles>
// kernel: kernel.10.cloned.1.call-start
scs
__scs_entry_jumppad:
0x0: {  	(pc) =	sbr.rel $0x88, $3  }
0x1: {  	(tag) =	ssettag $0x0;
	lr =	simm.s32 $0x1  }
0x2: {  	[smem:$0x3F87] =	sst lr;
	_ =	strace $0xD0000000  }
0x3: {  	_ = 	snop  }
0x4: {  	_ = 	snop  }
0x5: {  	_ = 	snop  }
0x6: {  	_ = 	snop  }
0x7: {  	_ = 	snop  }
__scs_overlays_trampoline_lowered:
0x8: {  	[smem:$0x3F96] =	sst s0  }
0x9: {  	[smem:$0x3F97] =	sst s1  }
0xa: {  	[smem:$0x3F98] =	sst s2  }
0xb: {  	[smem:$0x3F99] =	sst s3  }
0xc: {  	[smem:$0x3F9A] =	sst s4  }
0xd: {  	[smem:$0x3F9B] =	sst s5  }
0xe: {  	[smem:$0x3F9C] =	sst s6  }
0xf: {  	[smem:$0x3F9D] =	sst s7  }
0x10: {  	[smem:$0x3F9E] =	sst s8  }
0x11: {  	[smem:$0x3F9F] =	sst s9;
	s0 =	simm.s32 @!p0 $0x0  }
0x12: {  	s1 =	sld [smem:$0x3F85];
	s0 =	simm.s32 @p0 $0x1  }
0x13: {  	[smem:$0x3FA0] =	sst s0;
	s0 =	simm.s32 @!p1 $0x0  }
0x14: {  	s2 =	sld [smem:$0x3F84];
	s0 =	simm.s32 @p1 $0x1  }
0x15: {  	[smem:$0x3FA1] =	sst s0;
	s0 =	simm.s32 @!p2 $0x0  }
0x16: {  	s3 =	sld [smem:$0x3FDB];
	s0 =	simm.s32 @p2 $0x1  }
0x17: {  	s4 =	simm.s32 $0x1BF5;
	[smem:$0x3FA3] =	sst s0  }
0x18: {  	s0 =	sld [smem:$0x3F86];
	_ =	swait.ge [sflag:s4], $0x0  }
0x19: {  	s7 =	sld [smem:$0x3F87]  }
0x1a: {  	s8 =	sadd.s32 $0xFFFFE003, lr  }
0x1b: {  	s9 =	sadd.s32 $0xFFFFFEF7, lr;
	s5 =	simm.s32 $0xFFFFFFFF;
	p2 =	slt.u32 s8, $0xFFFFF086  }
0x1c: {  	p1 =	slt.u32 s9, $0xF7A;
	s5 =	simm.s32 @!p2 $0x0  }
0x1d: {  	s5 =	simm.s32 @p1 $0x1;
	p0 =	seq.s32 s7, s2  }
0x1e: {  	s7 =	smul.u32 @!p0 $0xF7A, s2;
	p2 =	seq.s32 @!p0 s5, $0x0  }
0x1f: {  	s9 =	smul.u32 $0xF7A, s1;
	s8 =	simm.s32 @!p0 $0x1BF5;
	p2 =	por !p2, p0  }
0x20: {  	[sflag:s8] =	ssyncset.s32 @!p0 $0xFFFFF086;
	s6 =	sadd.s32 @!p0 s3, s7;
	s7 =	simm.s32 @!p0 $0x108  }
0x21: {  	s3 =	sadd.s32 s3, s9;
	s6 =	sadd.s32 @!p0 $0x88, s6;
	s7 =	simm.s32 @p2 $0x1082  }
0x22: {  	[simem:s7], [sflag:s8] =	dma.local @!p0 [hbm:s6], $0xF7A  }
0x23: {  	s9 =	sor.u32 $0xD0000000, s2;
	s6 =	simm.s32 $0x108;
	_ =	swait.ge @!p0 [sflag:s8], $0x0  }
0x24: {  	s3 =	sadd.s32 $0x88, s3;
	s6 =	simm.s32 @!p1 $0x1082;
	[sflag:s4] =	ssyncset.s32 $0xFFFFF086  }
0x25: {  	[simem:s6], [sflag:s4] =	dma.local [hbm:s3], $0xF7A  }
0x26: {  	[smem:$0x3F87] =	sst s1;
	(tag) =	ssettag s2;
	_ =	strace s9  }
0x27: {  	s1 =	sld [smem:$0x3F97]  }
0x28: {  	s2 =	sld [smem:$0x3F98]  }
0x29: {  	s4 =	sld [smem:$0x3F9A]  }
0x2a: {  	p0 =	seq.s32 s5, $0x0;
	s5 =	sld [smem:$0x3F9B]  }
0x2b: {  	s6 =	sld [smem:$0x3F9C]  }
0x2c: {  	s7 =	sld [smem:$0x3F9D]  }
0x2d: {  	s3 =	simm.s32 $0x108;
	s8 =	sld [smem:$0x3F9E]  }
0x2e: {  	s3 =	simm.s32 @!p0 $0x1082;
	s9 =	sld [smem:$0x3F9F]  }
0x2f: {  	lr =	sadd.s32 s0, s3;
	s0 =	sld [smem:$0x3F96]  }
0x30: {  	s3 =	sld [smem:$0x3F99]  }
0x31: {  	[smem:$0x3FA2] =	sst s10  }
0x32: {  	s10 =	sld [smem:$0x3FA0];
	_ =	sdelay $0x3  }
0x33: {  	p0 =	seq.s32 s10, $0x1;
	s10 =	sld [smem:$0x3FA2];
	_ =	sdelay $0x3  }
0x34: {  	[smem:$0x3FA2] =	sst s10  }
0x35: {  	s10 =	sld [smem:$0x3FA1];
	_ =	sdelay $0x3  }
0x36: {  	p1 =	seq.s32 s10, $0x1;
	s10 =	sld [smem:$0x3FA2];
	_ =	sdelay $0x3  }
0x37: {  	[smem:$0x3FA2] =	sst s10  }
0x38: {  	s10 =	sld [smem:$0x3FA3]  }
0x39: {  	_ = 	snop;
	(pc) =	sbr.ind lr, $3  }
0x3a: {  	_ = 	snop  }
0x3b: {  	_ = 	snop  }
0x3c: {  	p2 =	seq.s32 s10, $0x1;
	s10 =	sld [smem:$0x3FA2]  }
0x3d: {  	_ =	shalt  }
0x3e: {  	_ =	shalt  }
0x3f: {  	_ =	shalt  }
0x40: {  	_ =	shalt  }
0x41: {  	_ =	shalt  }
0x42: {  	_ =	shalt  }
0x43: {  	_ =	shalt  }
0x44: {  	_ =	shalt  }
0x45: {  	_ =	shalt  }
0x46: {  	_ =	shalt  }
0x47: {  	_ =	shalt  }
0x48: {  	_ =	shalt  }
0x49: {  	_ =	shalt  }
0x4a: {  	_ =	shalt  }
0x4b: {  	_ =	shalt  }
0x4c: {  	_ =	shalt  }
0x4d: {  	_ =	shalt  }
0x4e: {  	_ =	shalt  }
0x4f: {  	_ =	shalt  }
0x50: {  	_ =	shalt  }
0x51: {  	_ =	shalt  }
0x52: {  	_ =	shalt  }
0x53: {  	_ =	shalt  }
0x54: {  	_ =	shalt  }
0x55: {  	_ =	shalt  }
0x56: {  	_ =	shalt  }
0x57: {  	_ =	shalt  }
0x58: {  	_ =	shalt  }
0x59: {  	_ =	shalt  }
0x5a: {  	_ =	shalt  }
0x5b: {  	_ =	shalt  }
0x5c: {  	_ =	shalt  }
0x5d: {  	_ =	shalt  }
0x5e: {  	_ =	shalt  }
0x5f: {  	_ =	shalt  }
0x60: {  	_ =	shalt  }
0x61: {  	_ =	shalt  }
0x62: {  	_ =	shalt  }
0x63: {  	_ =	shalt  }
0x64: {  	_ =	shalt  }
0x65: {  	_ =	shalt  }
0x66: {  	_ =	shalt  }
0x67: {  	_ =	shalt  }
0x68: {  	_ =	shalt  }
0x69: {  	_ =	shalt  }
0x6a: {  	_ =	shalt  }
0x6b: {  	_ =	shalt  }
0x6c: {  	_ =	shalt  }
0x6d: {  	_ =	shalt  }
0x6e: {  	_ =	shalt  }
0x6f: {  	_ =	shalt  }
0x70: {  	_ =	shalt  }
0x71: {  	_ =	shalt  }
0x72: {  	_ =	shalt  }
0x73: {  	_ =	shalt  }
0x74: {  	_ =	shalt  }
0x75: {  	_ =	shalt  }
0x76: {  	_ =	shalt  }
0x77: {  	_ =	shalt  }
0x78: {  	_ =	shalt  }
0x79: {  	_ =	shalt  }
0x7a: {  	_ =	shalt  }
0x7b: {  	_ =	shalt  }
0x7c: {  	_ =	shalt  }
0x7d: {  	_ =	shalt  }
0x7e: {  	_ =	shalt  }
0x7f: {  	_ =	shalt  }
0x80: {  	_ =	shalt  }
0x81: {  	_ =	shalt  }
0x82: {  	_ =	shalt  }
0x83: {  	_ =	shalt  }
0x84: {  	_ =	shalt  }
0x85: {  	_ =	shalt  }
0x86: {  	_ =	shalt  }
0x87: {  	_ =	shalt  }
.Lfunc_end0:
.L_simem_size_0:
called_computation_lowered:
.L_overlay_start_0:
0x88: {  	s2 =	sld [smem:$0x3FD9]  }
0x89: {  	s3 =	sld [smem:$0x3FFE];
	_ =	sdelay $0x1  }
0x8a: {  	s1 =	srdreg.scid  }
0x8b: {  	s0 =	sand.u32 $0x1, s1  }
0x8c: {  	s14 =	sshll.u32 s0, $0xA;
	s2 =	sadd.s32 s3, s2  }
0x8d: {  	s2 =	sadd.s32 s2, s14  }
0x8e: {  	[smem:$0x3FAE] =	sst s2  }
0x8f: {  	_ = 	snop  }
0x90: {  	s2 =	sld [smem:$0x3FD0];
	_ =	sdelay $0x2  }
0x91: {  	s15 =	simm.s32 $0xA;
	s4 =	simm.s32 $0x10  }
0x92: {  	[smem:s4], [sflag:s15] =	dma.local [hbm:s2], $0x1  }
0x93: {  	_ =	swait.eq [sflag:s15], $0x1  }
0x94: {  	[sflag:s15] =	ssyncset.done $0x0  }
0x95: {  	[sflag:s15] =	ssyncadd.s32 $0xFFFFFFFF  }
0x96: {  	s16 =	sld [smem:$0x13];
	(tm) =	ssettm $0x1  }
0x97: {  	s17 =	sld [smem:$0x3FFB];
	_ =	sdelay $0x3  }
0x98: {  	_ =	strace s17  }
0x99: {  	s3 =	sld [smem:$0x3FFC];
	_ =	sdelay $0x3  }
0x9a: {  	_ =	strace s3  }
0x9b: {  	s3 =	sld [smem:$0x3FFD];
	_ =	sdelay $0x3  }
0x9c: {  	_ =	strace s3  }
0x9d: {  	_ =	strace $0x8FFFFFFF  }
0x9e: {  	s18 =	sld [smem:$0x3FDB];
	_ =	sdelay $0x1  }
0x9f: {  	s19 =	simm.s32 $_scs_section_size  }
0xa0: {  	s5 =	simm.s32 $_size__tile_overlayer_lowered;
	s6 =	simm.s32 $_tile_overlayer_lowered  }
0xa1: {  	s22 =	simm.s32 $0x1BFF;
	s21 =	sshll.u32 s6, $0x1;
	s3 =	sadd.s32 s19, s18  }
0xa2: {  	s7 =	simm.s32 $0x0;
	s20 =	sshll.u32 s5, $0x1;
	s5 =	sadd.s32 s21, s3  }
0xa3: {  	[timem:s7], [sflag:s22] =	dma.local [hbm:s5], s20  }
0xa4: {  	_ =	swait.ge [sflag:s22], s20  }
0xa5: {  	s4 =	ssub.s32 $0x0, s20;
	[sflag:s22] =	ssyncset.done $0x0  }
0xa6: {  	[sflag:s22] =	ssyncadd.s32 s4;
	_ =	sdelay $0x1  }
0xa7: {  	s23 =	simm.s32 $0x1B8B  }
0xa8: {  	_ =	swait.ge [sflag:s23], $0x1  }
0xa9: {  	[sflag:s23] =	ssyncset.done $0x0  }
0xaa: {  	s25 =	simm.s32 $0x1B8E;
	s24 =	sld [smem:$0x3FFE];
	[sflag:s23] =	ssyncadd.s32 $0xFFFFFFFF  }
0xab: {  	s26 =	simm.s32 $execute0_lowered;
	[smem:$0x3FD2] =	sst s25  }
0xac: {  	s5 =	sshll.u32 s26, $0x1;
	_ =	strace $0x80000046;
	[dreg:$0x1] =	wrdreg $0xFFFFFFFF  }
0xad: {  	s28 =	simm.s32 $_size_execute0_lowered;
	s3 =	sadd.s32 s3, s5;
	[dreg:$0x0] =	wrdreg $0x0  }
0xae: {  	s5 =	sshll.u32 s28, $0x1;
	[dreg:$0x2] =	wrdreg s3  }
0xaf: {  	[dreg:$0x3] =	wrdreg s5  }
0xb0: {  	[dreg:$0x4] =	wrdreg $0xC0  }
0xb1: {  	_ =	task [dreg:s7], $0x5FFFF  }
0xb2: {  	[dreg:$0x1] =	wrdreg $0xFFFFFFFF  }
0xb3: {  	[dreg:$0x0] =	wrdreg $0x60  }
0xb4: {  	[dreg:$0x2] =	wrdreg s24  }
0xb5: {  	[dreg:$0x3] =	wrdreg s16  }
0xb6: {  	[dreg:$0x4] =	wrdreg $0x9  }
0xb7: {  	_ =	task.clear_ibuf [dreg:s7], $0x5FFFF;
	_ =	strace $0x90000046  }
0xb8: {  	s29 =	simm.s32 $0x9;
	_ =	strace $0x80000048  }
0xb9: {  	_ =	swait.ge [sflag:s29], $0x1  }
0xba: {  	[sflag:s29] =	ssyncadd.s32 $0xFFFFFFFF  }
0xbb: {  	_ =	strace $0x90000048  }
0xbc: {  	_ =	sfence  }
0xbd: {  	s30 =	sld [smem:$0x0];
	_ =	sdelay $0x2  }
0xbe: {  	s31 =	sshll.u32 s1, $0xD;
	s1 =	sshrl.u32 s1, $0x2  }
0xbf: {  	s3 =	sand.u32 $0x4000, s31;
	s1 =	sadd.s32 s1, s30  }
0xc0: {  	s0 =	sor.u32 s3, s0;
	s1 =	sshll.u32 s1, $0x11  }
0xc1: {  	s0 =	sor.u32 s1, s0  }
0xc2: {  	s0 =	sadd.s32 $0x8F2B, s0  }
0xc3: {  	[sflag:s0] =	ssyncadd.remote.s32 $0x1  }
0xc4: {  	_ =	sfence.sel $0xFFFF  }
0xc5: {  	[dreg:$0x0] =	wrdreg $0xFFFFFFFF;
	(pc) =	sbr.abs _section_cstart, $3  }
0xc6: {  	[dreg:$0x1] =	wrdreg $0xFFFFFFFF  }
0xc7: {  	_ =	task.clear_ibuf [dreg:s7], $0x2FFFF;
	_ =	strace $0x9FFFFFFF  }
0xc8: {  	(tm) =	ssettm $0x7FFFFFFF  }
0xc9: {  	_ =	shalt  }
tec
execute0_lowered:
.L_overlay_start_1:
0x0: {  	(tag) =	ssettag $0x1  }
0x1: {  	s4 =	rddreg [dreg:$0x0]  }
0x2: {  	s5 =	rddreg [dreg:$0x1]  }
0x3: {  	s0 =	rddreg [dreg:$0x2];
	s2 =	simm.s32 $0x0  }
0x4: {  	s1 =	stileid.u32;
	s3 =	srdreg.scid;
	s11 =	simm.s32 $0x0  }
0x5: {  	[smem:$0x7FF] =	sst s2;
	s6 =	sshll.u32 s1, $0x10;
	s7 =	sand.u32 $0x1, s3  }
0x6: {  	s3 =	sadd.s32 $0x104000, s4;
	s9 =	sshll.u32 s1, $0x9;
	_ =	strace $0x80000047  }
0x7: {  	s6 =	sadd.s32 s6, s4;
	s30 =	ssub.s32 $0x2, s7;
	s10 =	sshll.u32 s7, $0x8  }
0x8: {  	s7 =	sshll.u32 s7, $0xF;
	s8 =	sshrl.u32 s30, $0x1;
	s31 =	sor.u32 s10, s9  }
0x9: {  	s6 =	sadd.s32 s7, s6;
	s7 =	simm.s32 $0x2;
	s9 =	simm.s32 $0x800  }
0xa: {  	s10 =	simm.s32 $0x1;
	s8 =	ssub.s32 s30, s8;
	s4 =	sadd.s32 s5, s31  }
0xb: {  	s6 =	sadd.s32 $0x4000, s6;
	s5 =	smax.u32 s8, $0x1;
	s8 =	simm.s32 $0x80  }
.LBB2_1:
0xc: {  	[tilespmem:s2], [sflag:$0x2] =	stream.linear.gather [hbm4b:s4+s2], $0x800, $0x38;
	[tilespmem:$0x4800] =	vst v63  }
0xd: {  	_ =	swait.ge [sflag:s7], $0x800  }
0xe: {  	[sflag:s7] =	ssyncset.done $0x0  }
0xf: {  	s12 =	simm.s32 $0x0;
	[sflag:s7] =	ssyncadd.s32 $0xFFFFF800  }
0x10: {  	[tilespmem:s9], [sflag:$0x1] =	stream.indirect.gather [hbm4b:s3+s8], $0x80, s12, s8, $0xb8;
	[tilespmem:$0x4800] =	vst v63  }
0x11: {  	_ =	swait.ge [sflag:s10], $0x4000  }
0x12: {  	[sflag:s10] =	ssyncset.done $0x0  }
0x13: {  	[sflag:s10] =	ssyncadd.s32 $0xFFFFC000  }
0x14: {  	[hbm4b:s6+s2] =	stream.linear.scatter [tilespmem:s9], [sflag:$0x2], $0x4000, $0x38;
	[tilespmem:$0x4800] =	vst v63  }
0x15: {  	s13 =	simm.s32 $0x200;
	_ =	swait.ge [sflag:s7], $0x4000  }
0x16: {  	s14 =	simm.s32 $0x400;
	s12 =	sadd.s32 $0x800, s6;
	[sflag:s7] =	ssyncset.done $0x0  }
.LBB2_2:
0x17: {  	s15 =	sshra.s32 s13, $0x2  }
0x18: {  	[sflag:s7] =	ssyncadd.s32 $0xFFFFC000;
	s13 =	smov.u32 s14;
	s16 =	sadd.s32 $0x200, s14  }
0x19: {  	[tilespmem:s9], [sflag:$0x1] =	stream.indirect.gather [hbm4b:s3+s8], $0x80, s15, s8, $0xb8;
	[tilespmem:$0x4800] =	vst v63  }
0x1a: {  	p0 =	sne.s32 s14, $0x1E00;
	_ =	swait.ge [sflag:s10], $0x4000  }
.Ltmp0:
0x1b: {  	[sflag:s10] =	ssyncset.done $0x0;
	(pc) =	sbr.rel @p0 .LBB2_2-.Ltmp0, $4  }
0x1c: {  	[sflag:s10] =	ssyncadd.s32 $0xFFFFC000  }
0x1d: {  	[hbm4b:s12+s2] =	stream.linear.scatter [tilespmem:s9], [sflag:$0x2], $0x4000, $0x38;
	[tilespmem:$0x4800] =	vst v63  }
0x1e: {  	_ =	swait.ge [sflag:s7], $0x4000  }
0x1f: {  	s14 =	smov.u32 s16;
	s12 =	sadd.s32 $0x800, s12;
	[sflag:s7] =	ssyncset.done $0x0  }
0x20: {  	s13 =	sshra.s32 s13, $0x2;
	[sflag:s7] =	ssyncadd.s32 $0xFFFFC000  }
0x21: {  	[tilespmem:s9], [sflag:$0x1] =	stream.indirect.gather [hbm4b:s3+s8], $0x80, s13, s8, $0xb8;
	[tilespmem:$0x4800] =	vst v63  }
0x22: {  	s11 =	sadd.s32 $0x1, s11;
	_ =	swait.ge [sflag:s10], $0x4000  }
0x23: {  	p0 =	sne.s32 s11, s5;
	[sflag:s10] =	ssyncset.done $0x0  }
.Ltmp1:
0x24: {  	[sflag:s10] =	ssyncadd.s32 $0xFFFFC000;
	(pc) =	sbr.rel @p0 .LBB2_1-.Ltmp1, $4  }
0x25: {  	[hbm4b:s12+s2] =	stream.linear.scatter [tilespmem:s9], [sflag:$0x2], $0x4000, $0x38;
	[tilespmem:$0x4800] =	vst v63  }
0x26: {  	_ =	swait.ge [sflag:s7], $0x4000  }
0x27: {  	[sflag:s7] =	ssyncset.done $0x0  }
0x28: {  	[sflag:s7] =	ssyncadd.s32 $0xFFFFC000  }
0x29: {  	_ =	sfence.sel $0x180000  }
0x2a: {  	[bflag:$0x0] =	sbarrier.arrive $0xFFFF  }
0x2b: {  	p0 =	sne.s32 s1, $0x0;
	_ =	strace $0x90000047  }
0x2c: {  	s0 =	sadd.s32 @!p0 $0x100000, s0;
	[bflag:$0x2] =	sbarrier.arrive $0xFFFF  }
0x2d: {  	[sflag:s0] =	ssyncadd.tile.s32 @!p0 $0x1;
	_ =	shalt  }
.Lfunc_end2:
_tile_overlayer_lowered:
.L_overlay_start_2:
0x2e: {  	(tag) =	ssettag $0x2  }
0x2f: {  	s0 =	rddreg [dreg:$0x0];
	s2 =	stileid.u32  }
0x30: {  	s1 =	rddreg [dreg:$0x1];
	p0 =	sne.s32 s2, $0x0  }
0x31: {  	s3 =	rddreg [dreg:$0x2];
	[bflag:$0x3] =	sbarrier.arrive $0xFFFF;
	s2 =	simm.s32 @!p0 $0x1C02  }
0x32: {  	[timem:s3], [sflag:s2] =	dma.local @!p0 [hbm:s0], s1  }
0x33: {  	s0 =	simm.s32 @!p0 $0x2  }
0x34: {  	_ =	swait.ge @!p0 [sflag:s0], s1  }
0x35: {  	s1 =	ssub.s32 @!p0 $0x0, s1;
	[sflag:s0] =	ssyncset.done @!p0 $0x0  }
0x36: {  	[sflag:s0] =	ssyncadd.s32 @!p0 s1  }
0x37: {  	[bflag:$0x3] =	sbarrier.arrive $0xFFFF  }
0x38: {  	_ =	shalt  }

// kernel: kernel.13.cloned.1.call-start
scs
__scs_entry_jumppad:
0x0: {  	(pc) =	sbr.rel $0x88, $3  }
0x1: {  	(tag) =	ssettag $0x0;
	lr =	simm.s32 $0x1  }
0x2: {  	[smem:$0x3F87] =	sst lr;
	_ =	strace $0xD0000000  }
0x3: {  	_ = 	snop  }
0x4: {  	_ = 	snop  }
0x5: {  	_ = 	snop  }
0x6: {  	_ = 	snop  }
0x7: {  	_ = 	snop  }
__scs_overlays_trampoline_lowered:
0x8: {  	[smem:$0x3F96] =	sst s0  }
0x9: {  	[smem:$0x3F97] =	sst s1  }
0xa: {  	[smem:$0x3F98] =	sst s2  }
0xb: {  	[smem:$0x3F99] =	sst s3  }
0xc: {  	[smem:$0x3F9A] =	sst s4  }
0xd: {  	[smem:$0x3F9B] =	sst s5  }
0xe: {  	[smem:$0x3F9C] =	sst s6  }
0xf: {  	[smem:$0x3F9D] =	sst s7  }
0x10: {  	[smem:$0x3F9E] =	sst s8  }
0x11: {  	[smem:$0x3F9F] =	sst s9;
	s0 =	simm.s32 @!p0 $0x0  }
0x12: {  	s1 =	sld [smem:$0x3F85];
	s0 =	simm.s32 @p0 $0x1  }
0x13: {  	[smem:$0x3FA0] =	sst s0;
	s0 =	simm.s32 @!p1 $0x0  }
0x14: {  	s2 =	sld [smem:$0x3F84];
	s0 =	simm.s32 @p1 $0x1  }
0x15: {  	[smem:$0x3FA1] =	sst s0;
	s0 =	simm.s32 @!p2 $0x0  }
0x16: {  	s3 =	sld [smem:$0x3FDB];
	s0 =	simm.s32 @p2 $0x1  }
0x17: {  	s4 =	simm.s32 $0x1BF5;
	[smem:$0x3FA3] =	sst s0  }
0x18: {  	s0 =	sld [smem:$0x3F86];
	_ =	swait.ge [sflag:s4], $0x0  }
0x19: {  	s7 =	sld [smem:$0x3F87]  }
0x1a: {  	s8 =	sadd.s32 $0xFFFFE003, lr  }
0x1b: {  	s9 =	sadd.s32 $0xFFFFFEF7, lr;
	s5 =	simm.s32 $0xFFFFFFFF;
	p2 =	slt.u32 s8, $0xFFFFF086  }
0x1c: {  	p1 =	slt.u32 s9, $0xF7A;
	s5 =	simm.s32 @!p2 $0x0  }
0x1d: {  	s5 =	simm.s32 @p1 $0x1;
	p0 =	seq.s32 s7, s2  }
0x1e: {  	s7 =	smul.u32 @!p0 $0xF7A, s2;
	p2 =	seq.s32 @!p0 s5, $0x0  }
0x1f: {  	s9 =	smul.u32 $0xF7A, s1;
	s8 =	simm.s32 @!p0 $0x1BF5;
	p2 =	por !p2, p0  }
0x20: {  	[sflag:s8] =	ssyncset.s32 @!p0 $0xFFFFF086;
	s6 =	sadd.s32 @!p0 s3, s7;
	s7 =	simm.s32 @!p0 $0x108  }
0x21: {  	s3 =	sadd.s32 s3, s9;
	s6 =	sadd.s32 @!p0 $0x88, s6;
	s7 =	simm.s32 @p2 $0x1082  }
0x22: {  	[simem:s7], [sflag:s8] =	dma.local @!p0 [hbm:s6], $0xF7A  }
0x23: {  	s9 =	sor.u32 $0xD0000000, s2;
	s6 =	simm.s32 $0x108;
	_ =	swait.ge @!p0 [sflag:s8], $0x0  }
0x24: {  	s3 =	sadd.s32 $0x88, s3;
	s6 =	simm.s32 @!p1 $0x1082;
	[sflag:s4] =	ssyncset.s32 $0xFFFFF086  }
0x25: {  	[simem:s6], [sflag:s4] =	dma.local [hbm:s3], $0xF7A  }
0x26: {  	[smem:$0x3F87] =	sst s1;
	(tag) =	ssettag s2;
	_ =	strace s9  }
0x27: {  	s1 =	sld [smem:$0x3F97]  }
0x28: {  	s2 =	sld [smem:$0x3F98]  }
0x29: {  	s4 =	sld [smem:$0x3F9A]  }
0x2a: {  	p0 =	seq.s32 s5, $0x0;
	s5 =	sld [smem:$0x3F9B]  }
0x2b: {  	s6 =	sld [smem:$0x3F9C]  }
0x2c: {  	s7 =	sld [smem:$0x3F9D]  }
0x2d: {  	s3 =	simm.s32 $0x108;
	s8 =	sld [smem:$0x3F9E]  }
0x2e: {  	s3 =	simm.s32 @!p0 $0x1082;
	s9 =	sld [smem:$0x3F9F]  }
0x2f: {  	lr =	sadd.s32 s0, s3;
	s0 =	sld [smem:$0x3F96]  }
0x30: {  	s3 =	sld [smem:$0x3F99]  }
0x31: {  	[smem:$0x3FA2] =	sst s10  }
0x32: {  	s10 =	sld [smem:$0x3FA0];
	_ =	sdelay $0x3  }
0x33: {  	p0 =	seq.s32 s10, $0x1;
	s10 =	sld [smem:$0x3FA2];
	_ =	sdelay $0x3  }
0x34: {  	[smem:$0x3FA2] =	sst s10  }
0x35: {  	s10 =	sld [smem:$0x3FA1];
	_ =	sdelay $0x3  }
0x36: {  	p1 =	seq.s32 s10, $0x1;
	s10 =	sld [smem:$0x3FA2];
	_ =	sdelay $0x3  }
0x37: {  	[smem:$0x3FA2] =	sst s10  }
0x38: {  	s10 =	sld [smem:$0x3FA3]  }
0x39: {  	_ = 	snop;
	(pc) =	sbr.ind lr, $3  }
0x3a: {  	_ = 	snop  }
0x3b: {  	_ = 	snop  }
0x3c: {  	p2 =	seq.s32 s10, $0x1;
	s10 =	sld [smem:$0x3FA2]  }
0x3d: {  	_ =	shalt  }
0x3e: {  	_ =	shalt  }
0x3f: {  	_ =	shalt  }
0x40: {  	_ =	shalt  }
0x41: {  	_ =	shalt  }
0x42: {  	_ =	shalt  }
0x43: {  	_ =	shalt  }
0x44: {  	_ =	shalt  }
0x45: {  	_ =	shalt  }
0x46: {  	_ =	shalt  }
0x47: {  	_ =	shalt  }
0x48: {  	_ =	shalt  }
0x49: {  	_ =	shalt  }
0x4a: {  	_ =	shalt  }
0x4b: {  	_ =	shalt  }
0x4c: {  	_ =	shalt  }
0x4d: {  	_ =	shalt  }
0x4e: {  	_ =	shalt  }
0x4f: {  	_ =	shalt  }
0x50: {  	_ =	shalt  }
0x51: {  	_ =	shalt  }
0x52: {  	_ =	shalt  }
0x53: {  	_ =	shalt  }
0x54: {  	_ =	shalt  }
0x55: {  	_ =	shalt  }
0x56: {  	_ =	shalt  }
0x57: {  	_ =	shalt  }
0x58: {  	_ =	shalt  }
0x59: {  	_ =	shalt  }
0x5a: {  	_ =	shalt  }
0x5b: {  	_ =	shalt  }
0x5c: {  	_ =	shalt  }
0x5d: {  	_ =	shalt  }
0x5e: {  	_ =	shalt  }
0x5f: {  	_ =	shalt  }
0x60: {  	_ =	shalt  }
0x61: {  	_ =	shalt  }
0x62: {  	_ =	shalt  }
0x63: {  	_ =	shalt  }
0x64: {  	_ =	shalt  }
0x65: {  	_ =	shalt  }
0x66: {  	_ =	shalt  }
0x67: {  	_ =	shalt  }
0x68: {  	_ =	shalt  }
0x69: {  	_ =	shalt  }
0x6a: {  	_ =	shalt  }
0x6b: {  	_ =	shalt  }
0x6c: {  	_ =	shalt  }
0x6d: {  	_ =	shalt  }
0x6e: {  	_ =	shalt  }
0x6f: {  	_ =	shalt  }
0x70: {  	_ =	shalt  }
0x71: {  	_ =	shalt  }
0x72: {  	_ =	shalt  }
0x73: {  	_ =	shalt  }
0x74: {  	_ =	shalt  }
0x75: {  	_ =	shalt  }
0x76: {  	_ =	shalt  }
0x77: {  	_ =	shalt  }
0x78: {  	_ =	shalt  }
0x79: {  	_ =	shalt  }
0x7a: {  	_ =	shalt  }
0x7b: {  	_ =	shalt  }
0x7c: {  	_ =	shalt  }
0x7d: {  	_ =	shalt  }
0x7e: {  	_ =	shalt  }
0x7f: {  	_ =	shalt  }
0x80: {  	_ =	shalt  }
0x81: {  	_ =	shalt  }
0x82: {  	_ =	shalt  }
0x83: {  	_ =	shalt  }
0x84: {  	_ =	shalt  }
0x85: {  	_ =	shalt  }
0x86: {  	_ =	shalt  }
0x87: {  	_ =	shalt  }
.Lfunc_end0:
.L_simem_size_0:
called_computation.1_lowered:
.L_overlay_start_0:
0x88: {  	s2 =	sld [smem:$0x3FD9]  }
0x89: {  	s3 =	sld [smem:$0x3FFE];
	_ =	sdelay $0x1  }
0x8a: {  	s1 =	srdreg.scid  }
0x8b: {  	s0 =	sand.u32 $0x1, s1  }
0x8c: {  	s14 =	sshll.u32 s0, $0xA;
	s2 =	sadd.s32 s3, s2  }
0x8d: {  	s2 =	sadd.s32 s2, s14  }
0x8e: {  	[smem:$0x3FAE] =	sst s2  }
0x8f: {  	_ = 	snop  }
0x90: {  	s2 =	sld [smem:$0x3FD0];
	_ =	sdelay $0x2  }
0x91: {  	s15 =	simm.s32 $0xA;
	s4 =	simm.s32 $0x10  }
0x92: {  	[smem:s4], [sflag:s15] =	dma.local [hbm:s2], $0x1  }
0x93: {  	_ =	swait.eq [sflag:s15], $0x1  }
0x94: {  	[sflag:s15] =	ssyncset.done $0x0  }
0x95: {  	[sflag:s15] =	ssyncadd.s32 $0xFFFFFFFF  }
0x96: {  	s16 =	sld [smem:$0x11];
	(tm) =	ssettm $0x1  }
0x97: {  	s17 =	sld [smem:$0x3FFB];
	_ =	sdelay $0x3  }
0x98: {  	_ =	strace s17  }
0x99: {  	s3 =	sld [smem:$0x3FFC];
	_ =	sdelay $0x3  }
0x9a: {  	_ =	strace s3  }
0x9b: {  	s3 =	sld [smem:$0x3FFD];
	_ =	sdelay $0x3  }
0x9c: {  	_ =	strace s3  }
0x9d: {  	_ =	strace $0x8FFFFFFF  }
0x9e: {  	s18 =	sld [smem:$0x3FDB];
	_ =	sdelay $0x1  }
0x9f: {  	s19 =	simm.s32 $_scs_section_size  }
0xa0: {  	s5 =	simm.s32 $_size__tile_overlayer_lowered;
	s6 =	simm.s32 $_tile_overlayer_lowered  }
0xa1: {  	s22 =	simm.s32 $0x1BFF;
	s21 =	sshll.u32 s6, $0x1;
	s3 =	sadd.s32 s19, s18  }
0xa2: {  	s7 =	simm.s32 $0x0;
	s20 =	sshll.u32 s5, $0x1;
	s5 =	sadd.s32 s21, s3  }
0xa3: {  	[timem:s7], [sflag:s22] =	dma.local [hbm:s5], s20  }
0xa4: {  	_ =	swait.ge [sflag:s22], s20  }
0xa5: {  	s4 =	ssub.s32 $0x0, s20;
	[sflag:s22] =	ssyncset.done $0x0  }
0xa6: {  	[sflag:s22] =	ssyncadd.s32 s4;
	_ =	sdelay $0x1  }
0xa7: {  	s23 =	simm.s32 $0x1B8B  }
0xa8: {  	_ =	swait.ge [sflag:s23], $0x1  }
0xa9: {  	[sflag:s23] =	ssyncset.done $0x0  }
0xaa: {  	s25 =	simm.s32 $0x1B8E;
	s24 =	sld [smem:$0x3FFE];
	[sflag:s23] =	ssyncadd.s32 $0xFFFFFFFF  }
0xab: {  	s26 =	simm.s32 $execute0_lowered;
	[smem:$0x3FD2] =	sst s25  }
0xac: {  	s5 =	sshll.u32 s26, $0x1;
	_ =	strace $0x80000049;
	[dreg:$0x1] =	wrdreg $0xFFFFFFFF  }
0xad: {  	s28 =	simm.s32 $_size_execute0_lowered;
	s3 =	sadd.s32 s3, s5;
	[dreg:$0x0] =	wrdreg $0x0  }
0xae: {  	s5 =	sshll.u32 s28, $0x1;
	[dreg:$0x2] =	wrdreg s3  }
0xaf: {  	[dreg:$0x3] =	wrdreg s5  }
0xb0: {  	[dreg:$0x4] =	wrdreg $0xC0  }
0xb1: {  	_ =	task [dreg:s7], $0x5FFFF  }
0xb2: {  	[dreg:$0x1] =	wrdreg $0xFFFFFFFF  }
0xb3: {  	[dreg:$0x0] =	wrdreg $0x60  }
0xb4: {  	[dreg:$0x2] =	wrdreg s24  }
0xb5: {  	[dreg:$0x3] =	wrdreg s16  }
0xb6: {  	[dreg:$0x4] =	wrdreg $0x9  }
0xb7: {  	_ =	task.clear_ibuf [dreg:s7], $0x5FFFF;
	_ =	strace $0x90000049  }
0xb8: {  	s29 =	simm.s32 $0x9;
	_ =	strace $0x8000004B  }
0xb9: {  	_ =	swait.ge [sflag:s29], $0x1  }
0xba: {  	[sflag:s29] =	ssyncadd.s32 $0xFFFFFFFF  }
0xbb: {  	_ =	strace $0x9000004B  }
0xbc: {  	_ =	sfence  }
0xbd: {  	s30 =	sld [smem:$0x0];
	_ =	sdelay $0x2  }
0xbe: {  	s31 =	sshll.u32 s1, $0xD;
	s1 =	sshrl.u32 s1, $0x2  }
0xbf: {  	s3 =	sand.u32 $0x4000, s31;
	s1 =	sadd.s32 s1, s30  }
0xc0: {  	s0 =	sor.u32 s3, s0;
	s1 =	sshll.u32 s1, $0x11  }
0xc1: {  	s0 =	sor.u32 s1, s0  }
0xc2: {  	s0 =	sadd.s32 $0x8F2B, s0  }
0xc3: {  	[sflag:s0] =	ssyncadd.remote.s32 $0x1  }
0xc4: {  	_ =	sfence.sel $0xFFFF  }
0xc5: {  	[dreg:$0x0] =	wrdreg $0xFFFFFFFF;
	(pc) =	sbr.abs _section_cstart, $3  }
0xc6: {  	[dreg:$0x1] =	wrdreg $0xFFFFFFFF  }
0xc7: {  	_ =	task.clear_ibuf [dreg:s7], $0x2FFFF;
	_ =	strace $0x9FFFFFFF  }
0xc8: {  	(tm) =	ssettm $0x7FFFFFFF  }
0xc9: {  	_ =	shalt  }
tec
execute0_lowered:
.L_overlay_start_1:
0x0: {  	(tag) =	ssettag $0x1  }
0x1: {  	s4 =	rddreg [dreg:$0x0]  }
0x2: {  	s5 =	rddreg [dreg:$0x1]  }
0x3: {  	s0 =	rddreg [dreg:$0x2];
	s2 =	simm.s32 $0x0  }
0x4: {  	s1 =	stileid.u32;
	s3 =	srdreg.scid;
	s11 =	simm.s32 $0x0  }
0x5: {  	[smem:$0x7FF] =	sst s2;
	s6 =	sshll.u32 s1, $0x10;
	s7 =	sand.u32 $0x1, s3  }
0x6: {  	s3 =	sadd.s32 $0x4000, s4;
	s9 =	sshll.u32 s1, $0x9;
	_ =	strace $0x8000004A  }
0x7: {  	s6 =	sadd.s32 s6, s4;
	s30 =	ssub.s32 $0x2, s7;
	s10 =	sshll.u32 s7, $0x8  }
0x8: {  	s7 =	sshll.u32 s7, $0xF;
	s8 =	sshrl.u32 s30, $0x1;
	s31 =	sor.u32 s10, s9  }
0x9: {  	s6 =	sadd.s32 s7, s6;
	s7 =	simm.s32 $0x2;
	s9 =	simm.s32 $0x800  }
0xa: {  	s10 =	simm.s32 $0x1;
	s8 =	ssub.s32 s30, s8;
	s4 =	sadd.s32 s5, s31  }
0xb: {  	s6 =	sadd.s32 $0x14000, s6;
	s5 =	smax.u32 s8, $0x1;
	s8 =	simm.s32 $0x80  }
.LBB2_1:
0xc: {  	[tilespmem:s2], [sflag:$0x2] =	stream.linear.gather [hbm4b:s4+s2], $0x800, $0x38;
	[tilespmem:$0x4800] =	vst v63  }
0xd: {  	_ =	swait.ge [sflag:s7], $0x800  }
0xe: {  	[sflag:s7] =	ssyncset.done $0x0  }
0xf: {  	s12 =	simm.s32 $0x0;
	[sflag:s7] =	ssyncadd.s32 $0xFFFFF800  }
0x10: {  	[tilespmem:s9], [sflag:$0x1] =	stream.indirect.gather [hbm4b:s3+s8], $0x80, s12, s8, $0xb8;
	[tilespmem:$0x4800] =	vst v63  }
0x11: {  	_ =	swait.ge [sflag:s10], $0x4000  }
0x12: {  	[sflag:s10] =	ssyncset.done $0x0  }
0x13: {  	[sflag:s10] =	ssyncadd.s32 $0xFFFFC000  }
0x14: {  	[hbm4b:s6+s2] =	stream.linear.scatter [tilespmem:s9], [sflag:$0x2], $0x4000, $0x38;
	[tilespmem:$0x4800] =	vst v63  }
0x15: {  	s13 =	simm.s32 $0x200;
	_ =	swait.ge [sflag:s7], $0x4000  }
0x16: {  	s14 =	simm.s32 $0x400;
	s12 =	sadd.s32 $0x800, s6;
	[sflag:s7] =	ssyncset.done $0x0  }
.LBB2_2:
0x17: {  	s15 =	sshra.s32 s13, $0x2  }
0x18: {  	[sflag:s7] =	ssyncadd.s32 $0xFFFFC000;
	s13 =	smov.u32 s14;
	s16 =	sadd.s32 $0x200, s14  }
0x19: {  	[tilespmem:s9], [sflag:$0x1] =	stream.indirect.gather [hbm4b:s3+s8], $0x80, s15, s8, $0xb8;
	[tilespmem:$0x4800] =	vst v63  }
0x1a: {  	p0 =	sne.s32 s14, $0x1E00;
	_ =	swait.ge [sflag:s10], $0x4000  }
.Ltmp0:
0x1b: {  	[sflag:s10] =	ssyncset.done $0x0;
	(pc) =	sbr.rel @p0 .LBB2_2-.Ltmp0, $4  }
0x1c: {  	[sflag:s10] =	ssyncadd.s32 $0xFFFFC000  }
0x1d: {  	[hbm4b:s12+s2] =	stream.linear.scatter [tilespmem:s9], [sflag:$0x2], $0x4000, $0x38;
	[tilespmem:$0x4800] =	vst v63  }
0x1e: {  	_ =	swait.ge [sflag:s7], $0x4000  }
0x1f: {  	s14 =	smov.u32 s16;
	s12 =	sadd.s32 $0x800, s12;
	[sflag:s7] =	ssyncset.done $0x0  }
0x20: {  	s13 =	sshra.s32 s13, $0x2;
	[sflag:s7] =	ssyncadd.s32 $0xFFFFC000  }
0x21: {  	[tilespmem:s9], [sflag:$0x1] =	stream.indirect.gather [hbm4b:s3+s8], $0x80, s13, s8, $0xb8;
	[tilespmem:$0x4800] =	vst v63  }
0x22: {  	s11 =	sadd.s32 $0x1, s11;
	_ =	swait.ge [sflag:s10], $0x4000  }
0x23: {  	p0 =	sne.s32 s11, s5;
	[sflag:s10] =	ssyncset.done $0x0  }
.Ltmp1:
0x24: {  	[sflag:s10] =	ssyncadd.s32 $0xFFFFC000;
	(pc) =	sbr.rel @p0 .LBB2_1-.Ltmp1, $4  }
0x25: {  	[hbm4b:s12+s2] =	stream.linear.scatter [tilespmem:s9], [sflag:$0x2], $0x4000, $0x38;
	[tilespmem:$0x4800] =	vst v63  }
0x26: {  	_ =	swait.ge [sflag:s7], $0x4000  }
0x27: {  	[sflag:s7] =	ssyncset.done $0x0  }
0x28: {  	[sflag:s7] =	ssyncadd.s32 $0xFFFFC000  }
0x29: {  	_ =	sfence.sel $0x180000  }
0x2a: {  	[bflag:$0x0] =	sbarrier.arrive $0xFFFF  }
0x2b: {  	p0 =	sne.s32 s1, $0x0;
	_ =	strace $0x9000004A  }
0x2c: {  	s0 =	sadd.s32 @!p0 $0x100000, s0;
	[bflag:$0x2] =	sbarrier.arrive $0xFFFF  }
0x2d: {  	[sflag:s0] =	ssyncadd.tile.s32 @!p0 $0x1;
	_ =	shalt  }
.Lfunc_end2:
_tile_overlayer_lowered:
.L_overlay_start_2:
0x2e: {  	(tag) =	ssettag $0x2  }
0x2f: {  	s0 =	rddreg [dreg:$0x0];
	s2 =	stileid.u32  }
0x30: {  	s1 =	rddreg [dreg:$0x1];
	p0 =	sne.s32 s2, $0x0  }
0x31: {  	s3 =	rddreg [dreg:$0x2];
	[bflag:$0x3] =	sbarrier.arrive $0xFFFF;
	s2 =	simm.s32 @!p0 $0x1C02  }
0x32: {  	[timem:s3], [sflag:s2] =	dma.local @!p0 [hbm:s0], s1  }
0x33: {  	s0 =	simm.s32 @!p0 $0x2  }
0x34: {  	_ =	swait.ge @!p0 [sflag:s0], s1  }
0x35: {  	s1 =	ssub.s32 @!p0 $0x0, s1;
	[sflag:s0] =	ssyncset.done @!p0 $0x0  }
0x36: {  	[sflag:s0] =	ssyncadd.s32 @!p0 s1  }
0x37: {  	[bflag:$0x3] =	sbarrier.arrive $0xFFFF  }
0x38: {  	_ =	shalt  }

</sc_bundles>
